<compile_context>
chip_gen: v7x
topology: tpu7x:2x2x1
jax: 0.10.2.dev20260603
libtpu: 0.0.44.dev20260713+nightly
codegen_flags: <defaults>
</compile_context>

<pallas_src>
import functools
import math

import jax
import jax.numpy as jnp
from jax import lax
from jax.experimental import pallas as pl
from jax.experimental.pallas import tpu as pltpu
from jax.experimental.pallas import tpu_sc as plsc

VOCAB = 1000000
SEQ = 2048
DIM = 64
B = 4

NC = 2
NS = 16
LANES = 16
NW = NC * NS
TOK_PER_W = B * SEQ // NW
CHUNKS_PER_SEQ = SEQ // TOK_PER_W
TCOL = 128
NBUF = 8
N_STEPS = TOK_PER_W // NBUF

_SCALE = math.sqrt(DIM)


def _emb_body(idx_hbm, tokT_hbm, posT_hbm, outT_hbm, idx_v, col_buf, gath_v,
              pos_v, gsems, psem):
    wid = lax.axis_index("s") * NC + lax.axis_index("c")
    b = wid // CHUNKS_PER_SEQ
    s0 = lax.rem(wid, CHUNKS_PER_SEQ) * TOK_PER_W

    pltpu.sync_copy(idx_hbm.at[b, pl.ds(s0, TOK_PER_W)],
                    idx_v.at[pl.ds(0, TOK_PER_W)])

    pcopy = pltpu.async_copy(posT_hbm.at[:, pl.ds(s0, TOK_PER_W)], pos_v,
                             psem)

    lanes_i = lax.iota(jnp.int32, LANES)

    def _col_off(r):
        return pl.multiple_of((r >> 7) << 7, TCOL)

    def _fire(slot, r):
        pltpu.async_copy(tokT_hbm.at[:, pl.ds(_col_off(r), TCOL)],
                         col_buf.at[slot], gsems.at[slot])

    idx_vec0 = idx_v[pl.ds(0, LANES)]
    for j in range(NBUF):
        _fire(j, idx_vec0[j])
    pcopy.wait()

    def _consume(i, j, idx_vec):
        t = i * NBUF + j
        r = idx_vec[j]
        pltpu.make_async_copy(tokT_hbm.at[:, pl.ds(0, TCOL)],
                              col_buf.at[j], gsems.at[j]).wait()
        rm_v = jnp.full((LANES,), r & (TCOL - 1), dtype=jnp.int32)
        t_v = jnp.full((LANES,), t, dtype=jnp.int32)
        for g in range(DIM // LANES):
            ch = lanes_i + g * LANES
            vals = plsc.load_gather(col_buf.at[j], [ch, rm_v])
            pvals = plsc.load_gather(pos_v, [ch, t_v])
            plsc.store_scatter(gath_v, [ch, t_v], (vals + pvals) * _SCALE)

    def step(i, carry):
        idx_vec = idx_v[pl.ds(i * NBUF, 2 * NBUF)]
        for j in range(NBUF):
            _consume(i, j, idx_vec)
            _fire(j, idx_vec[NBUF + j])
        return carry

    lax.fori_loop(0, N_STEPS - 1, step, 0)
    idx_vec_last = idx_v[pl.ds((N_STEPS - 1) * NBUF, 2 * NBUF)]
    for j in range(NBUF):
        _consume(N_STEPS - 1, j, idx_vec_last)

    pltpu.sync_copy(gath_v, outT_hbm.at[b, :, pl.ds(s0, TOK_PER_W)])


@functools.partial(jax.jit, static_argnames=())
def kernel(x_bs, tok_weight, pos_weight):
    tokT = tok_weight.T
    posT = pos_weight.T
    mesh = plsc.VectorSubcoreMesh(core_axis_name="c", subcore_axis_name="s",
                                  num_cores=NC, num_subcores=NS)
    outT = pl.kernel(
        _emb_body,
        out_type=jax.ShapeDtypeStruct((B, DIM, SEQ), jnp.float32),
        mesh=mesh,
        scratch_types=[
            pltpu.VMEM((TOK_PER_W + 2 * NBUF,), jnp.int32),
            pltpu.VMEM((NBUF, DIM, TCOL), jnp.float32),
            pltpu.VMEM((DIM, TOK_PER_W), jnp.float32),
            pltpu.VMEM((DIM, TOK_PER_W), jnp.float32),
            pltpu.SemaphoreType.DMA((NBUF,)),
            pltpu.SemaphoreType.DMA,
        ],
        compiler_params=pltpu.CompilerParams(needs_layout_passes=False),
        name="input_embedding_sc",
    )(x_bs, tokT, posT)
    return outT.transpose(0, 2, 1)

# --- scband reference (transcript-rebuilt; emitter-appended) ---
"""Pipeline reference for scband-input-embedding-4088808866198 (READ-ONLY COPY).

The authoritative reference and input builder live on the scoring server;
editing this copy changes nothing except your own understanding.
"""

import jax, jax.numpy as jnp
import numpy as np
import math

VOCAB = 1000000
SEQ = 2048
DIM = 64
B = 4

def setup_inputs(seed: int = 0) -> dict:
    key = jax.random.key(seed)
    k1, k2, k3 = jax.random.split(key, 3)
    x_bs = jax.random.randint(k1, (B, SEQ), 0, VOCAB, dtype=jnp.int64 if jax.config.read('jax_enable_x64') else jnp.int32).astype(jnp.int32)
    std = 1.0 / math.sqrt(DIM)
    tok_weight = jax.random.normal(k2, (VOCAB, DIM), dtype=jnp.float32) * std
    pos_weight = jax.random.normal(k3, (SEQ, DIM), dtype=jnp.float32) * std
    return {"x_bs": x_bs, "tok_weight": tok_weight, "pos_weight": pos_weight}

def reference(x_bs, tok_weight, pos_weight):
    scale = math.sqrt(DIM)
    x_bsd_tok = jnp.take(tok_weight, x_bs, axis=0)          # [B,S,D] gather
    pos_idx = jnp.arange(SEQ, dtype=jnp.int32)
    x_sd_pos = jnp.take(pos_weight, pos_idx, axis=0)        # [S,D]
    x_1sd_pos = x_sd_pos[None, :, :]                        # [1,S,D]
    y_bsd = scale * (x_bsd_tok + x_1sd_pos)
    return y_bsd

if __name__ == "__main__":
    import jax
    _d = setup_inputs()
    print(jax.jit(kernel)(*tuple(_d.values())))

</pallas_src>

<mosaic_0001>
#map = affine_map<(d0, d1) -> (0, 0)>
#map1 = affine_map<(d0, d1) -> (0, 0, 0)>
module attributes {stable_mosaic.version = 14 : i64} {
  func.func @input_embedding_sc(%arg0: i32, %arg1: i32, %arg2: memref<4x2048xi32, #tpu.memory_space<hbm>>, %arg3: memref<64x1000000xf32, #tpu.memory_space<hbm>>, %arg4: memref<64x2048xf32, #tpu.memory_space<hbm>>, %arg5: memref<4x64x2048xf32, #tpu.memory_space<hbm>>, %arg6: memref<272xi32, #tpu.memory_space<vmem>>, %arg7: memref<8x64x128xf32, #tpu.memory_space<vmem>>, %arg8: memref<64x256xf32, #tpu.memory_space<vmem>>, %arg9: memref<64x256xf32, #tpu.memory_space<vmem>>, %arg10: memref<8x!tpu.dma_semaphore, #tpu.memory_space<semaphore_mem>>, %arg11: memref<!tpu.dma_semaphore, #tpu.memory_space<semaphore_mem>>) attributes {dimension_semantics = [#tpu.dimension_semantics<core_parallel>, #tpu.dimension_semantics<subcore_parallel>], iteration_bounds = array<i64: 2, 16>, scalar_prefetch = 0 : i64, scratch_operands = 6 : i64, tpu.core_type = #tpu.core_type<sc_vector_subcore>, window_params = [{transform_indices = #map}, {transform_indices = #map}, {transform_indices = #map}, {transform_indices = #map1}]} {
    %mul3A = arith.constant 2 : i32
    %mul3A_0 = arith.muli %arg1, %mul3A : i32
    %add3A = arith.addi %mul3A_0, %arg0 : i32
    %jit3A = arith.constant 8 : i32
    %div3A = arith.divsi %add3A, %jit3A : i32
    %sign3A = arith.constant 0 : i32
    %sign3A_1 = arith.cmpi sgt, %add3A, %sign3A : i32
    %sign3A_2 = arith.extui %sign3A_1 : i1 to i32
    %sign3A_3 = arith.constant 0 : i32
    %sign3A_4 = arith.cmpi slt, %add3A, %sign3A_3 : i32
    %sign3A_5 = arith.extui %sign3A_4 : i1 to i32
    %sign3A_6 = arith.subi %sign3A_2, %sign3A_5 : i32
    %sign3A_7 = arith.constant 0 : i32
    %sign3A_8 = arith.cmpi sgt, %jit3A, %sign3A_7 : i32
    %sign3A_9 = arith.extui %sign3A_8 : i1 to i32
    %sign3A_10 = arith.constant 0 : i32
    %sign3A_11 = arith.cmpi slt, %jit3A, %sign3A_10 : i32
    %sign3A_12 = arith.extui %sign3A_11 : i1 to i32
    %sign3A_13 = arith.subi %sign3A_9, %sign3A_12 : i32
    %ne3A = arith.cmpi ne, %sign3A_6, %sign3A_13 : i32
    %rem3A = arith.remsi %add3A, %jit3A : i32
    %ne3A_14 = arith.constant 0 : i32
    %ne3A_15 = arith.cmpi ne, %rem3A, %ne3A_14 : i32
    %and3A = arith.andi %ne3A, %ne3A_15 : i1
    %sub3A = arith.constant 1 : i32
    %sub3A_16 = arith.subi %div3A, %sub3A : i32
    %select_n3A = arith.select %and3A, %sub3A_16, %div3A : i32
    %rem3A_17 = arith.constant 8 : i32
    %rem3A_18 = arith.remsi %add3A, %rem3A_17 : i32
    %mul3A_19 = arith.constant 256 : i32
    %mul3A_20 = arith.muli %rem3A_18, %mul3A_19 : i32
    "tpu.region"() ({
      %run_scoped3A = tpu.sem_alloc : memref<!tpu.dma_semaphore, #tpu.memory_space<semaphore_mem>>
      %dma_start3A_860 = arith.constant 0 : i32
      %dma_start3A_861 = tpu.memref_slice %arg6[%dma_start3A_860] : memref<272xi32, #tpu.memory_space<vmem>> -> memref<256xi32, #tpu.memory_space<vmem>>
      %dma_start3A_862 = tpu.memref_slice %arg2[%select_n3A, %mul3A_20] : memref<4x2048xi32, #tpu.memory_space<hbm>> -> memref<1x256xi32, #tpu.memory_space<hbm>>
      %dma_start3A_863 = tpu.memref_squeeze %dma_start3A_862 : memref<1x256xi32, #tpu.memory_space<hbm>> -> memref<256xi32, #tpu.memory_space<hbm>>
      %dma_start3A_864 = arith.constant 0 : i32
      %dma_start3A_865 = tpu.memref_slice %arg6[%dma_start3A_864] : memref<272xi32, #tpu.memory_space<vmem>> -> memref<256xi32, #tpu.memory_space<vmem>>
      %dma_start3A_866 = tpu.memref_slice %arg2[%select_n3A, %mul3A_20] : memref<4x2048xi32, #tpu.memory_space<hbm>> -> memref<1x256xi32, #tpu.memory_space<hbm>>
      %dma_start3A_867 = tpu.memref_squeeze %dma_start3A_866 : memref<1x256xi32, #tpu.memory_space<hbm>> -> memref<256xi32, #tpu.memory_space<hbm>>
      tpu.enqueue_dma source(%dma_start3A_867 : memref<256xi32, #tpu.memory_space<hbm>>) target(%dma_start3A_865 : memref<256xi32, #tpu.memory_space<vmem>>) target_semaphore(%run_scoped3A : memref<!tpu.dma_semaphore, #tpu.memory_space<semaphore_mem>>)
      %dma_wait3A_868 = arith.constant 0 : i32
      %dma_wait3A_869 = tpu.memref_slice %arg6[%dma_wait3A_868] : memref<272xi32, #tpu.memory_space<vmem>> -> memref<256xi32, #tpu.memory_space<vmem>>
      %dma_wait3A_870 = tpu.memref_slice %arg2[%select_n3A, %mul3A_20] : memref<4x2048xi32, #tpu.memory_space<hbm>> -> memref<1x256xi32, #tpu.memory_space<hbm>>
      %dma_wait3A_871 = tpu.memref_squeeze %dma_wait3A_870 : memref<1x256xi32, #tpu.memory_space<hbm>> -> memref<256xi32, #tpu.memory_space<hbm>>
      %dma_wait3A_872 = arith.constant 0 : i32
      %dma_wait3A_873 = tpu.memref_slice %arg6[%dma_wait3A_872] : memref<272xi32, #tpu.memory_space<vmem>> -> memref<256xi32, #tpu.memory_space<vmem>>
      %dma_wait3A_874 = tpu.memref_slice %arg2[%select_n3A, %mul3A_20] : memref<4x2048xi32, #tpu.memory_space<hbm>> -> memref<1x256xi32, #tpu.memory_space<hbm>>
      %dma_wait3A_875 = tpu.memref_squeeze %dma_wait3A_874 : memref<1x256xi32, #tpu.memory_space<hbm>> -> memref<256xi32, #tpu.memory_space<hbm>>
      tpu.wait_dma2 semaphore(%run_scoped3A : memref<!tpu.dma_semaphore, #tpu.memory_space<semaphore_mem>>) src(%dma_wait3A_875 : memref<256xi32, #tpu.memory_space<hbm>>) dst(%dma_wait3A_873 : memref<256xi32, #tpu.memory_space<vmem>>)
      tpu.yield
    }) : () -> ()
    %dma_start3A = arith.constant 0 : i32
    %dma_start3A_21 = tpu.memref_slice %arg4[%dma_start3A, %mul3A_20] : memref<64x2048xf32, #tpu.memory_space<hbm>> -> memref<64x256xf32, #tpu.memory_space<hbm>>
    %dma_start3A_22 = arith.constant 0 : i32
    %dma_start3A_23 = tpu.memref_slice %arg4[%dma_start3A_22, %mul3A_20] : memref<64x2048xf32, #tpu.memory_space<hbm>> -> memref<64x256xf32, #tpu.memory_space<hbm>>
    tpu.enqueue_dma source(%dma_start3A_23 : memref<64x256xf32, #tpu.memory_space<hbm>>) target(%arg9 : memref<64x256xf32, #tpu.memory_space<vmem>>) target_semaphore(%arg11 : memref<!tpu.dma_semaphore, #tpu.memory_space<semaphore_mem>>)
    %iota3A = tpu.iota {dimensions = array<i32: 0>} : vector<16xi32>
    %get3A = arith.constant 0 : index
    %get3A_24 = tpu.vector_load %arg6[%get3A] {strides = array<i32>} : memref<272xi32, #tpu.memory_space<vmem>>, vector<16xi32>,
    %slice3A = vector.extract_strided_slice %get3A_24 {offsets = [0], sizes = [1], strides = [1]} : vector<16xi32> to vector<1xi32>
    %squeeze3A = vector.extract %slice3A[0] : i32 from vector<1xi32>
    %shift_right_arithmetic3A = arith.constant 7 : i32
    %shift_right_arithmetic3A_25 = arith.shrsi %squeeze3A, %shift_right_arithmetic3A : i32
    %shift_left3A = arith.constant 7 : i32
    %shift_left3A_26 = arith.shli %shift_right_arithmetic3A_25, %shift_left3A : i32
    %multiple_of3A = tpu.assume_multiple %shift_left3A_26, 128 : i32
    %dma_start3A_27 = arith.constant 0 : i32
    %dma_start3A_28 = arith.constant 0 : i32
    %dma_start3A_29 = arith.constant 0 : i32
    %dma_start3A_30 = arith.constant 0 : i32
    %dma_start3A_31 = tpu.memref_slice %arg7[%dma_start3A_27, %dma_start3A_29, %dma_start3A_30] : memref<8x64x128xf32, #tpu.memory_space<vmem>> -> memref<1x64x128xf32, #tpu.memory_space<vmem>>
    %dma_start3A_32 = tpu.memref_squeeze %dma_start3A_31 : memref<1x64x128xf32, #tpu.memory_space<vmem>> -> memref<64x128xf32, #tpu.memory_space<vmem>>
    %dma_start3A_33 = arith.constant 0 : i32
    %dma_start3A_34 = tpu.memref_slice %arg3[%dma_start3A_33, %multiple_of3A] : memref<64x1000000xf32, #tpu.memory_space<hbm>> -> memref<64x128xf32, #tpu.memory_space<hbm>>
    %dma_start3A_35 = tpu.memref_slice %arg10[%dma_start3A_28] : memref<8x!tpu.dma_semaphore, #tpu.memory_space<semaphore_mem>> -> memref<1x!tpu.dma_semaphore, #tpu.memory_space<semaphore_mem>>
    %dma_start3A_36 = tpu.memref_squeeze %dma_start3A_35 : memref<1x!tpu.dma_semaphore, #tpu.memory_space<semaphore_mem>> -> memref<!tpu.dma_semaphore, #tpu.memory_space<semaphore_mem>>
    %dma_start3A_37 = arith.constant 0 : i32
    %dma_start3A_38 = arith.constant 0 : i32
    %dma_start3A_39 = tpu.memref_slice %arg7[%dma_start3A_27, %dma_start3A_37, %dma_start3A_38] : memref<8x64x128xf32, #tpu.memory_space<vmem>> -> memref<1x64x128xf32, #tpu.memory_space<vmem>>
    %dma_start3A_40 = tpu.memref_squeeze %dma_start3A_39 : memref<1x64x128xf32, #tpu.memory_space<vmem>> -> memref<64x128xf32, #tpu.memory_space<vmem>>
    %dma_start3A_41 = arith.constant 0 : i32
    %dma_start3A_42 = tpu.memref_slice %arg3[%dma_start3A_41, %multiple_of3A] : memref<64x1000000xf32, #tpu.memory_space<hbm>> -> memref<64x128xf32, #tpu.memory_space<hbm>>
    tpu.enqueue_dma source(%dma_start3A_42 : memref<64x128xf32, #tpu.memory_space<hbm>>) target(%dma_start3A_40 : memref<64x128xf32, #tpu.memory_space<vmem>>) target_semaphore(%dma_start3A_36 : memref<!tpu.dma_semaphore, #tpu.memory_space<semaphore_mem>>)
    %slice3A_43 = vector.extract_strided_slice %get3A_24 {offsets = [1], sizes = [1], strides = [1]} : vector<16xi32> to vector<1xi32>
    %squeeze3A_44 = vector.extract %slice3A_43[0] : i32 from vector<1xi32>
    %shift_right_arithmetic3A_45 = arith.constant 7 : i32
    %shift_right_arithmetic3A_46 = arith.shrsi %squeeze3A_44, %shift_right_arithmetic3A_45 : i32
    %shift_left3A_47 = arith.constant 7 : i32
    %shift_left3A_48 = arith.shli %shift_right_arithmetic3A_46, %shift_left3A_47 : i32
    %multiple_of3A_49 = tpu.assume_multiple %shift_left3A_48, 128 : i32
    %dma_start3A_50 = arith.constant 1 : i32
    %dma_start3A_51 = arith.constant 1 : i32
    %dma_start3A_52 = arith.constant 0 : i32
    %dma_start3A_53 = arith.constant 0 : i32
    %dma_start3A_54 = tpu.memref_slice %arg7[%dma_start3A_50, %dma_start3A_52, %dma_start3A_53] : memref<8x64x128xf32, #tpu.memory_space<vmem>> -> memref<1x64x128xf32, #tpu.memory_space<vmem>>
    %dma_start3A_55 = tpu.memref_squeeze %dma_start3A_54 : memref<1x64x128xf32, #tpu.memory_space<vmem>> -> memref<64x128xf32, #tpu.memory_space<vmem>>
    %dma_start3A_56 = arith.constant 0 : i32
    %dma_start3A_57 = tpu.memref_slice %arg3[%dma_start3A_56, %multiple_of3A_49] : memref<64x1000000xf32, #tpu.memory_space<hbm>> -> memref<64x128xf32, #tpu.memory_space<hbm>>
    %dma_start3A_58 = tpu.memref_slice %arg10[%dma_start3A_51] : memref<8x!tpu.dma_semaphore, #tpu.memory_space<semaphore_mem>> -> memref<1x!tpu.dma_semaphore, #tpu.memory_space<semaphore_mem>>
    %dma_start3A_59 = tpu.memref_squeeze %dma_start3A_58 : memref<1x!tpu.dma_semaphore, #tpu.memory_space<semaphore_mem>> -> memref<!tpu.dma_semaphore, #tpu.memory_space<semaphore_mem>>
    %dma_start3A_60 = arith.constant 0 : i32
    %dma_start3A_61 = arith.constant 0 : i32
    %dma_start3A_62 = tpu.memref_slice %arg7[%dma_start3A_50, %dma_start3A_60, %dma_start3A_61] : memref<8x64x128xf32, #tpu.memory_space<vmem>> -> memref<1x64x128xf32, #tpu.memory_space<vmem>>
    %dma_start3A_63 = tpu.memref_squeeze %dma_start3A_62 : memref<1x64x128xf32, #tpu.memory_space<vmem>> -> memref<64x128xf32, #tpu.memory_space<vmem>>
    %dma_start3A_64 = arith.constant 0 : i32
    %dma_start3A_65 = tpu.memref_slice %arg3[%dma_start3A_64, %multiple_of3A_49] : memref<64x1000000xf32, #tpu.memory_space<hbm>> -> memref<64x128xf32, #tpu.memory_space<hbm>>
    tpu.enqueue_dma source(%dma_start3A_65 : memref<64x128xf32, #tpu.memory_space<hbm>>) target(%dma_start3A_63 : memref<64x128xf32, #tpu.memory_space<vmem>>) target_semaphore(%dma_start3A_59 : memref<!tpu.dma_semaphore, #tpu.memory_space<semaphore_mem>>)
    %slice3A_66 = vector.extract_strided_slice %get3A_24 {offsets = [2], sizes = [1], strides = [1]} : vector<16xi32> to vector<1xi32>
    %squeeze3A_67 = vector.extract %slice3A_66[0] : i32 from vector<1xi32>
    %shift_right_arithmetic3A_68 = arith.constant 7 : i32
    %shift_right_arithmetic3A_69 = arith.shrsi %squeeze3A_67, %shift_right_arithmetic3A_68 : i32
    %shift_left3A_70 = arith.constant 7 : i32
    %shift_left3A_71 = arith.shli %shift_right_arithmetic3A_69, %shift_left3A_70 : i32
    %multiple_of3A_72 = tpu.assume_multiple %shift_left3A_71, 128 : i32
    %dma_start3A_73 = arith.constant 2 : i32
    %dma_start3A_74 = arith.constant 2 : i32
    %dma_start3A_75 = arith.constant 0 : i32
    %dma_start3A_76 = arith.constant 0 : i32
    %dma_start3A_77 = tpu.memref_slice %arg7[%dma_start3A_73, %dma_start3A_75, %dma_start3A_76] : memref<8x64x128xf32, #tpu.memory_space<vmem>> -> memref<1x64x128xf32, #tpu.memory_space<vmem>>
    %dma_start3A_78 = tpu.memref_squeeze %dma_start3A_77 : memref<1x64x128xf32, #tpu.memory_space<vmem>> -> memref<64x128xf32, #tpu.memory_space<vmem>>
    %dma_start3A_79 = arith.constant 0 : i32
    %dma_start3A_80 = tpu.memref_slice %arg3[%dma_start3A_79, %multiple_of3A_72] : memref<64x1000000xf32, #tpu.memory_space<hbm>> -> memref<64x128xf32, #tpu.memory_space<hbm>>
    %dma_start3A_81 = tpu.memref_slice %arg10[%dma_start3A_74] : memref<8x!tpu.dma_semaphore, #tpu.memory_space<semaphore_mem>> -> memref<1x!tpu.dma_semaphore, #tpu.memory_space<semaphore_mem>>
    %dma_start3A_82 = tpu.memref_squeeze %dma_start3A_81 : memref<1x!tpu.dma_semaphore, #tpu.memory_space<semaphore_mem>> -> memref<!tpu.dma_semaphore, #tpu.memory_space<semaphore_mem>>
    %dma_start3A_83 = arith.constant 0 : i32
    %dma_start3A_84 = arith.constant 0 : i32
    %dma_start3A_85 = tpu.memref_slice %arg7[%dma_start3A_73, %dma_start3A_83, %dma_start3A_84] : memref<8x64x128xf32, #tpu.memory_space<vmem>> -> memref<1x64x128xf32, #tpu.memory_space<vmem>>
    %dma_start3A_86 = tpu.memref_squeeze %dma_start3A_85 : memref<1x64x128xf32, #tpu.memory_space<vmem>> -> memref<64x128xf32, #tpu.memory_space<vmem>>
    %dma_start3A_87 = arith.constant 0 : i32
    %dma_start3A_88 = tpu.memref_slice %arg3[%dma_start3A_87, %multiple_of3A_72] : memref<64x1000000xf32, #tpu.memory_space<hbm>> -> memref<64x128xf32, #tpu.memory_space<hbm>>
    tpu.enqueue_dma source(%dma_start3A_88 : memref<64x128xf32, #tpu.memory_space<hbm>>) target(%dma_start3A_86 : memref<64x128xf32, #tpu.memory_space<vmem>>) target_semaphore(%dma_start3A_82 : memref<!tpu.dma_semaphore, #tpu.memory_space<semaphore_mem>>)
    %slice3A_89 = vector.extract_strided_slice %get3A_24 {offsets = [3], sizes = [1], strides = [1]} : vector<16xi32> to vector<1xi32>
    %squeeze3A_90 = vector.extract %slice3A_89[0] : i32 from vector<1xi32>
    %shift_right_arithmetic3A_91 = arith.constant 7 : i32
    %shift_right_arithmetic3A_92 = arith.shrsi %squeeze3A_90, %shift_right_arithmetic3A_91 : i32
    %shift_left3A_93 = arith.constant 7 : i32
    %shift_left3A_94 = arith.shli %shift_right_arithmetic3A_92, %shift_left3A_93 : i32
    %multiple_of3A_95 = tpu.assume_multiple %shift_left3A_94, 128 : i32
    %dma_start3A_96 = arith.constant 3 : i32
    %dma_start3A_97 = arith.constant 3 : i32
    %dma_start3A_98 = arith.constant 0 : i32
    %dma_start3A_99 = arith.constant 0 : i32
    %dma_start3A_100 = tpu.memref_slice %arg7[%dma_start3A_96, %dma_start3A_98, %dma_start3A_99] : memref<8x64x128xf32, #tpu.memory_space<vmem>> -> memref<1x64x128xf32, #tpu.memory_space<vmem>>
    %dma_start3A_101 = tpu.memref_squeeze %dma_start3A_100 : memref<1x64x128xf32, #tpu.memory_space<vmem>> -> memref<64x128xf32, #tpu.memory_space<vmem>>
    %dma_start3A_102 = arith.constant 0 : i32
    %dma_start3A_103 = tpu.memref_slice %arg3[%dma_start3A_102, %multiple_of3A_95] : memref<64x1000000xf32, #tpu.memory_space<hbm>> -> memref<64x128xf32, #tpu.memory_space<hbm>>
    %dma_start3A_104 = tpu.memref_slice %arg10[%dma_start3A_97] : memref<8x!tpu.dma_semaphore, #tpu.memory_space<semaphore_mem>> -> memref<1x!tpu.dma_semaphore, #tpu.memory_space<semaphore_mem>>
    %dma_start3A_105 = tpu.memref_squeeze %dma_start3A_104 : memref<1x!tpu.dma_semaphore, #tpu.memory_space<semaphore_mem>> -> memref<!tpu.dma_semaphore, #tpu.memory_space<semaphore_mem>>
    %dma_start3A_106 = arith.constant 0 : i32
    %dma_start3A_107 = arith.constant 0 : i32
    %dma_start3A_108 = tpu.memref_slice %arg7[%dma_start3A_96, %dma_start3A_106, %dma_start3A_107] : memref<8x64x128xf32, #tpu.memory_space<vmem>> -> memref<1x64x128xf32, #tpu.memory_space<vmem>>
    %dma_start3A_109 = tpu.memref_squeeze %dma_start3A_108 : memref<1x64x128xf32, #tpu.memory_space<vmem>> -> memref<64x128xf32, #tpu.memory_space<vmem>>
    %dma_start3A_110 = arith.constant 0 : i32
    %dma_start3A_111 = tpu.memref_slice %arg3[%dma_start3A_110, %multiple_of3A_95] : memref<64x1000000xf32, #tpu.memory_space<hbm>> -> memref<64x128xf32, #tpu.memory_space<hbm>>
    tpu.enqueue_dma source(%dma_start3A_111 : memref<64x128xf32, #tpu.memory_space<hbm>>) target(%dma_start3A_109 : memref<64x128xf32, #tpu.memory_space<vmem>>) target_semaphore(%dma_start3A_105 : memref<!tpu.dma_semaphore, #tpu.memory_space<semaphore_mem>>)
    %slice3A_112 = vector.extract_strided_slice %get3A_24 {offsets = [4], sizes = [1], strides = [1]} : vector<16xi32> to vector<1xi32>
    %squeeze3A_113 = vector.extract %slice3A_112[0] : i32 from vector<1xi32>
    %shift_right_arithmetic3A_114 = arith.constant 7 : i32
    %shift_right_arithmetic3A_115 = arith.shrsi %squeeze3A_113, %shift_right_arithmetic3A_114 : i32
    %shift_left3A_116 = arith.constant 7 : i32
    %shift_left3A_117 = arith.shli %shift_right_arithmetic3A_115, %shift_left3A_116 : i32
    %multiple_of3A_118 = tpu.assume_multiple %shift_left3A_117, 128 : i32
    %dma_start3A_119 = arith.constant 4 : i32
    %dma_start3A_120 = arith.constant 4 : i32
    %dma_start3A_121 = arith.constant 0 : i32
    %dma_start3A_122 = arith.constant 0 : i32
    %dma_start3A_123 = tpu.memref_slice %arg7[%dma_start3A_119, %dma_start3A_121, %dma_start3A_122] : memref<8x64x128xf32, #tpu.memory_space<vmem>> -> memref<1x64x128xf32, #tpu.memory_space<vmem>>
    %dma_start3A_124 = tpu.memref_squeeze %dma_start3A_123 : memref<1x64x128xf32, #tpu.memory_space<vmem>> -> memref<64x128xf32, #tpu.memory_space<vmem>>
    %dma_start3A_125 = arith.constant 0 : i32
    %dma_start3A_126 = tpu.memref_slice %arg3[%dma_start3A_125, %multiple_of3A_118] : memref<64x1000000xf32, #tpu.memory_space<hbm>> -> memref<64x128xf32, #tpu.memory_space<hbm>>
    %dma_start3A_127 = tpu.memref_slice %arg10[%dma_start3A_120] : memref<8x!tpu.dma_semaphore, #tpu.memory_space<semaphore_mem>> -> memref<1x!tpu.dma_semaphore, #tpu.memory_space<semaphore_mem>>
    %dma_start3A_128 = tpu.memref_squeeze %dma_start3A_127 : memref<1x!tpu.dma_semaphore, #tpu.memory_space<semaphore_mem>> -> memref<!tpu.dma_semaphore, #tpu.memory_space<semaphore_mem>>
    %dma_start3A_129 = arith.constant 0 : i32
    %dma_start3A_130 = arith.constant 0 : i32
    %dma_start3A_131 = tpu.memref_slice %arg7[%dma_start3A_119, %dma_start3A_129, %dma_start3A_130] : memref<8x64x128xf32, #tpu.memory_space<vmem>> -> memref<1x64x128xf32, #tpu.memory_space<vmem>>
    %dma_start3A_132 = tpu.memref_squeeze %dma_start3A_131 : memref<1x64x128xf32, #tpu.memory_space<vmem>> -> memref<64x128xf32, #tpu.memory_space<vmem>>
    %dma_start3A_133 = arith.constant 0 : i32
    %dma_start3A_134 = tpu.memref_slice %arg3[%dma_start3A_133, %multiple_of3A_118] : memref<64x1000000xf32, #tpu.memory_space<hbm>> -> memref<64x128xf32, #tpu.memory_space<hbm>>
    tpu.enqueue_dma source(%dma_start3A_134 : memref<64x128xf32, #tpu.memory_space<hbm>>) target(%dma_start3A_132 : memref<64x128xf32, #tpu.memory_space<vmem>>) target_semaphore(%dma_start3A_128 : memref<!tpu.dma_semaphore, #tpu.memory_space<semaphore_mem>>)
    %slice3A_135 = vector.extract_strided_slice %get3A_24 {offsets = [5], sizes = [1], strides = [1]} : vector<16xi32> to vector<1xi32>
    %squeeze3A_136 = vector.extract %slice3A_135[0] : i32 from vector<1xi32>
    %shift_right_arithmetic3A_137 = arith.constant 7 : i32
    %shift_right_arithmetic3A_138 = arith.shrsi %squeeze3A_136, %shift_right_arithmetic3A_137 : i32
    %shift_left3A_139 = arith.constant 7 : i32
    %shift_left3A_140 = arith.shli %shift_right_arithmetic3A_138, %shift_left3A_139 : i32
    %multiple_of3A_141 = tpu.assume_multiple %shift_left3A_140, 128 : i32
    %dma_start3A_142 = arith.constant 5 : i32
    %dma_start3A_143 = arith.constant 5 : i32
    %dma_start3A_144 = arith.constant 0 : i32
    %dma_start3A_145 = arith.constant 0 : i32
    %dma_start3A_146 = tpu.memref_slice %arg7[%dma_start3A_142, %dma_start3A_144, %dma_start3A_145] : memref<8x64x128xf32, #tpu.memory_space<vmem>> -> memref<1x64x128xf32, #tpu.memory_space<vmem>>
    %dma_start3A_147 = tpu.memref_squeeze %dma_start3A_146 : memref<1x64x128xf32, #tpu.memory_space<vmem>> -> memref<64x128xf32, #tpu.memory_space<vmem>>
    %dma_start3A_148 = arith.constant 0 : i32
    %dma_start3A_149 = tpu.memref_slice %arg3[%dma_start3A_148, %multiple_of3A_141] : memref<64x1000000xf32, #tpu.memory_space<hbm>> -> memref<64x128xf32, #tpu.memory_space<hbm>>
    %dma_start3A_150 = tpu.memref_slice %arg10[%dma_start3A_143] : memref<8x!tpu.dma_semaphore, #tpu.memory_space<semaphore_mem>> -> memref<1x!tpu.dma_semaphore, #tpu.memory_space<semaphore_mem>>
    %dma_start3A_151 = tpu.memref_squeeze %dma_start3A_150 : memref<1x!tpu.dma_semaphore, #tpu.memory_space<semaphore_mem>> -> memref<!tpu.dma_semaphore, #tpu.memory_space<semaphore_mem>>
    %dma_start3A_152 = arith.constant 0 : i32
    %dma_start3A_153 = arith.constant 0 : i32
    %dma_start3A_154 = tpu.memref_slice %arg7[%dma_start3A_142, %dma_start3A_152, %dma_start3A_153] : memref<8x64x128xf32, #tpu.memory_space<vmem>> -> memref<1x64x128xf32, #tpu.memory_space<vmem>>
    %dma_start3A_155 = tpu.memref_squeeze %dma_start3A_154 : memref<1x64x128xf32, #tpu.memory_space<vmem>> -> memref<64x128xf32, #tpu.memory_space<vmem>>
    %dma_start3A_156 = arith.constant 0 : i32
    %dma_start3A_157 = tpu.memref_slice %arg3[%dma_start3A_156, %multiple_of3A_141] : memref<64x1000000xf32, #tpu.memory_space<hbm>> -> memref<64x128xf32, #tpu.memory_space<hbm>>
    tpu.enqueue_dma source(%dma_start3A_157 : memref<64x128xf32, #tpu.memory_space<hbm>>) target(%dma_start3A_155 : memref<64x128xf32, #tpu.memory_space<vmem>>) target_semaphore(%dma_start3A_151 : memref<!tpu.dma_semaphore, #tpu.memory_space<semaphore_mem>>)
    %slice3A_158 = vector.extract_strided_slice %get3A_24 {offsets = [6], sizes = [1], strides = [1]} : vector<16xi32> to vector<1xi32>
    %squeeze3A_159 = vector.extract %slice3A_158[0] : i32 from vector<1xi32>
    %shift_right_arithmetic3A_160 = arith.constant 7 : i32
    %shift_right_arithmetic3A_161 = arith.shrsi %squeeze3A_159, %shift_right_arithmetic3A_160 : i32
    %shift_left3A_162 = arith.constant 7 : i32
    %shift_left3A_163 = arith.shli %shift_right_arithmetic3A_161, %shift_left3A_162 : i32
    %multiple_of3A_164 = tpu.assume_multiple %shift_left3A_163, 128 : i32
    %dma_start3A_165 = arith.constant 6 : i32
    %dma_start3A_166 = arith.constant 6 : i32
    %dma_start3A_167 = arith.constant 0 : i32
    %dma_start3A_168 = arith.constant 0 : i32
    %dma_start3A_169 = tpu.memref_slice %arg7[%dma_start3A_165, %dma_start3A_167, %dma_start3A_168] : memref<8x64x128xf32, #tpu.memory_space<vmem>> -> memref<1x64x128xf32, #tpu.memory_space<vmem>>
    %dma_start3A_170 = tpu.memref_squeeze %dma_start3A_169 : memref<1x64x128xf32, #tpu.memory_space<vmem>> -> memref<64x128xf32, #tpu.memory_space<vmem>>
    %dma_start3A_171 = arith.constant 0 : i32
    %dma_start3A_172 = tpu.memref_slice %arg3[%dma_start3A_171, %multiple_of3A_164] : memref<64x1000000xf32, #tpu.memory_space<hbm>> -> memref<64x128xf32, #tpu.memory_space<hbm>>
    %dma_start3A_173 = tpu.memref_slice %arg10[%dma_start3A_166] : memref<8x!tpu.dma_semaphore, #tpu.memory_space<semaphore_mem>> -> memref<1x!tpu.dma_semaphore, #tpu.memory_space<semaphore_mem>>
    %dma_start3A_174 = tpu.memref_squeeze %dma_start3A_173 : memref<1x!tpu.dma_semaphore, #tpu.memory_space<semaphore_mem>> -> memref<!tpu.dma_semaphore, #tpu.memory_space<semaphore_mem>>
    %dma_start3A_175 = arith.constant 0 : i32
    %dma_start3A_176 = arith.constant 0 : i32
    %dma_start3A_177 = tpu.memref_slice %arg7[%dma_start3A_165, %dma_start3A_175, %dma_start3A_176] : memref<8x64x128xf32, #tpu.memory_space<vmem>> -> memref<1x64x128xf32, #tpu.memory_space<vmem>>
    %dma_start3A_178 = tpu.memref_squeeze %dma_start3A_177 : memref<1x64x128xf32, #tpu.memory_space<vmem>> -> memref<64x128xf32, #tpu.memory_space<vmem>>
    %dma_start3A_179 = arith.constant 0 : i32
    %dma_start3A_180 = tpu.memref_slice %arg3[%dma_start3A_179, %multiple_of3A_164] : memref<64x1000000xf32, #tpu.memory_space<hbm>> -> memref<64x128xf32, #tpu.memory_space<hbm>>
    tpu.enqueue_dma source(%dma_start3A_180 : memref<64x128xf32, #tpu.memory_space<hbm>>) target(%dma_start3A_178 : memref<64x128xf32, #tpu.memory_space<vmem>>) target_semaphore(%dma_start3A_174 : memref<!tpu.dma_semaphore, #tpu.memory_space<semaphore_mem>>)
    %slice3A_181 = vector.extract_strided_slice %get3A_24 {offsets = [7], sizes = [1], strides = [1]} : vector<16xi32> to vector<1xi32>
    %squeeze3A_182 = vector.extract %slice3A_181[0] : i32 from vector<1xi32>
    %shift_right_arithmetic3A_183 = arith.constant 7 : i32
    %shift_right_arithmetic3A_184 = arith.shrsi %squeeze3A_182, %shift_right_arithmetic3A_183 : i32
    %shift_left3A_185 = arith.constant 7 : i32
    %shift_left3A_186 = arith.shli %shift_right_arithmetic3A_184, %shift_left3A_185 : i32
    %multiple_of3A_187 = tpu.assume_multiple %shift_left3A_186, 128 : i32
    %dma_start3A_188 = arith.constant 7 : i32
    %dma_start3A_189 = arith.constant 7 : i32
    %dma_start3A_190 = arith.constant 0 : i32
    %dma_start3A_191 = arith.constant 0 : i32
    %dma_start3A_192 = tpu.memref_slice %arg7[%dma_start3A_188, %dma_start3A_190, %dma_start3A_191] : memref<8x64x128xf32, #tpu.memory_space<vmem>> -> memref<1x64x128xf32, #tpu.memory_space<vmem>>
    %dma_start3A_193 = tpu.memref_squeeze %dma_start3A_192 : memref<1x64x128xf32, #tpu.memory_space<vmem>> -> memref<64x128xf32, #tpu.memory_space<vmem>>
    %dma_start3A_194 = arith.constant 0 : i32
    %dma_start3A_195 = tpu.memref_slice %arg3[%dma_start3A_194, %multiple_of3A_187] : memref<64x1000000xf32, #tpu.memory_space<hbm>> -> memref<64x128xf32, #tpu.memory_space<hbm>>
    %dma_start3A_196 = tpu.memref_slice %arg10[%dma_start3A_189] : memref<8x!tpu.dma_semaphore, #tpu.memory_space<semaphore_mem>> -> memref<1x!tpu.dma_semaphore, #tpu.memory_space<semaphore_mem>>
    %dma_start3A_197 = tpu.memref_squeeze %dma_start3A_196 : memref<1x!tpu.dma_semaphore, #tpu.memory_space<semaphore_mem>> -> memref<!tpu.dma_semaphore, #tpu.memory_space<semaphore_mem>>
    %dma_start3A_198 = arith.constant 0 : i32
    %dma_start3A_199 = arith.constant 0 : i32
    %dma_start3A_200 = tpu.memref_slice %arg7[%dma_start3A_188, %dma_start3A_198, %dma_start3A_199] : memref<8x64x128xf32, #tpu.memory_space<vmem>> -> memref<1x64x128xf32, #tpu.memory_space<vmem>>
    %dma_start3A_201 = tpu.memref_squeeze %dma_start3A_200 : memref<1x64x128xf32, #tpu.memory_space<vmem>> -> memref<64x128xf32, #tpu.memory_space<vmem>>
    %dma_start3A_202 = arith.constant 0 : i32
    %dma_start3A_203 = tpu.memref_slice %arg3[%dma_start3A_202, %multiple_of3A_187] : memref<64x1000000xf32, #tpu.memory_space<hbm>> -> memref<64x128xf32, #tpu.memory_space<hbm>>
    tpu.enqueue_dma source(%dma_start3A_203 : memref<64x128xf32, #tpu.memory_space<hbm>>) target(%dma_start3A_201 : memref<64x128xf32, #tpu.memory_space<vmem>>) target_semaphore(%dma_start3A_197 : memref<!tpu.dma_semaphore, #tpu.memory_space<semaphore_mem>>)
    %dma_wait3A = arith.constant 0 : i32
    %dma_wait3A_204 = tpu.memref_slice %arg4[%dma_wait3A, %mul3A_20] : memref<64x2048xf32, #tpu.memory_space<hbm>> -> memref<64x256xf32, #tpu.memory_space<hbm>>
    %dma_wait3A_205 = arith.constant 0 : i32
    %dma_wait3A_206 = tpu.memref_slice %arg4[%dma_wait3A_205, %mul3A_20] : memref<64x2048xf32, #tpu.memory_space<hbm>> -> memref<64x256xf32, #tpu.memory_space<hbm>>
    tpu.wait_dma2 semaphore(%arg11 : memref<!tpu.dma_semaphore, #tpu.memory_space<semaphore_mem>>) src(%dma_wait3A_206 : memref<64x256xf32, #tpu.memory_space<hbm>>) dst(%arg9 : memref<64x256xf32, #tpu.memory_space<vmem>>)
    %scan3A = arith.constant 0 : i32
    %scan3A_207 = arith.constant 0 : i32
    %scan3A_208 = arith.constant 31 : i32
    %scan3A_209 = arith.addi %scan3A_207, %scan3A_208 : i32
    %scan3A_210 = arith.constant 1 : i32
    scf.for %scan3A_860 = %scan3A_207 to %scan3A_209 step %scan3A_210  : i32 {
      %mul3A_861 = arith.constant 8 : i32
      %mul3A_862 = arith.muli %scan3A_860, %mul3A_861 : i32
      %get3A_863 = arith.index_cast %mul3A_862 : i32 to index
      %get3A_864 = tpu.vector_load %arg6[%get3A_863] {strides = array<i32>} : memref<272xi32, #tpu.memory_space<vmem>>, vector<16xi32>,
      %mul3A_865 = arith.constant 8 : i32
      %mul3A_866 = arith.muli %scan3A_860, %mul3A_865 : i32
      %add3A_867 = arith.constant 0 : i32
      %add3A_868 = arith.addi %mul3A_866, %add3A_867 : i32
      %slice3A_869 = vector.extract_strided_slice %get3A_864 {offsets = [0], sizes = [1], strides = [1]} : vector<16xi32> to vector<1xi32>
      %squeeze3A_870 = vector.extract %slice3A_869[0] : i32 from vector<1xi32>
      %dma_wait3A_871 = arith.constant 0 : i32
      %dma_wait3A_872 = arith.constant 0 : i32
      %dma_wait3A_873 = arith.constant 0 : i32
      %dma_wait3A_874 = arith.constant 0 : i32
      %dma_wait3A_875 = tpu.memref_slice %arg7[%dma_wait3A_871, %dma_wait3A_873, %dma_wait3A_874] : memref<8x64x128xf32, #tpu.memory_space<vmem>> -> memref<1x64x128xf32, #tpu.memory_space<vmem>>
      %dma_wait3A_876 = tpu.memref_squeeze %dma_wait3A_875 : memref<1x64x128xf32, #tpu.memory_space<vmem>> -> memref<64x128xf32, #tpu.memory_space<vmem>>
      %dma_wait3A_877 = arith.constant 0 : i32
      %dma_wait3A_878 = arith.constant 0 : i32
      %dma_wait3A_879 = tpu.memref_slice %arg3[%dma_wait3A_877, %dma_wait3A_878] : memref<64x1000000xf32, #tpu.memory_space<hbm>> -> memref<64x128xf32, #tpu.memory_space<hbm>>
      %dma_wait3A_880 = tpu.memref_slice %arg10[%dma_wait3A_872] : memref<8x!tpu.dma_semaphore, #tpu.memory_space<semaphore_mem>> -> memref<1x!tpu.dma_semaphore, #tpu.memory_space<semaphore_mem>>
      %dma_wait3A_881 = tpu.memref_squeeze %dma_wait3A_880 : memref<1x!tpu.dma_semaphore, #tpu.memory_space<semaphore_mem>> -> memref<!tpu.dma_semaphore, #tpu.memory_space<semaphore_mem>>
      %dma_wait3A_882 = arith.constant 0 : i32
      %dma_wait3A_883 = arith.constant 0 : i32
      %dma_wait3A_884 = tpu.memref_slice %arg7[%dma_wait3A_871, %dma_wait3A_882, %dma_wait3A_883] : memref<8x64x128xf32, #tpu.memory_space<vmem>> -> memref<1x64x128xf32, #tpu.memory_space<vmem>>
      %dma_wait3A_885 = tpu.memref_squeeze %dma_wait3A_884 : memref<1x64x128xf32, #tpu.memory_space<vmem>> -> memref<64x128xf32, #tpu.memory_space<vmem>>
      %dma_wait3A_886 = arith.constant 0 : i32
      %dma_wait3A_887 = arith.constant 0 : i32
      %dma_wait3A_888 = tpu.memref_slice %arg3[%dma_wait3A_886, %dma_wait3A_887] : memref<64x1000000xf32, #tpu.memory_space<hbm>> -> memref<64x128xf32, #tpu.memory_space<hbm>>
      tpu.wait_dma2 semaphore(%dma_wait3A_881 : memref<!tpu.dma_semaphore, #tpu.memory_space<semaphore_mem>>) src(%dma_wait3A_888 : memref<64x128xf32, #tpu.memory_space<hbm>>) dst(%dma_wait3A_885 : memref<64x128xf32, #tpu.memory_space<vmem>>)
      %and3A_889 = arith.constant 127 : i32
      %and3A_890 = arith.andi %squeeze3A_870, %and3A_889 : i32
      %broadcast_in_dim3A_891 = vector.broadcast %and3A_890 : i32 to vector<16xi32>
      %broadcast_in_dim3A_892 = vector.broadcast %add3A_868 : i32 to vector<16xi32>
      %add3A_893 = arith.constant 0 : i32
      %add3A_894 = vector.broadcast %add3A_893 : i32 to vector<16xi32>
      %add3A_895 = arith.addi %iota3A, %add3A_894 : vector<16xi32>
      %gather3A_896 = arith.constant 0 : i32
      %gather3A_897 = arith.constant 0 : i32
      %gather3A_898 = arith.constant 0 : i32
      %gather3A_899 = tpu.memref_slice %arg7[%gather3A_896, %gather3A_897, %gather3A_898] : memref<8x64x128xf32, #tpu.memory_space<vmem>> -> memref<1x64x128xf32, #tpu.memory_space<vmem>>
      %gather3A_900 = tpu.memref_squeeze %gather3A_899 : memref<1x64x128xf32, #tpu.memory_space<vmem>> -> memref<64x128xf32, #tpu.memory_space<vmem>>
      %gather3A_901 = tpu.vector_load_idx %gather3A_900[%add3A_895, %broadcast_in_dim3A_891] : memref<64x128xf32, #tpu.memory_space<vmem>>[vector<16xi32>, vector<16xi32>], vector<16xf32>,
      %gather3A_902 = tpu.vector_load_idx %arg9[%add3A_895, %broadcast_in_dim3A_892] : memref<64x256xf32, #tpu.memory_space<vmem>>[vector<16xi32>, vector<16xi32>], vector<16xf32>,
      %add3A_903 = arith.addf %gather3A_901, %gather3A_902 : vector<16xf32>
      %mul3A_904 = arith.constant 8.000000e+00 : f32
      %mul3A_905 = vector.broadcast %mul3A_904 : f32 to vector<16xf32>
      %mul3A_906 = arith.mulf %add3A_903, %mul3A_905 : vector<16xf32>
      tpu.vector_store_idx %arg8[%add3A_895, %broadcast_in_dim3A_892], %mul3A_906 : memref<64x256xf32, #tpu.memory_space<vmem>>[vector<16xi32>, vector<16xi32>], vector<16xf32>,
      %add3A_907 = arith.constant 16 : i32
      %add3A_908 = vector.broadcast %add3A_907 : i32 to vector<16xi32>
      %add3A_909 = arith.addi %iota3A, %add3A_908 : vector<16xi32>
      %gather3A_910 = arith.constant 0 : i32
      %gather3A_911 = arith.constant 0 : i32
      %gather3A_912 = arith.constant 0 : i32
      %gather3A_913 = tpu.memref_slice %arg7[%gather3A_910, %gather3A_911, %gather3A_912] : memref<8x64x128xf32, #tpu.memory_space<vmem>> -> memref<1x64x128xf32, #tpu.memory_space<vmem>>
      %gather3A_914 = tpu.memref_squeeze %gather3A_913 : memref<1x64x128xf32, #tpu.memory_space<vmem>> -> memref<64x128xf32, #tpu.memory_space<vmem>>
      %gather3A_915 = tpu.vector_load_idx %gather3A_914[%add3A_909, %broadcast_in_dim3A_891] : memref<64x128xf32, #tpu.memory_space<vmem>>[vector<16xi32>, vector<16xi32>], vector<16xf32>,
      %gather3A_916 = tpu.vector_load_idx %arg9[%add3A_909, %broadcast_in_dim3A_892] : memref<64x256xf32, #tpu.memory_space<vmem>>[vector<16xi32>, vector<16xi32>], vector<16xf32>,
      %add3A_917 = arith.addf %gather3A_915, %gather3A_916 : vector<16xf32>
      %mul3A_918 = arith.constant 8.000000e+00 : f32
      %mul3A_919 = vector.broadcast %mul3A_918 : f32 to vector<16xf32>
      %mul3A_920 = arith.mulf %add3A_917, %mul3A_919 : vector<16xf32>
      tpu.vector_store_idx %arg8[%add3A_909, %broadcast_in_dim3A_892], %mul3A_920 : memref<64x256xf32, #tpu.memory_space<vmem>>[vector<16xi32>, vector<16xi32>], vector<16xf32>,
      %add3A_921 = arith.constant 32 : i32
      %add3A_922 = vector.broadcast %add3A_921 : i32 to vector<16xi32>
      %add3A_923 = arith.addi %iota3A, %add3A_922 : vector<16xi32>
      %gather3A_924 = arith.constant 0 : i32
      %gather3A_925 = arith.constant 0 : i32
      %gather3A_926 = arith.constant 0 : i32
      %gather3A_927 = tpu.memref_slice %arg7[%gather3A_924, %gather3A_925, %gather3A_926] : memref<8x64x128xf32, #tpu.memory_space<vmem>> -> memref<1x64x128xf32, #tpu.memory_space<vmem>>
      %gather3A_928 = tpu.memref_squeeze %gather3A_927 : memref<1x64x128xf32, #tpu.memory_space<vmem>> -> memref<64x128xf32, #tpu.memory_space<vmem>>
      %gather3A_929 = tpu.vector_load_idx %gather3A_928[%add3A_923, %broadcast_in_dim3A_891] : memref<64x128xf32, #tpu.memory_space<vmem>>[vector<16xi32>, vector<16xi32>], vector<16xf32>,
      %gather3A_930 = tpu.vector_load_idx %arg9[%add3A_923, %broadcast_in_dim3A_892] : memref<64x256xf32, #tpu.memory_space<vmem>>[vector<16xi32>, vector<16xi32>], vector<16xf32>,
      %add3A_931 = arith.addf %gather3A_929, %gather3A_930 : vector<16xf32>
      %mul3A_932 = arith.constant 8.000000e+00 : f32
      %mul3A_933 = vector.broadcast %mul3A_932 : f32 to vector<16xf32>
      %mul3A_934 = arith.mulf %add3A_931, %mul3A_933 : vector<16xf32>
      tpu.vector_store_idx %arg8[%add3A_923, %broadcast_in_dim3A_892], %mul3A_934 : memref<64x256xf32, #tpu.memory_space<vmem>>[vector<16xi32>, vector<16xi32>], vector<16xf32>,
      %add3A_935 = arith.constant 48 : i32
      %add3A_936 = vector.broadcast %add3A_935 : i32 to vector<16xi32>
      %add3A_937 = arith.addi %iota3A, %add3A_936 : vector<16xi32>
      %gather3A_938 = arith.constant 0 : i32
      %gather3A_939 = arith.constant 0 : i32
      %gather3A_940 = arith.constant 0 : i32
      %gather3A_941 = tpu.memref_slice %arg7[%gather3A_938, %gather3A_939, %gather3A_940] : memref<8x64x128xf32, #tpu.memory_space<vmem>> -> memref<1x64x128xf32, #tpu.memory_space<vmem>>
      %gather3A_942 = tpu.memref_squeeze %gather3A_941 : memref<1x64x128xf32, #tpu.memory_space<vmem>> -> memref<64x128xf32, #tpu.memory_space<vmem>>
      %gather3A_943 = tpu.vector_load_idx %gather3A_942[%add3A_937, %broadcast_in_dim3A_891] : memref<64x128xf32, #tpu.memory_space<vmem>>[vector<16xi32>, vector<16xi32>], vector<16xf32>,
      %gather3A_944 = tpu.vector_load_idx %arg9[%add3A_937, %broadcast_in_dim3A_892] : memref<64x256xf32, #tpu.memory_space<vmem>>[vector<16xi32>, vector<16xi32>], vector<16xf32>,
      %add3A_945 = arith.addf %gather3A_943, %gather3A_944 : vector<16xf32>
      %mul3A_946 = arith.constant 8.000000e+00 : f32
      %mul3A_947 = vector.broadcast %mul3A_946 : f32 to vector<16xf32>
      %mul3A_948 = arith.mulf %add3A_945, %mul3A_947 : vector<16xf32>
      tpu.vector_store_idx %arg8[%add3A_937, %broadcast_in_dim3A_892], %mul3A_948 : memref<64x256xf32, #tpu.memory_space<vmem>>[vector<16xi32>, vector<16xi32>], vector<16xf32>,
      %slice3A_949 = vector.extract_strided_slice %get3A_864 {offsets = [8], sizes = [1], strides = [1]} : vector<16xi32> to vector<1xi32>
      %squeeze3A_950 = vector.extract %slice3A_949[0] : i32 from vector<1xi32>
      %shift_right_arithmetic3A_951 = arith.constant 7 : i32
      %shift_right_arithmetic3A_952 = arith.shrsi %squeeze3A_950, %shift_right_arithmetic3A_951 : i32
      %shift_left3A_953 = arith.constant 7 : i32
      %shift_left3A_954 = arith.shli %shift_right_arithmetic3A_952, %shift_left3A_953 : i32
      %multiple_of3A_955 = tpu.assume_multiple %shift_left3A_954, 128 : i32
      %dma_start3A_956 = arith.constant 0 : i32
      %dma_start3A_957 = arith.constant 0 : i32
      %dma_start3A_958 = arith.constant 0 : i32
      %dma_start3A_959 = arith.constant 0 : i32
      %dma_start3A_960 = tpu.memref_slice %arg7[%dma_start3A_956, %dma_start3A_958, %dma_start3A_959] : memref<8x64x128xf32, #tpu.memory_space<vmem>> -> memref<1x64x128xf32, #tpu.memory_space<vmem>>
      %dma_start3A_961 = tpu.memref_squeeze %dma_start3A_960 : memref<1x64x128xf32, #tpu.memory_space<vmem>> -> memref<64x128xf32, #tpu.memory_space<vmem>>
      %dma_start3A_962 = arith.constant 0 : i32
      %dma_start3A_963 = tpu.memref_slice %arg3[%dma_start3A_962, %multiple_of3A_955] : memref<64x1000000xf32, #tpu.memory_space<hbm>> -> memref<64x128xf32, #tpu.memory_space<hbm>>
      %dma_start3A_964 = tpu.memref_slice %arg10[%dma_start3A_957] : memref<8x!tpu.dma_semaphore, #tpu.memory_space<semaphore_mem>> -> memref<1x!tpu.dma_semaphore, #tpu.memory_space<semaphore_mem>>
      %dma_start3A_965 = tpu.memref_squeeze %dma_start3A_964 : memref<1x!tpu.dma_semaphore, #tpu.memory_space<semaphore_mem>> -> memref<!tpu.dma_semaphore, #tpu.memory_space<semaphore_mem>>
      %dma_start3A_966 = arith.constant 0 : i32
      %dma_start3A_967 = arith.constant 0 : i32
      %dma_start3A_968 = tpu.memref_slice %arg7[%dma_start3A_956, %dma_start3A_966, %dma_start3A_967] : memref<8x64x128xf32, #tpu.memory_space<vmem>> -> memref<1x64x128xf32, #tpu.memory_space<vmem>>
      %dma_start3A_969 = tpu.memref_squeeze %dma_start3A_968 : memref<1x64x128xf32, #tpu.memory_space<vmem>> -> memref<64x128xf32, #tpu.memory_space<vmem>>
      %dma_start3A_970 = arith.constant 0 : i32
      %dma_start3A_971 = tpu.memref_slice %arg3[%dma_start3A_970, %multiple_of3A_955] : memref<64x1000000xf32, #tpu.memory_space<hbm>> -> memref<64x128xf32, #tpu.memory_space<hbm>>
      tpu.enqueue_dma source(%dma_start3A_971 : memref<64x128xf32, #tpu.memory_space<hbm>>) target(%dma_start3A_969 : memref<64x128xf32, #tpu.memory_space<vmem>>) target_semaphore(%dma_start3A_965 : memref<!tpu.dma_semaphore, #tpu.memory_space<semaphore_mem>>)
      %mul3A_972 = arith.constant 8 : i32
      %mul3A_973 = arith.muli %scan3A_860, %mul3A_972 : i32
      %add3A_974 = arith.constant 1 : i32
      %add3A_975 = arith.addi %mul3A_973, %add3A_974 : i32
      %slice3A_976 = vector.extract_strided_slice %get3A_864 {offsets = [1], sizes = [1], strides = [1]} : vector<16xi32> to vector<1xi32>
      %squeeze3A_977 = vector.extract %slice3A_976[0] : i32 from vector<1xi32>
      %dma_wait3A_978 = arith.constant 1 : i32
      %dma_wait3A_979 = arith.constant 1 : i32
      %dma_wait3A_980 = arith.constant 0 : i32
      %dma_wait3A_981 = arith.constant 0 : i32
      %dma_wait3A_982 = tpu.memref_slice %arg7[%dma_wait3A_978, %dma_wait3A_980, %dma_wait3A_981] : memref<8x64x128xf32, #tpu.memory_space<vmem>> -> memref<1x64x128xf32, #tpu.memory_space<vmem>>
      %dma_wait3A_983 = tpu.memref_squeeze %dma_wait3A_982 : memref<1x64x128xf32, #tpu.memory_space<vmem>> -> memref<64x128xf32, #tpu.memory_space<vmem>>
      %dma_wait3A_984 = arith.constant 0 : i32
      %dma_wait3A_985 = arith.constant 0 : i32
      %dma_wait3A_986 = tpu.memref_slice %arg3[%dma_wait3A_984, %dma_wait3A_985] : memref<64x1000000xf32, #tpu.memory_space<hbm>> -> memref<64x128xf32, #tpu.memory_space<hbm>>
      %dma_wait3A_987 = tpu.memref_slice %arg10[%dma_wait3A_979] : memref<8x!tpu.dma_semaphore, #tpu.memory_space<semaphore_mem>> -> memref<1x!tpu.dma_semaphore, #tpu.memory_space<semaphore_mem>>
      %dma_wait3A_988 = tpu.memref_squeeze %dma_wait3A_987 : memref<1x!tpu.dma_semaphore, #tpu.memory_space<semaphore_mem>> -> memref<!tpu.dma_semaphore, #tpu.memory_space<semaphore_mem>>
      %dma_wait3A_989 = arith.constant 0 : i32
      %dma_wait3A_990 = arith.constant 0 : i32
      %dma_wait3A_991 = tpu.memref_slice %arg7[%dma_wait3A_978, %dma_wait3A_989, %dma_wait3A_990] : memref<8x64x128xf32, #tpu.memory_space<vmem>> -> memref<1x64x128xf32, #tpu.memory_space<vmem>>
      %dma_wait3A_992 = tpu.memref_squeeze %dma_wait3A_991 : memref<1x64x128xf32, #tpu.memory_space<vmem>> -> memref<64x128xf32, #tpu.memory_space<vmem>>
      %dma_wait3A_993 = arith.constant 0 : i32
      %dma_wait3A_994 = arith.constant 0 : i32
      %dma_wait3A_995 = tpu.memref_slice %arg3[%dma_wait3A_993, %dma_wait3A_994] : memref<64x1000000xf32, #tpu.memory_space<hbm>> -> memref<64x128xf32, #tpu.memory_space<hbm>>
      tpu.wait_dma2 semaphore(%dma_wait3A_988 : memref<!tpu.dma_semaphore, #tpu.memory_space<semaphore_mem>>) src(%dma_wait3A_995 : memref<64x128xf32, #tpu.memory_space<hbm>>) dst(%dma_wait3A_992 : memref<64x128xf32, #tpu.memory_space<vmem>>)
      %and3A_996 = arith.constant 127 : i32
      %and3A_997 = arith.andi %squeeze3A_977, %and3A_996 : i32
      %broadcast_in_dim3A_998 = vector.broadcast %and3A_997 : i32 to vector<16xi32>
      %broadcast_in_dim3A_999 = vector.broadcast %add3A_975 : i32 to vector<16xi32>
      %add3A_1000 = arith.constant 0 : i32
      %add3A_1001 = vector.broadcast %add3A_1000 : i32 to vector<16xi32>
      %add3A_1002 = arith.addi %iota3A, %add3A_1001 : vector<16xi32>
      %gather3A_1003 = arith.constant 1 : i32
      %gather3A_1004 = arith.constant 0 : i32
      %gather3A_1005 = arith.constant 0 : i32
      %gather3A_1006 = tpu.memref_slice %arg7[%gather3A_1003, %gather3A_1004, %gather3A_1005] : memref<8x64x128xf32, #tpu.memory_space<vmem>> -> memref<1x64x128xf32, #tpu.memory_space<vmem>>
      %gather3A_1007 = tpu.memref_squeeze %gather3A_1006 : memref<1x64x128xf32, #tpu.memory_space<vmem>> -> memref<64x128xf32, #tpu.memory_space<vmem>>
      %gather3A_1008 = tpu.vector_load_idx %gather3A_1007[%add3A_1002, %broadcast_in_dim3A_998] : memref<64x128xf32, #tpu.memory_space<vmem>>[vector<16xi32>, vector<16xi32>], vector<16xf32>,
      %gather3A_1009 = tpu.vector_load_idx %arg9[%add3A_1002, %broadcast_in_dim3A_999] : memref<64x256xf32, #tpu.memory_space<vmem>>[vector<16xi32>, vector<16xi32>], vector<16xf32>,
      %add3A_1010 = arith.addf %gather3A_1008, %gather3A_1009 : vector<16xf32>
      %mul3A_1011 = arith.constant 8.000000e+00 : f32
      %mul3A_1012 = vector.broadcast %mul3A_1011 : f32 to vector<16xf32>
      %mul3A_1013 = arith.mulf %add3A_1010, %mul3A_1012 : vector<16xf32>
      tpu.vector_store_idx %arg8[%add3A_1002, %broadcast_in_dim3A_999], %mul3A_1013 : memref<64x256xf32, #tpu.memory_space<vmem>>[vector<16xi32>, vector<16xi32>], vector<16xf32>,
      %add3A_1014 = arith.constant 16 : i32
      %add3A_1015 = vector.broadcast %add3A_1014 : i32 to vector<16xi32>
      %add3A_1016 = arith.addi %iota3A, %add3A_1015 : vector<16xi32>
      %gather3A_1017 = arith.constant 1 : i32
      %gather3A_1018 = arith.constant 0 : i32
      %gather3A_1019 = arith.constant 0 : i32
      %gather3A_1020 = tpu.memref_slice %arg7[%gather3A_1017, %gather3A_1018, %gather3A_1019] : memref<8x64x128xf32, #tpu.memory_space<vmem>> -> memref<1x64x128xf32, #tpu.memory_space<vmem>>
      %gather3A_1021 = tpu.memref_squeeze %gather3A_1020 : memref<1x64x128xf32, #tpu.memory_space<vmem>> -> memref<64x128xf32, #tpu.memory_space<vmem>>
      %gather3A_1022 = tpu.vector_load_idx %gather3A_1021[%add3A_1016, %broadcast_in_dim3A_998] : memref<64x128xf32, #tpu.memory_space<vmem>>[vector<16xi32>, vector<16xi32>], vector<16xf32>,
      %gather3A_1023 = tpu.vector_load_idx %arg9[%add3A_1016, %broadcast_in_dim3A_999] : memref<64x256xf32, #tpu.memory_space<vmem>>[vector<16xi32>, vector<16xi32>], vector<16xf32>,
      %add3A_1024 = arith.addf %gather3A_1022, %gather3A_1023 : vector<16xf32>
      %mul3A_1025 = arith.constant 8.000000e+00 : f32
      %mul3A_1026 = vector.broadcast %mul3A_1025 : f32 to vector<16xf32>
      %mul3A_1027 = arith.mulf %add3A_1024, %mul3A_1026 : vector<16xf32>
      tpu.vector_store_idx %arg8[%add3A_1016, %broadcast_in_dim3A_999], %mul3A_1027 : memref<64x256xf32, #tpu.memory_space<vmem>>[vector<16xi32>, vector<16xi32>], vector<16xf32>,
      %add3A_1028 = arith.constant 32 : i32
      %add3A_1029 = vector.broadcast %add3A_1028 : i32 to vector<16xi32>
      %add3A_1030 = arith.addi %iota3A, %add3A_1029 : vector<16xi32>
      %gather3A_1031 = arith.constant 1 : i32
      %gather3A_1032 = arith.constant 0 : i32
      %gather3A_1033 = arith.constant 0 : i32
      %gather3A_1034 = tpu.memref_slice %arg7[%gather3A_1031, %gather3A_1032, %gather3A_1033] : memref<8x64x128xf32, #tpu.memory_space<vmem>> -> memref<1x64x128xf32, #tpu.memory_space<vmem>>
      %gather3A_1035 = tpu.memref_squeeze %gather3A_1034 : memref<1x64x128xf32, #tpu.memory_space<vmem>> -> memref<64x128xf32, #tpu.memory_space<vmem>>
      %gather3A_1036 = tpu.vector_load_idx %gather3A_1035[%add3A_1030, %broadcast_in_dim3A_998] : memref<64x128xf32, #tpu.memory_space<vmem>>[vector<16xi32>, vector<16xi32>], vector<16xf32>,
      %gather3A_1037 = tpu.vector_load_idx %arg9[%add3A_1030, %broadcast_in_dim3A_999] : memref<64x256xf32, #tpu.memory_space<vmem>>[vector<16xi32>, vector<16xi32>], vector<16xf32>,
      %add3A_1038 = arith.addf %gather3A_1036, %gather3A_1037 : vector<16xf32>
      %mul3A_1039 = arith.constant 8.000000e+00 : f32
      %mul3A_1040 = vector.broadcast %mul3A_1039 : f32 to vector<16xf32>
      %mul3A_1041 = arith.mulf %add3A_1038, %mul3A_1040 : vector<16xf32>
      tpu.vector_store_idx %arg8[%add3A_1030, %broadcast_in_dim3A_999], %mul3A_1041 : memref<64x256xf32, #tpu.memory_space<vmem>>[vector<16xi32>, vector<16xi32>], vector<16xf32>,
      %add3A_1042 = arith.constant 48 : i32
      %add3A_1043 = vector.broadcast %add3A_1042 : i32 to vector<16xi32>
      %add3A_1044 = arith.addi %iota3A, %add3A_1043 : vector<16xi32>
      %gather3A_1045 = arith.constant 1 : i32
      %gather3A_1046 = arith.constant 0 : i32
      %gather3A_1047 = arith.constant 0 : i32
      %gather3A_1048 = tpu.memref_slice %arg7[%gather3A_1045, %gather3A_1046, %gather3A_1047] : memref<8x64x128xf32, #tpu.memory_space<vmem>> -> memref<1x64x128xf32, #tpu.memory_space<vmem>>
      %gather3A_1049 = tpu.memref_squeeze %gather3A_1048 : memref<1x64x128xf32, #tpu.memory_space<vmem>> -> memref<64x128xf32, #tpu.memory_space<vmem>>
      %gather3A_1050 = tpu.vector_load_idx %gather3A_1049[%add3A_1044, %broadcast_in_dim3A_998] : memref<64x128xf32, #tpu.memory_space<vmem>>[vector<16xi32>, vector<16xi32>], vector<16xf32>,
      %gather3A_1051 = tpu.vector_load_idx %arg9[%add3A_1044, %broadcast_in_dim3A_999] : memref<64x256xf32, #tpu.memory_space<vmem>>[vector<16xi32>, vector<16xi32>], vector<16xf32>,
      %add3A_1052 = arith.addf %gather3A_1050, %gather3A_1051 : vector<16xf32>
      %mul3A_1053 = arith.constant 8.000000e+00 : f32
      %mul3A_1054 = vector.broadcast %mul3A_1053 : f32 to vector<16xf32>
      %mul3A_1055 = arith.mulf %add3A_1052, %mul3A_1054 : vector<16xf32>
      tpu.vector_store_idx %arg8[%add3A_1044, %broadcast_in_dim3A_999], %mul3A_1055 : memref<64x256xf32, #tpu.memory_space<vmem>>[vector<16xi32>, vector<16xi32>], vector<16xf32>,
      %slice3A_1056 = vector.extract_strided_slice %get3A_864 {offsets = [9], sizes = [1], strides = [1]} : vector<16xi32> to vector<1xi32>
      %squeeze3A_1057 = vector.extract %slice3A_1056[0] : i32 from vector<1xi32>
      %shift_right_arithmetic3A_1058 = arith.constant 7 : i32
      %shift_right_arithmetic3A_1059 = arith.shrsi %squeeze3A_1057, %shift_right_arithmetic3A_1058 : i32
      %shift_left3A_1060 = arith.constant 7 : i32
      %shift_left3A_1061 = arith.shli %shift_right_arithmetic3A_1059, %shift_left3A_1060 : i32
      %multiple_of3A_1062 = tpu.assume_multiple %shift_left3A_1061, 128 : i32
      %dma_start3A_1063 = arith.constant 1 : i32
      %dma_start3A_1064 = arith.constant 1 : i32
      %dma_start3A_1065 = arith.constant 0 : i32
      %dma_start3A_1066 = arith.constant 0 : i32
      %dma_start3A_1067 = tpu.memref_slice %arg7[%dma_start3A_1063, %dma_start3A_1065, %dma_start3A_1066] : memref<8x64x128xf32, #tpu.memory_space<vmem>> -> memref<1x64x128xf32, #tpu.memory_space<vmem>>
      %dma_start3A_1068 = tpu.memref_squeeze %dma_start3A_1067 : memref<1x64x128xf32, #tpu.memory_space<vmem>> -> memref<64x128xf32, #tpu.memory_space<vmem>>
      %dma_start3A_1069 = arith.constant 0 : i32
      %dma_start3A_1070 = tpu.memref_slice %arg3[%dma_start3A_1069, %multiple_of3A_1062] : memref<64x1000000xf32, #tpu.memory_space<hbm>> -> memref<64x128xf32, #tpu.memory_space<hbm>>
      %dma_start3A_1071 = tpu.memref_slice %arg10[%dma_start3A_1064] : memref<8x!tpu.dma_semaphore, #tpu.memory_space<semaphore_mem>> -> memref<1x!tpu.dma_semaphore, #tpu.memory_space<semaphore_mem>>
      %dma_start3A_1072 = tpu.memref_squeeze %dma_start3A_1071 : memref<1x!tpu.dma_semaphore, #tpu.memory_space<semaphore_mem>> -> memref<!tpu.dma_semaphore, #tpu.memory_space<semaphore_mem>>
      %dma_start3A_1073 = arith.constant 0 : i32
      %dma_start3A_1074 = arith.constant 0 : i32
      %dma_start3A_1075 = tpu.memref_slice %arg7[%dma_start3A_1063, %dma_start3A_1073, %dma_start3A_1074] : memref<8x64x128xf32, #tpu.memory_space<vmem>> -> memref<1x64x128xf32, #tpu.memory_space<vmem>>
      %dma_start3A_1076 = tpu.memref_squeeze %dma_start3A_1075 : memref<1x64x128xf32, #tpu.memory_space<vmem>> -> memref<64x128xf32, #tpu.memory_space<vmem>>
      %dma_start3A_1077 = arith.constant 0 : i32
      %dma_start3A_1078 = tpu.memref_slice %arg3[%dma_start3A_1077, %multiple_of3A_1062] : memref<64x1000000xf32, #tpu.memory_space<hbm>> -> memref<64x128xf32, #tpu.memory_space<hbm>>
      tpu.enqueue_dma source(%dma_start3A_1078 : memref<64x128xf32, #tpu.memory_space<hbm>>) target(%dma_start3A_1076 : memref<64x128xf32, #tpu.memory_space<vmem>>) target_semaphore(%dma_start3A_1072 : memref<!tpu.dma_semaphore, #tpu.memory_space<semaphore_mem>>)
      %mul3A_1079 = arith.constant 8 : i32
      %mul3A_1080 = arith.muli %scan3A_860, %mul3A_1079 : i32
      %add3A_1081 = arith.constant 2 : i32
      %add3A_1082 = arith.addi %mul3A_1080, %add3A_1081 : i32
      %slice3A_1083 = vector.extract_strided_slice %get3A_864 {offsets = [2], sizes = [1], strides = [1]} : vector<16xi32> to vector<1xi32>
      %squeeze3A_1084 = vector.extract %slice3A_1083[0] : i32 from vector<1xi32>
      %dma_wait3A_1085 = arith.constant 2 : i32
      %dma_wait3A_1086 = arith.constant 2 : i32
      %dma_wait3A_1087 = arith.constant 0 : i32
      %dma_wait3A_1088 = arith.constant 0 : i32
      %dma_wait3A_1089 = tpu.memref_slice %arg7[%dma_wait3A_1085, %dma_wait3A_1087, %dma_wait3A_1088] : memref<8x64x128xf32, #tpu.memory_space<vmem>> -> memref<1x64x128xf32, #tpu.memory_space<vmem>>
      %dma_wait3A_1090 = tpu.memref_squeeze %dma_wait3A_1089 : memref<1x64x128xf32, #tpu.memory_space<vmem>> -> memref<64x128xf32, #tpu.memory_space<vmem>>
      %dma_wait3A_1091 = arith.constant 0 : i32
      %dma_wait3A_1092 = arith.constant 0 : i32
      %dma_wait3A_1093 = tpu.memref_slice %arg3[%dma_wait3A_1091, %dma_wait3A_1092] : memref<64x1000000xf32, #tpu.memory_space<hbm>> -> memref<64x128xf32, #tpu.memory_space<hbm>>
      %dma_wait3A_1094 = tpu.memref_slice %arg10[%dma_wait3A_1086] : memref<8x!tpu.dma_semaphore, #tpu.memory_space<semaphore_mem>> -> memref<1x!tpu.dma_semaphore, #tpu.memory_space<semaphore_mem>>
      %dma_wait3A_1095 = tpu.memref_squeeze %dma_wait3A_1094 : memref<1x!tpu.dma_semaphore, #tpu.memory_space<semaphore_mem>> -> memref<!tpu.dma_semaphore, #tpu.memory_space<semaphore_mem>>
      %dma_wait3A_1096 = arith.constant 0 : i32
      %dma_wait3A_1097 = arith.constant 0 : i32
      %dma_wait3A_1098 = tpu.memref_slice %arg7[%dma_wait3A_1085, %dma_wait3A_1096, %dma_wait3A_1097] : memref<8x64x128xf32, #tpu.memory_space<vmem>> -> memref<1x64x128xf32, #tpu.memory_space<vmem>>
      %dma_wait3A_1099 = tpu.memref_squeeze %dma_wait3A_1098 : memref<1x64x128xf32, #tpu.memory_space<vmem>> -> memref<64x128xf32, #tpu.memory_space<vmem>>
      %dma_wait3A_1100 = arith.constant 0 : i32
      %dma_wait3A_1101 = arith.constant 0 : i32
      %dma_wait3A_1102 = tpu.memref_slice %arg3[%dma_wait3A_1100, %dma_wait3A_1101] : memref<64x1000000xf32, #tpu.memory_space<hbm>> -> memref<64x128xf32, #tpu.memory_space<hbm>>
      tpu.wait_dma2 semaphore(%dma_wait3A_1095 : memref<!tpu.dma_semaphore, #tpu.memory_space<semaphore_mem>>) src(%dma_wait3A_1102 : memref<64x128xf32, #tpu.memory_space<hbm>>) dst(%dma_wait3A_1099 : memref<64x128xf32, #tpu.memory_space<vmem>>)
      %and3A_1103 = arith.constant 127 : i32
      %and3A_1104 = arith.andi %squeeze3A_1084, %and3A_1103 : i32
      %broadcast_in_dim3A_1105 = vector.broadcast %and3A_1104 : i32 to vector<16xi32>
      %broadcast_in_dim3A_1106 = vector.broadcast %add3A_1082 : i32 to vector<16xi32>
      %add3A_1107 = arith.constant 0 : i32
      %add3A_1108 = vector.broadcast %add3A_1107 : i32 to vector<16xi32>
      %add3A_1109 = arith.addi %iota3A, %add3A_1108 : vector<16xi32>
      %gather3A_1110 = arith.constant 2 : i32
      %gather3A_1111 = arith.constant 0 : i32
      %gather3A_1112 = arith.constant 0 : i32
      %gather3A_1113 = tpu.memref_slice %arg7[%gather3A_1110, %gather3A_1111, %gather3A_1112] : memref<8x64x128xf32, #tpu.memory_space<vmem>> -> memref<1x64x128xf32, #tpu.memory_space<vmem>>
      %gather3A_1114 = tpu.memref_squeeze %gather3A_1113 : memref<1x64x128xf32, #tpu.memory_space<vmem>> -> memref<64x128xf32, #tpu.memory_space<vmem>>
      %gather3A_1115 = tpu.vector_load_idx %gather3A_1114[%add3A_1109, %broadcast_in_dim3A_1105] : memref<64x128xf32, #tpu.memory_space<vmem>>[vector<16xi32>, vector<16xi32>], vector<16xf32>,
      %gather3A_1116 = tpu.vector_load_idx %arg9[%add3A_1109, %broadcast_in_dim3A_1106] : memref<64x256xf32, #tpu.memory_space<vmem>>[vector<16xi32>, vector<16xi32>], vector<16xf32>,
      %add3A_1117 = arith.addf %gather3A_1115, %gather3A_1116 : vector<16xf32>
      %mul3A_1118 = arith.constant 8.000000e+00 : f32
      %mul3A_1119 = vector.broadcast %mul3A_1118 : f32 to vector<16xf32>
      %mul3A_1120 = arith.mulf %add3A_1117, %mul3A_1119 : vector<16xf32>
      tpu.vector_store_idx %arg8[%add3A_1109, %broadcast_in_dim3A_1106], %mul3A_1120 : memref<64x256xf32, #tpu.memory_space<vmem>>[vector<16xi32>, vector<16xi32>], vector<16xf32>,
      %add3A_1121 = arith.constant 16 : i32
      %add3A_1122 = vector.broadcast %add3A_1121 : i32 to vector<16xi32>
      %add3A_1123 = arith.addi %iota3A, %add3A_1122 : vector<16xi32>
      %gather3A_1124 = arith.constant 2 : i32
      %gather3A_1125 = arith.constant 0 : i32
      %gather3A_1126 = arith.constant 0 : i32
      %gather3A_1127 = tpu.memref_slice %arg7[%gather3A_1124, %gather3A_1125, %gather3A_1126] : memref<8x64x128xf32, #tpu.memory_space<vmem>> -> memref<1x64x128xf32, #tpu.memory_space<vmem>>
      %gather3A_1128 = tpu.memref_squeeze %gather3A_1127 : memref<1x64x128xf32, #tpu.memory_space<vmem>> -> memref<64x128xf32, #tpu.memory_space<vmem>>
      %gather3A_1129 = tpu.vector_load_idx %gather3A_1128[%add3A_1123, %broadcast_in_dim3A_1105] : memref<64x128xf32, #tpu.memory_space<vmem>>[vector<16xi32>, vector<16xi32>], vector<16xf32>,
      %gather3A_1130 = tpu.vector_load_idx %arg9[%add3A_1123, %broadcast_in_dim3A_1106] : memref<64x256xf32, #tpu.memory_space<vmem>>[vector<16xi32>, vector<16xi32>], vector<16xf32>,
      %add3A_1131 = arith.addf %gather3A_1129, %gather3A_1130 : vector<16xf32>
      %mul3A_1132 = arith.constant 8.000000e+00 : f32
      %mul3A_1133 = vector.broadcast %mul3A_1132 : f32 to vector<16xf32>
      %mul3A_1134 = arith.mulf %add3A_1131, %mul3A_1133 : vector<16xf32>
      tpu.vector_store_idx %arg8[%add3A_1123, %broadcast_in_dim3A_1106], %mul3A_1134 : memref<64x256xf32, #tpu.memory_space<vmem>>[vector<16xi32>, vector<16xi32>], vector<16xf32>,
      %add3A_1135 = arith.constant 32 : i32
      %add3A_1136 = vector.broadcast %add3A_1135 : i32 to vector<16xi32>
      %add3A_1137 = arith.addi %iota3A, %add3A_1136 : vector<16xi32>
      %gather3A_1138 = arith.constant 2 : i32
      %gather3A_1139 = arith.constant 0 : i32
      %gather3A_1140 = arith.constant 0 : i32
      %gather3A_1141 = tpu.memref_slice %arg7[%gather3A_1138, %gather3A_1139, %gather3A_1140] : memref<8x64x128xf32, #tpu.memory_space<vmem>> -> memref<1x64x128xf32, #tpu.memory_space<vmem>>
      %gather3A_1142 = tpu.memref_squeeze %gather3A_1141 : memref<1x64x128xf32, #tpu.memory_space<vmem>> -> memref<64x128xf32, #tpu.memory_space<vmem>>
      %gather3A_1143 = tpu.vector_load_idx %gather3A_1142[%add3A_1137, %broadcast_in_dim3A_1105] : memref<64x128xf32, #tpu.memory_space<vmem>>[vector<16xi32>, vector<16xi32>], vector<16xf32>,
      %gather3A_1144 = tpu.vector_load_idx %arg9[%add3A_1137, %broadcast_in_dim3A_1106] : memref<64x256xf32, #tpu.memory_space<vmem>>[vector<16xi32>, vector<16xi32>], vector<16xf32>,
      %add3A_1145 = arith.addf %gather3A_1143, %gather3A_1144 : vector<16xf32>
      %mul3A_1146 = arith.constant 8.000000e+00 : f32
      %mul3A_1147 = vector.broadcast %mul3A_1146 : f32 to vector<16xf32>
      %mul3A_1148 = arith.mulf %add3A_1145, %mul3A_1147 : vector<16xf32>
      tpu.vector_store_idx %arg8[%add3A_1137, %broadcast_in_dim3A_1106], %mul3A_1148 : memref<64x256xf32, #tpu.memory_space<vmem>>[vector<16xi32>, vector<16xi32>], vector<16xf32>,
      %add3A_1149 = arith.constant 48 : i32
      %add3A_1150 = vector.broadcast %add3A_1149 : i32 to vector<16xi32>
      %add3A_1151 = arith.addi %iota3A, %add3A_1150 : vector<16xi32>
      %gather3A_1152 = arith.constant 2 : i32
      %gather3A_1153 = arith.constant 0 : i32
      %gather3A_1154 = arith.constant 0 : i32
      %gather3A_1155 = tpu.memref_slice %arg7[%gather3A_1152, %gather3A_1153, %gather3A_1154] : memref<8x64x128xf32, #tpu.memory_space<vmem>> -> memref<1x64x128xf32, #tpu.memory_space<vmem>>
      %gather3A_1156 = tpu.memref_squeeze %gather3A_1155 : memref<1x64x128xf32, #tpu.memory_space<vmem>> -> memref<64x128xf32, #tpu.memory_space<vmem>>
      %gather3A_1157 = tpu.vector_load_idx %gather3A_1156[%add3A_1151, %broadcast_in_dim3A_1105] : memref<64x128xf32, #tpu.memory_space<vmem>>[vector<16xi32>, vector<16xi32>], vector<16xf32>,
      %gather3A_1158 = tpu.vector_load_idx %arg9[%add3A_1151, %broadcast_in_dim3A_1106] : memref<64x256xf32, #tpu.memory_space<vmem>>[vector<16xi32>, vector<16xi32>], vector<16xf32>,
      %add3A_1159 = arith.addf %gather3A_1157, %gather3A_1158 : vector<16xf32>
      %mul3A_1160 = arith.constant 8.000000e+00 : f32
      %mul3A_1161 = vector.broadcast %mul3A_1160 : f32 to vector<16xf32>
      %mul3A_1162 = arith.mulf %add3A_1159, %mul3A_1161 : vector<16xf32>
      tpu.vector_store_idx %arg8[%add3A_1151, %broadcast_in_dim3A_1106], %mul3A_1162 : memref<64x256xf32, #tpu.memory_space<vmem>>[vector<16xi32>, vector<16xi32>], vector<16xf32>,
      %slice3A_1163 = vector.extract_strided_slice %get3A_864 {offsets = [10], sizes = [1], strides = [1]} : vector<16xi32> to vector<1xi32>
      %squeeze3A_1164 = vector.extract %slice3A_1163[0] : i32 from vector<1xi32>
      %shift_right_arithmetic3A_1165 = arith.constant 7 : i32
      %shift_right_arithmetic3A_1166 = arith.shrsi %squeeze3A_1164, %shift_right_arithmetic3A_1165 : i32
      %shift_left3A_1167 = arith.constant 7 : i32
      %shift_left3A_1168 = arith.shli %shift_right_arithmetic3A_1166, %shift_left3A_1167 : i32
      %multiple_of3A_1169 = tpu.assume_multiple %shift_left3A_1168, 128 : i32
      %dma_start3A_1170 = arith.constant 2 : i32
      %dma_start3A_1171 = arith.constant 2 : i32
      %dma_start3A_1172 = arith.constant 0 : i32
      %dma_start3A_1173 = arith.constant 0 : i32
      %dma_start3A_1174 = tpu.memref_slice %arg7[%dma_start3A_1170, %dma_start3A_1172, %dma_start3A_1173] : memref<8x64x128xf32, #tpu.memory_space<vmem>> -> memref<1x64x128xf32, #tpu.memory_space<vmem>>
      %dma_start3A_1175 = tpu.memref_squeeze %dma_start3A_1174 : memref<1x64x128xf32, #tpu.memory_space<vmem>> -> memref<64x128xf32, #tpu.memory_space<vmem>>
      %dma_start3A_1176 = arith.constant 0 : i32
      %dma_start3A_1177 = tpu.memref_slice %arg3[%dma_start3A_1176, %multiple_of3A_1169] : memref<64x1000000xf32, #tpu.memory_space<hbm>> -> memref<64x128xf32, #tpu.memory_space<hbm>>
      %dma_start3A_1178 = tpu.memref_slice %arg10[%dma_start3A_1171] : memref<8x!tpu.dma_semaphore, #tpu.memory_space<semaphore_mem>> -> memref<1x!tpu.dma_semaphore, #tpu.memory_space<semaphore_mem>>
      %dma_start3A_1179 = tpu.memref_squeeze %dma_start3A_1178 : memref<1x!tpu.dma_semaphore, #tpu.memory_space<semaphore_mem>> -> memref<!tpu.dma_semaphore, #tpu.memory_space<semaphore_mem>>
      %dma_start3A_1180 = arith.constant 0 : i32
      %dma_start3A_1181 = arith.constant 0 : i32
      %dma_start3A_1182 = tpu.memref_slice %arg7[%dma_start3A_1170, %dma_start3A_1180, %dma_start3A_1181] : memref<8x64x128xf32, #tpu.memory_space<vmem>> -> memref<1x64x128xf32, #tpu.memory_space<vmem>>
      %dma_start3A_1183 = tpu.memref_squeeze %dma_start3A_1182 : memref<1x64x128xf32, #tpu.memory_space<vmem>> -> memref<64x128xf32, #tpu.memory_space<vmem>>
      %dma_start3A_1184 = arith.constant 0 : i32
      %dma_start3A_1185 = tpu.memref_slice %arg3[%dma_start3A_1184, %multiple_of3A_1169] : memref<64x1000000xf32, #tpu.memory_space<hbm>> -> memref<64x128xf32, #tpu.memory_space<hbm>>
      tpu.enqueue_dma source(%dma_start3A_1185 : memref<64x128xf32, #tpu.memory_space<hbm>>) target(%dma_start3A_1183 : memref<64x128xf32, #tpu.memory_space<vmem>>) target_semaphore(%dma_start3A_1179 : memref<!tpu.dma_semaphore, #tpu.memory_space<semaphore_mem>>)
      %mul3A_1186 = arith.constant 8 : i32
      %mul3A_1187 = arith.muli %scan3A_860, %mul3A_1186 : i32
      %add3A_1188 = arith.constant 3 : i32
      %add3A_1189 = arith.addi %mul3A_1187, %add3A_1188 : i32
      %slice3A_1190 = vector.extract_strided_slice %get3A_864 {offsets = [3], sizes = [1], strides = [1]} : vector<16xi32> to vector<1xi32>
      %squeeze3A_1191 = vector.extract %slice3A_1190[0] : i32 from vector<1xi32>
      %dma_wait3A_1192 = arith.constant 3 : i32
      %dma_wait3A_1193 = arith.constant 3 : i32
      %dma_wait3A_1194 = arith.constant 0 : i32
      %dma_wait3A_1195 = arith.constant 0 : i32
      %dma_wait3A_1196 = tpu.memref_slice %arg7[%dma_wait3A_1192, %dma_wait3A_1194, %dma_wait3A_1195] : memref<8x64x128xf32, #tpu.memory_space<vmem>> -> memref<1x64x128xf32, #tpu.memory_space<vmem>>
      %dma_wait3A_1197 = tpu.memref_squeeze %dma_wait3A_1196 : memref<1x64x128xf32, #tpu.memory_space<vmem>> -> memref<64x128xf32, #tpu.memory_space<vmem>>
      %dma_wait3A_1198 = arith.constant 0 : i32
      %dma_wait3A_1199 = arith.constant 0 : i32
      %dma_wait3A_1200 = tpu.memref_slice %arg3[%dma_wait3A_1198, %dma_wait3A_1199] : memref<64x1000000xf32, #tpu.memory_space<hbm>> -> memref<64x128xf32, #tpu.memory_space<hbm>>
      %dma_wait3A_1201 = tpu.memref_slice %arg10[%dma_wait3A_1193] : memref<8x!tpu.dma_semaphore, #tpu.memory_space<semaphore_mem>> -> memref<1x!tpu.dma_semaphore, #tpu.memory_space<semaphore_mem>>
      %dma_wait3A_1202 = tpu.memref_squeeze %dma_wait3A_1201 : memref<1x!tpu.dma_semaphore, #tpu.memory_space<semaphore_mem>> -> memref<!tpu.dma_semaphore, #tpu.memory_space<semaphore_mem>>
      %dma_wait3A_1203 = arith.constant 0 : i32
      %dma_wait3A_1204 = arith.constant 0 : i32
      %dma_wait3A_1205 = tpu.memref_slice %arg7[%dma_wait3A_1192, %dma_wait3A_1203, %dma_wait3A_1204] : memref<8x64x128xf32, #tpu.memory_space<vmem>> -> memref<1x64x128xf32, #tpu.memory_space<vmem>>
      %dma_wait3A_1206 = tpu.memref_squeeze %dma_wait3A_1205 : memref<1x64x128xf32, #tpu.memory_space<vmem>> -> memref<64x128xf32, #tpu.memory_space<vmem>>
      %dma_wait3A_1207 = arith.constant 0 : i32
      %dma_wait3A_1208 = arith.constant 0 : i32
      %dma_wait3A_1209 = tpu.memref_slice %arg3[%dma_wait3A_1207, %dma_wait3A_1208] : memref<64x1000000xf32, #tpu.memory_space<hbm>> -> memref<64x128xf32, #tpu.memory_space<hbm>>
      tpu.wait_dma2 semaphore(%dma_wait3A_1202 : memref<!tpu.dma_semaphore, #tpu.memory_space<semaphore_mem>>) src(%dma_wait3A_1209 : memref<64x128xf32, #tpu.memory_space<hbm>>) dst(%dma_wait3A_1206 : memref<64x128xf32, #tpu.memory_space<vmem>>)
      %and3A_1210 = arith.constant 127 : i32
      %and3A_1211 = arith.andi %squeeze3A_1191, %and3A_1210 : i32
      %broadcast_in_dim3A_1212 = vector.broadcast %and3A_1211 : i32 to vector<16xi32>
      %broadcast_in_dim3A_1213 = vector.broadcast %add3A_1189 : i32 to vector<16xi32>
      %add3A_1214 = arith.constant 0 : i32
      %add3A_1215 = vector.broadcast %add3A_1214 : i32 to vector<16xi32>
      %add3A_1216 = arith.addi %iota3A, %add3A_1215 : vector<16xi32>
      %gather3A_1217 = arith.constant 3 : i32
      %gather3A_1218 = arith.constant 0 : i32
      %gather3A_1219 = arith.constant 0 : i32
      %gather3A_1220 = tpu.memref_slice %arg7[%gather3A_1217, %gather3A_1218, %gather3A_1219] : memref<8x64x128xf32, #tpu.memory_space<vmem>> -> memref<1x64x128xf32, #tpu.memory_space<vmem>>
      %gather3A_1221 = tpu.memref_squeeze %gather3A_1220 : memref<1x64x128xf32, #tpu.memory_space<vmem>> -> memref<64x128xf32, #tpu.memory_space<vmem>>
      %gather3A_1222 = tpu.vector_load_idx %gather3A_1221[%add3A_1216, %broadcast_in_dim3A_1212] : memref<64x128xf32, #tpu.memory_space<vmem>>[vector<16xi32>, vector<16xi32>], vector<16xf32>,
      %gather3A_1223 = tpu.vector_load_idx %arg9[%add3A_1216, %broadcast_in_dim3A_1213] : memref<64x256xf32, #tpu.memory_space<vmem>>[vector<16xi32>, vector<16xi32>], vector<16xf32>,
      %add3A_1224 = arith.addf %gather3A_1222, %gather3A_1223 : vector<16xf32>
      %mul3A_1225 = arith.constant 8.000000e+00 : f32
      %mul3A_1226 = vector.broadcast %mul3A_1225 : f32 to vector<16xf32>
      %mul3A_1227 = arith.mulf %add3A_1224, %mul3A_1226 : vector<16xf32>
      tpu.vector_store_idx %arg8[%add3A_1216, %broadcast_in_dim3A_1213], %mul3A_1227 : memref<64x256xf32, #tpu.memory_space<vmem>>[vector<16xi32>, vector<16xi32>], vector<16xf32>,
      %add3A_1228 = arith.constant 16 : i32
      %add3A_1229 = vector.broadcast %add3A_1228 : i32 to vector<16xi32>
      %add3A_1230 = arith.addi %iota3A, %add3A_1229 : vector<16xi32>
      %gather3A_1231 = arith.constant 3 : i32
      %gather3A_1232 = arith.constant 0 : i32
      %gather3A_1233 = arith.constant 0 : i32
      %gather3A_1234 = tpu.memref_slice %arg7[%gather3A_1231, %gather3A_1232, %gather3A_1233] : memref<8x64x128xf32, #tpu.memory_space<vmem>> -> memref<1x64x128xf32, #tpu.memory_space<vmem>>
      %gather3A_1235 = tpu.memref_squeeze %gather3A_1234 : memref<1x64x128xf32, #tpu.memory_space<vmem>> -> memref<64x128xf32, #tpu.memory_space<vmem>>
      %gather3A_1236 = tpu.vector_load_idx %gather3A_1235[%add3A_1230, %broadcast_in_dim3A_1212] : memref<64x128xf32, #tpu.memory_space<vmem>>[vector<16xi32>, vector<16xi32>], vector<16xf32>,
      %gather3A_1237 = tpu.vector_load_idx %arg9[%add3A_1230, %broadcast_in_dim3A_1213] : memref<64x256xf32, #tpu.memory_space<vmem>>[vector<16xi32>, vector<16xi32>], vector<16xf32>,
      %add3A_1238 = arith.addf %gather3A_1236, %gather3A_1237 : vector<16xf32>
      %mul3A_1239 = arith.constant 8.000000e+00 : f32
      %mul3A_1240 = vector.broadcast %mul3A_1239 : f32 to vector<16xf32>
      %mul3A_1241 = arith.mulf %add3A_1238, %mul3A_1240 : vector<16xf32>
      tpu.vector_store_idx %arg8[%add3A_1230, %broadcast_in_dim3A_1213], %mul3A_1241 : memref<64x256xf32, #tpu.memory_space<vmem>>[vector<16xi32>, vector<16xi32>], vector<16xf32>,
      %add3A_1242 = arith.constant 32 : i32
      %add3A_1243 = vector.broadcast %add3A_1242 : i32 to vector<16xi32>
      %add3A_1244 = arith.addi %iota3A, %add3A_1243 : vector<16xi32>
      %gather3A_1245 = arith.constant 3 : i32
      %gather3A_1246 = arith.constant 0 : i32
      %gather3A_1247 = arith.constant 0 : i32
      %gather3A_1248 = tpu.memref_slice %arg7[%gather3A_1245, %gather3A_1246, %gather3A_1247] : memref<8x64x128xf32, #tpu.memory_space<vmem>> -> memref<1x64x128xf32, #tpu.memory_space<vmem>>
      %gather3A_1249 = tpu.memref_squeeze %gather3A_1248 : memref<1x64x128xf32, #tpu.memory_space<vmem>> -> memref<64x128xf32, #tpu.memory_space<vmem>>
      %gather3A_1250 = tpu.vector_load_idx %gather3A_1249[%add3A_1244, %broadcast_in_dim3A_1212] : memref<64x128xf32, #tpu.memory_space<vmem>>[vector<16xi32>, vector<16xi32>], vector<16xf32>,
      %gather3A_1251 = tpu.vector_load_idx %arg9[%add3A_1244, %broadcast_in_dim3A_1213] : memref<64x256xf32, #tpu.memory_space<vmem>>[vector<16xi32>, vector<16xi32>], vector<16xf32>,
      %add3A_1252 = arith.addf %gather3A_1250, %gather3A_1251 : vector<16xf32>
      %mul3A_1253 = arith.constant 8.000000e+00 : f32
      %mul3A_1254 = vector.broadcast %mul3A_1253 : f32 to vector<16xf32>
      %mul3A_1255 = arith.mulf %add3A_1252, %mul3A_1254 : vector<16xf32>
      tpu.vector_store_idx %arg8[%add3A_1244, %broadcast_in_dim3A_1213], %mul3A_1255 : memref<64x256xf32, #tpu.memory_space<vmem>>[vector<16xi32>, vector<16xi32>], vector<16xf32>,
      %add3A_1256 = arith.constant 48 : i32
      %add3A_1257 = vector.broadcast %add3A_1256 : i32 to vector<16xi32>
      %add3A_1258 = arith.addi %iota3A, %add3A_1257 : vector<16xi32>
      %gather3A_1259 = arith.constant 3 : i32
      %gather3A_1260 = arith.constant 0 : i32
      %gather3A_1261 = arith.constant 0 : i32
      %gather3A_1262 = tpu.memref_slice %arg7[%gather3A_1259, %gather3A_1260, %gather3A_1261] : memref<8x64x128xf32, #tpu.memory_space<vmem>> -> memref<1x64x128xf32, #tpu.memory_space<vmem>>
      %gather3A_1263 = tpu.memref_squeeze %gather3A_1262 : memref<1x64x128xf32, #tpu.memory_space<vmem>> -> memref<64x128xf32, #tpu.memory_space<vmem>>
      %gather3A_1264 = tpu.vector_load_idx %gather3A_1263[%add3A_1258, %broadcast_in_dim3A_1212] : memref<64x128xf32, #tpu.memory_space<vmem>>[vector<16xi32>, vector<16xi32>], vector<16xf32>,
      %gather3A_1265 = tpu.vector_load_idx %arg9[%add3A_1258, %broadcast_in_dim3A_1213] : memref<64x256xf32, #tpu.memory_space<vmem>>[vector<16xi32>, vector<16xi32>], vector<16xf32>,
      %add3A_1266 = arith.addf %gather3A_1264, %gather3A_1265 : vector<16xf32>
      %mul3A_1267 = arith.constant 8.000000e+00 : f32
      %mul3A_1268 = vector.broadcast %mul3A_1267 : f32 to vector<16xf32>
      %mul3A_1269 = arith.mulf %add3A_1266, %mul3A_1268 : vector<16xf32>
      tpu.vector_store_idx %arg8[%add3A_1258, %broadcast_in_dim3A_1213], %mul3A_1269 : memref<64x256xf32, #tpu.memory_space<vmem>>[vector<16xi32>, vector<16xi32>], vector<16xf32>,
      %slice3A_1270 = vector.extract_strided_slice %get3A_864 {offsets = [11], sizes = [1], strides = [1]} : vector<16xi32> to vector<1xi32>
      %squeeze3A_1271 = vector.extract %slice3A_1270[0] : i32 from vector<1xi32>
      %shift_right_arithmetic3A_1272 = arith.constant 7 : i32
      %shift_right_arithmetic3A_1273 = arith.shrsi %squeeze3A_1271, %shift_right_arithmetic3A_1272 : i32
      %shift_left3A_1274 = arith.constant 7 : i32
      %shift_left3A_1275 = arith.shli %shift_right_arithmetic3A_1273, %shift_left3A_1274 : i32
      %multiple_of3A_1276 = tpu.assume_multiple %shift_left3A_1275, 128 : i32
      %dma_start3A_1277 = arith.constant 3 : i32
      %dma_start3A_1278 = arith.constant 3 : i32
      %dma_start3A_1279 = arith.constant 0 : i32
      %dma_start3A_1280 = arith.constant 0 : i32
      %dma_start3A_1281 = tpu.memref_slice %arg7[%dma_start3A_1277, %dma_start3A_1279, %dma_start3A_1280] : memref<8x64x128xf32, #tpu.memory_space<vmem>> -> memref<1x64x128xf32, #tpu.memory_space<vmem>>
      %dma_start3A_1282 = tpu.memref_squeeze %dma_start3A_1281 : memref<1x64x128xf32, #tpu.memory_space<vmem>> -> memref<64x128xf32, #tpu.memory_space<vmem>>
      %dma_start3A_1283 = arith.constant 0 : i32
      %dma_start3A_1284 = tpu.memref_slice %arg3[%dma_start3A_1283, %multiple_of3A_1276] : memref<64x1000000xf32, #tpu.memory_space<hbm>> -> memref<64x128xf32, #tpu.memory_space<hbm>>
      %dma_start3A_1285 = tpu.memref_slice %arg10[%dma_start3A_1278] : memref<8x!tpu.dma_semaphore, #tpu.memory_space<semaphore_mem>> -> memref<1x!tpu.dma_semaphore, #tpu.memory_space<semaphore_mem>>
      %dma_start3A_1286 = tpu.memref_squeeze %dma_start3A_1285 : memref<1x!tpu.dma_semaphore, #tpu.memory_space<semaphore_mem>> -> memref<!tpu.dma_semaphore, #tpu.memory_space<semaphore_mem>>
      %dma_start3A_1287 = arith.constant 0 : i32
      %dma_start3A_1288 = arith.constant 0 : i32
      %dma_start3A_1289 = tpu.memref_slice %arg7[%dma_start3A_1277, %dma_start3A_1287, %dma_start3A_1288] : memref<8x64x128xf32, #tpu.memory_space<vmem>> -> memref<1x64x128xf32, #tpu.memory_space<vmem>>
      %dma_start3A_1290 = tpu.memref_squeeze %dma_start3A_1289 : memref<1x64x128xf32, #tpu.memory_space<vmem>> -> memref<64x128xf32, #tpu.memory_space<vmem>>
      %dma_start3A_1291 = arith.constant 0 : i32
      %dma_start3A_1292 = tpu.memref_slice %arg3[%dma_start3A_1291, %multiple_of3A_1276] : memref<64x1000000xf32, #tpu.memory_space<hbm>> -> memref<64x128xf32, #tpu.memory_space<hbm>>
      tpu.enqueue_dma source(%dma_start3A_1292 : memref<64x128xf32, #tpu.memory_space<hbm>>) target(%dma_start3A_1290 : memref<64x128xf32, #tpu.memory_space<vmem>>) target_semaphore(%dma_start3A_1286 : memref<!tpu.dma_semaphore, #tpu.memory_space<semaphore_mem>>)
      %mul3A_1293 = arith.constant 8 : i32
      %mul3A_1294 = arith.muli %scan3A_860, %mul3A_1293 : i32
      %add3A_1295 = arith.constant 4 : i32
      %add3A_1296 = arith.addi %mul3A_1294, %add3A_1295 : i32
      %slice3A_1297 = vector.extract_strided_slice %get3A_864 {offsets = [4], sizes = [1], strides = [1]} : vector<16xi32> to vector<1xi32>
      %squeeze3A_1298 = vector.extract %slice3A_1297[0] : i32 from vector<1xi32>
      %dma_wait3A_1299 = arith.constant 4 : i32
      %dma_wait3A_1300 = arith.constant 4 : i32
      %dma_wait3A_1301 = arith.constant 0 : i32
      %dma_wait3A_1302 = arith.constant 0 : i32
      %dma_wait3A_1303 = tpu.memref_slice %arg7[%dma_wait3A_1299, %dma_wait3A_1301, %dma_wait3A_1302] : memref<8x64x128xf32, #tpu.memory_space<vmem>> -> memref<1x64x128xf32, #tpu.memory_space<vmem>>
      %dma_wait3A_1304 = tpu.memref_squeeze %dma_wait3A_1303 : memref<1x64x128xf32, #tpu.memory_space<vmem>> -> memref<64x128xf32, #tpu.memory_space<vmem>>
      %dma_wait3A_1305 = arith.constant 0 : i32
      %dma_wait3A_1306 = arith.constant 0 : i32
      %dma_wait3A_1307 = tpu.memref_slice %arg3[%dma_wait3A_1305, %dma_wait3A_1306] : memref<64x1000000xf32, #tpu.memory_space<hbm>> -> memref<64x128xf32, #tpu.memory_space<hbm>>
      %dma_wait3A_1308 = tpu.memref_slice %arg10[%dma_wait3A_1300] : memref<8x!tpu.dma_semaphore, #tpu.memory_space<semaphore_mem>> -> memref<1x!tpu.dma_semaphore, #tpu.memory_space<semaphore_mem>>
      %dma_wait3A_1309 = tpu.memref_squeeze %dma_wait3A_1308 : memref<1x!tpu.dma_semaphore, #tpu.memory_space<semaphore_mem>> -> memref<!tpu.dma_semaphore, #tpu.memory_space<semaphore_mem>>
      %dma_wait3A_1310 = arith.constant 0 : i32
      %dma_wait3A_1311 = arith.constant 0 : i32
      %dma_wait3A_1312 = tpu.memref_slice %arg7[%dma_wait3A_1299, %dma_wait3A_1310, %dma_wait3A_1311] : memref<8x64x128xf32, #tpu.memory_space<vmem>> -> memref<1x64x128xf32, #tpu.memory_space<vmem>>
      %dma_wait3A_1313 = tpu.memref_squeeze %dma_wait3A_1312 : memref<1x64x128xf32, #tpu.memory_space<vmem>> -> memref<64x128xf32, #tpu.memory_space<vmem>>
      %dma_wait3A_1314 = arith.constant 0 : i32
      %dma_wait3A_1315 = arith.constant 0 : i32
      %dma_wait3A_1316 = tpu.memref_slice %arg3[%dma_wait3A_1314, %dma_wait3A_1315] : memref<64x1000000xf32, #tpu.memory_space<hbm>> -> memref<64x128xf32, #tpu.memory_space<hbm>>
      tpu.wait_dma2 semaphore(%dma_wait3A_1309 : memref<!tpu.dma_semaphore, #tpu.memory_space<semaphore_mem>>) src(%dma_wait3A_1316 : memref<64x128xf32, #tpu.memory_space<hbm>>) dst(%dma_wait3A_1313 : memref<64x128xf32, #tpu.memory_space<vmem>>)
      %and3A_1317 = arith.constant 127 : i32
      %and3A_1318 = arith.andi %squeeze3A_1298, %and3A_1317 : i32
      %broadcast_in_dim3A_1319 = vector.broadcast %and3A_1318 : i32 to vector<16xi32>
      %broadcast_in_dim3A_1320 = vector.broadcast %add3A_1296 : i32 to vector<16xi32>
      %add3A_1321 = arith.constant 0 : i32
      %add3A_1322 = vector.broadcast %add3A_1321 : i32 to vector<16xi32>
      %add3A_1323 = arith.addi %iota3A, %add3A_1322 : vector<16xi32>
      %gather3A_1324 = arith.constant 4 : i32
      %gather3A_1325 = arith.constant 0 : i32
      %gather3A_1326 = arith.constant 0 : i32
      %gather3A_1327 = tpu.memref_slice %arg7[%gather3A_1324, %gather3A_1325, %gather3A_1326] : memref<8x64x128xf32, #tpu.memory_space<vmem>> -> memref<1x64x128xf32, #tpu.memory_space<vmem>>
      %gather3A_1328 = tpu.memref_squeeze %gather3A_1327 : memref<1x64x128xf32, #tpu.memory_space<vmem>> -> memref<64x128xf32, #tpu.memory_space<vmem>>
      %gather3A_1329 = tpu.vector_load_idx %gather3A_1328[%add3A_1323, %broadcast_in_dim3A_1319] : memref<64x128xf32, #tpu.memory_space<vmem>>[vector<16xi32>, vector<16xi32>], vector<16xf32>,
      %gather3A_1330 = tpu.vector_load_idx %arg9[%add3A_1323, %broadcast_in_dim3A_1320] : memref<64x256xf32, #tpu.memory_space<vmem>>[vector<16xi32>, vector<16xi32>], vector<16xf32>,
      %add3A_1331 = arith.addf %gather3A_1329, %gather3A_1330 : vector<16xf32>
      %mul3A_1332 = arith.constant 8.000000e+00 : f32
      %mul3A_1333 = vector.broadcast %mul3A_1332 : f32 to vector<16xf32>
      %mul3A_1334 = arith.mulf %add3A_1331, %mul3A_1333 : vector<16xf32>
      tpu.vector_store_idx %arg8[%add3A_1323, %broadcast_in_dim3A_1320], %mul3A_1334 : memref<64x256xf32, #tpu.memory_space<vmem>>[vector<16xi32>, vector<16xi32>], vector<16xf32>,
      %add3A_1335 = arith.constant 16 : i32
      %add3A_1336 = vector.broadcast %add3A_1335 : i32 to vector<16xi32>
      %add3A_1337 = arith.addi %iota3A, %add3A_1336 : vector<16xi32>
      %gather3A_1338 = arith.constant 4 : i32
      %gather3A_1339 = arith.constant 0 : i32
      %gather3A_1340 = arith.constant 0 : i32
      %gather3A_1341 = tpu.memref_slice %arg7[%gather3A_1338, %gather3A_1339, %gather3A_1340] : memref<8x64x128xf32, #tpu.memory_space<vmem>> -> memref<1x64x128xf32, #tpu.memory_space<vmem>>
      %gather3A_1342 = tpu.memref_squeeze %gather3A_1341 : memref<1x64x128xf32, #tpu.memory_space<vmem>> -> memref<64x128xf32, #tpu.memory_space<vmem>>
      %gather3A_1343 = tpu.vector_load_idx %gather3A_1342[%add3A_1337, %broadcast_in_dim3A_1319] : memref<64x128xf32, #tpu.memory_space<vmem>>[vector<16xi32>, vector<16xi32>], vector<16xf32>,
      %gather3A_1344 = tpu.vector_load_idx %arg9[%add3A_1337, %broadcast_in_dim3A_1320] : memref<64x256xf32, #tpu.memory_space<vmem>>[vector<16xi32>, vector<16xi32>], vector<16xf32>,
      %add3A_1345 = arith.addf %gather3A_1343, %gather3A_1344 : vector<16xf32>
      %mul3A_1346 = arith.constant 8.000000e+00 : f32
      %mul3A_1347 = vector.broadcast %mul3A_1346 : f32 to vector<16xf32>
      %mul3A_1348 = arith.mulf %add3A_1345, %mul3A_1347 : vector<16xf32>
      tpu.vector_store_idx %arg8[%add3A_1337, %broadcast_in_dim3A_1320], %mul3A_1348 : memref<64x256xf32, #tpu.memory_space<vmem>>[vector<16xi32>, vector<16xi32>], vector<16xf32>,
      %add3A_1349 = arith.constant 32 : i32
      %add3A_1350 = vector.broadcast %add3A_1349 : i32 to vector<16xi32>
      %add3A_1351 = arith.addi %iota3A, %add3A_1350 : vector<16xi32>
      %gather3A_1352 = arith.constant 4 : i32
      %gather3A_1353 = arith.constant 0 : i32
      %gather3A_1354 = arith.constant 0 : i32
      %gather3A_1355 = tpu.memref_slice %arg7[%gather3A_1352, %gather3A_1353, %gather3A_1354] : memref<8x64x128xf32, #tpu.memory_space<vmem>> -> memref<1x64x128xf32, #tpu.memory_space<vmem>>
      %gather3A_1356 = tpu.memref_squeeze %gather3A_1355 : memref<1x64x128xf32, #tpu.memory_space<vmem>> -> memref<64x128xf32, #tpu.memory_space<vmem>>
      %gather3A_1357 = tpu.vector_load_idx %gather3A_1356[%add3A_1351, %broadcast_in_dim3A_1319] : memref<64x128xf32, #tpu.memory_space<vmem>>[vector<16xi32>, vector<16xi32>], vector<16xf32>,
      %gather3A_1358 = tpu.vector_load_idx %arg9[%add3A_1351, %broadcast_in_dim3A_1320] : memref<64x256xf32, #tpu.memory_space<vmem>>[vector<16xi32>, vector<16xi32>], vector<16xf32>,
      %add3A_1359 = arith.addf %gather3A_1357, %gather3A_1358 : vector<16xf32>
      %mul3A_1360 = arith.constant 8.000000e+00 : f32
      %mul3A_1361 = vector.broadcast %mul3A_1360 : f32 to vector<16xf32>
      %mul3A_1362 = arith.mulf %add3A_1359, %mul3A_1361 : vector<16xf32>
      tpu.vector_store_idx %arg8[%add3A_1351, %broadcast_in_dim3A_1320], %mul3A_1362 : memref<64x256xf32, #tpu.memory_space<vmem>>[vector<16xi32>, vector<16xi32>], vector<16xf32>,
      %add3A_1363 = arith.constant 48 : i32
      %add3A_1364 = vector.broadcast %add3A_1363 : i32 to vector<16xi32>
      %add3A_1365 = arith.addi %iota3A, %add3A_1364 : vector<16xi32>
      %gather3A_1366 = arith.constant 4 : i32
      %gather3A_1367 = arith.constant 0 : i32
      %gather3A_1368 = arith.constant 0 : i32
      %gather3A_1369 = tpu.memref_slice %arg7[%gather3A_1366, %gather3A_1367, %gather3A_1368] : memref<8x64x128xf32, #tpu.memory_space<vmem>> -> memref<1x64x128xf32, #tpu.memory_space<vmem>>
      %gather3A_1370 = tpu.memref_squeeze %gather3A_1369 : memref<1x64x128xf32, #tpu.memory_space<vmem>> -> memref<64x128xf32, #tpu.memory_space<vmem>>
      %gather3A_1371 = tpu.vector_load_idx %gather3A_1370[%add3A_1365, %broadcast_in_dim3A_1319] : memref<64x128xf32, #tpu.memory_space<vmem>>[vector<16xi32>, vector<16xi32>], vector<16xf32>,
      %gather3A_1372 = tpu.vector_load_idx %arg9[%add3A_1365, %broadcast_in_dim3A_1320] : memref<64x256xf32, #tpu.memory_space<vmem>>[vector<16xi32>, vector<16xi32>], vector<16xf32>,
      %add3A_1373 = arith.addf %gather3A_1371, %gather3A_1372 : vector<16xf32>
      %mul3A_1374 = arith.constant 8.000000e+00 : f32
      %mul3A_1375 = vector.broadcast %mul3A_1374 : f32 to vector<16xf32>
      %mul3A_1376 = arith.mulf %add3A_1373, %mul3A_1375 : vector<16xf32>
      tpu.vector_store_idx %arg8[%add3A_1365, %broadcast_in_dim3A_1320], %mul3A_1376 : memref<64x256xf32, #tpu.memory_space<vmem>>[vector<16xi32>, vector<16xi32>], vector<16xf32>,
      %slice3A_1377 = vector.extract_strided_slice %get3A_864 {offsets = [12], sizes = [1], strides = [1]} : vector<16xi32> to vector<1xi32>
      %squeeze3A_1378 = vector.extract %slice3A_1377[0] : i32 from vector<1xi32>
      %shift_right_arithmetic3A_1379 = arith.constant 7 : i32
      %shift_right_arithmetic3A_1380 = arith.shrsi %squeeze3A_1378, %shift_right_arithmetic3A_1379 : i32
      %shift_left3A_1381 = arith.constant 7 : i32
      %shift_left3A_1382 = arith.shli %shift_right_arithmetic3A_1380, %shift_left3A_1381 : i32
      %multiple_of3A_1383 = tpu.assume_multiple %shift_left3A_1382, 128 : i32
      %dma_start3A_1384 = arith.constant 4 : i32
      %dma_start3A_1385 = arith.constant 4 : i32
      %dma_start3A_1386 = arith.constant 0 : i32
      %dma_start3A_1387 = arith.constant 0 : i32
      %dma_start3A_1388 = tpu.memref_slice %arg7[%dma_start3A_1384, %dma_start3A_1386, %dma_start3A_1387] : memref<8x64x128xf32, #tpu.memory_space<vmem>> -> memref<1x64x128xf32, #tpu.memory_space<vmem>>
      %dma_start3A_1389 = tpu.memref_squeeze %dma_start3A_1388 : memref<1x64x128xf32, #tpu.memory_space<vmem>> -> memref<64x128xf32, #tpu.memory_space<vmem>>
      %dma_start3A_1390 = arith.constant 0 : i32
      %dma_start3A_1391 = tpu.memref_slice %arg3[%dma_start3A_1390, %multiple_of3A_1383] : memref<64x1000000xf32, #tpu.memory_space<hbm>> -> memref<64x128xf32, #tpu.memory_space<hbm>>
      %dma_start3A_1392 = tpu.memref_slice %arg10[%dma_start3A_1385] : memref<8x!tpu.dma_semaphore, #tpu.memory_space<semaphore_mem>> -> memref<1x!tpu.dma_semaphore, #tpu.memory_space<semaphore_mem>>
      %dma_start3A_1393 = tpu.memref_squeeze %dma_start3A_1392 : memref<1x!tpu.dma_semaphore, #tpu.memory_space<semaphore_mem>> -> memref<!tpu.dma_semaphore, #tpu.memory_space<semaphore_mem>>
      %dma_start3A_1394 = arith.constant 0 : i32
      %dma_start3A_1395 = arith.constant 0 : i32
      %dma_start3A_1396 = tpu.memref_slice %arg7[%dma_start3A_1384, %dma_start3A_1394, %dma_start3A_1395] : memref<8x64x128xf32, #tpu.memory_space<vmem>> -> memref<1x64x128xf32, #tpu.memory_space<vmem>>
      %dma_start3A_1397 = tpu.memref_squeeze %dma_start3A_1396 : memref<1x64x128xf32, #tpu.memory_space<vmem>> -> memref<64x128xf32, #tpu.memory_space<vmem>>
      %dma_start3A_1398 = arith.constant 0 : i32
      %dma_start3A_1399 = tpu.memref_slice %arg3[%dma_start3A_1398, %multiple_of3A_1383] : memref<64x1000000xf32, #tpu.memory_space<hbm>> -> memref<64x128xf32, #tpu.memory_space<hbm>>
      tpu.enqueue_dma source(%dma_start3A_1399 : memref<64x128xf32, #tpu.memory_space<hbm>>) target(%dma_start3A_1397 : memref<64x128xf32, #tpu.memory_space<vmem>>) target_semaphore(%dma_start3A_1393 : memref<!tpu.dma_semaphore, #tpu.memory_space<semaphore_mem>>)
      %mul3A_1400 = arith.constant 8 : i32
      %mul3A_1401 = arith.muli %scan3A_860, %mul3A_1400 : i32
      %add3A_1402 = arith.constant 5 : i32
      %add3A_1403 = arith.addi %mul3A_1401, %add3A_1402 : i32
      %slice3A_1404 = vector.extract_strided_slice %get3A_864 {offsets = [5], sizes = [1], strides = [1]} : vector<16xi32> to vector<1xi32>
      %squeeze3A_1405 = vector.extract %slice3A_1404[0] : i32 from vector<1xi32>
      %dma_wait3A_1406 = arith.constant 5 : i32
      %dma_wait3A_1407 = arith.constant 5 : i32
      %dma_wait3A_1408 = arith.constant 0 : i32
      %dma_wait3A_1409 = arith.constant 0 : i32
      %dma_wait3A_1410 = tpu.memref_slice %arg7[%dma_wait3A_1406, %dma_wait3A_1408, %dma_wait3A_1409] : memref<8x64x128xf32, #tpu.memory_space<vmem>> -> memref<1x64x128xf32, #tpu.memory_space<vmem>>
      %dma_wait3A_1411 = tpu.memref_squeeze %dma_wait3A_1410 : memref<1x64x128xf32, #tpu.memory_space<vmem>> -> memref<64x128xf32, #tpu.memory_space<vmem>>
      %dma_wait3A_1412 = arith.constant 0 : i32
      %dma_wait3A_1413 = arith.constant 0 : i32
      %dma_wait3A_1414 = tpu.memref_slice %arg3[%dma_wait3A_1412, %dma_wait3A_1413] : memref<64x1000000xf32, #tpu.memory_space<hbm>> -> memref<64x128xf32, #tpu.memory_space<hbm>>
      %dma_wait3A_1415 = tpu.memref_slice %arg10[%dma_wait3A_1407] : memref<8x!tpu.dma_semaphore, #tpu.memory_space<semaphore_mem>> -> memref<1x!tpu.dma_semaphore, #tpu.memory_space<semaphore_mem>>
      %dma_wait3A_1416 = tpu.memref_squeeze %dma_wait3A_1415 : memref<1x!tpu.dma_semaphore, #tpu.memory_space<semaphore_mem>> -> memref<!tpu.dma_semaphore, #tpu.memory_space<semaphore_mem>>
      %dma_wait3A_1417 = arith.constant 0 : i32
      %dma_wait3A_1418 = arith.constant 0 : i32
      %dma_wait3A_1419 = tpu.memref_slice %arg7[%dma_wait3A_1406, %dma_wait3A_1417, %dma_wait3A_1418] : memref<8x64x128xf32, #tpu.memory_space<vmem>> -> memref<1x64x128xf32, #tpu.memory_space<vmem>>
      %dma_wait3A_1420 = tpu.memref_squeeze %dma_wait3A_1419 : memref<1x64x128xf32, #tpu.memory_space<vmem>> -> memref<64x128xf32, #tpu.memory_space<vmem>>
      %dma_wait3A_1421 = arith.constant 0 : i32
      %dma_wait3A_1422 = arith.constant 0 : i32
      %dma_wait3A_1423 = tpu.memref_slice %arg3[%dma_wait3A_1421, %dma_wait3A_1422] : memref<64x1000000xf32, #tpu.memory_space<hbm>> -> memref<64x128xf32, #tpu.memory_space<hbm>>
      tpu.wait_dma2 semaphore(%dma_wait3A_1416 : memref<!tpu.dma_semaphore, #tpu.memory_space<semaphore_mem>>) src(%dma_wait3A_1423 : memref<64x128xf32, #tpu.memory_space<hbm>>) dst(%dma_wait3A_1420 : memref<64x128xf32, #tpu.memory_space<vmem>>)
      %and3A_1424 = arith.constant 127 : i32
      %and3A_1425 = arith.andi %squeeze3A_1405, %and3A_1424 : i32
      %broadcast_in_dim3A_1426 = vector.broadcast %and3A_1425 : i32 to vector<16xi32>
      %broadcast_in_dim3A_1427 = vector.broadcast %add3A_1403 : i32 to vector<16xi32>
      %add3A_1428 = arith.constant 0 : i32
      %add3A_1429 = vector.broadcast %add3A_1428 : i32 to vector<16xi32>
      %add3A_1430 = arith.addi %iota3A, %add3A_1429 : vector<16xi32>
      %gather3A_1431 = arith.constant 5 : i32
      %gather3A_1432 = arith.constant 0 : i32
      %gather3A_1433 = arith.constant 0 : i32
      %gather3A_1434 = tpu.memref_slice %arg7[%gather3A_1431, %gather3A_1432, %gather3A_1433] : memref<8x64x128xf32, #tpu.memory_space<vmem>> -> memref<1x64x128xf32, #tpu.memory_space<vmem>>
      %gather3A_1435 = tpu.memref_squeeze %gather3A_1434 : memref<1x64x128xf32, #tpu.memory_space<vmem>> -> memref<64x128xf32, #tpu.memory_space<vmem>>
      %gather3A_1436 = tpu.vector_load_idx %gather3A_1435[%add3A_1430, %broadcast_in_dim3A_1426] : memref<64x128xf32, #tpu.memory_space<vmem>>[vector<16xi32>, vector<16xi32>], vector<16xf32>,
      %gather3A_1437 = tpu.vector_load_idx %arg9[%add3A_1430, %broadcast_in_dim3A_1427] : memref<64x256xf32, #tpu.memory_space<vmem>>[vector<16xi32>, vector<16xi32>], vector<16xf32>,
      %add3A_1438 = arith.addf %gather3A_1436, %gather3A_1437 : vector<16xf32>
      %mul3A_1439 = arith.constant 8.000000e+00 : f32
      %mul3A_1440 = vector.broadcast %mul3A_1439 : f32 to vector<16xf32>
      %mul3A_1441 = arith.mulf %add3A_1438, %mul3A_1440 : vector<16xf32>
      tpu.vector_store_idx %arg8[%add3A_1430, %broadcast_in_dim3A_1427], %mul3A_1441 : memref<64x256xf32, #tpu.memory_space<vmem>>[vector<16xi32>, vector<16xi32>], vector<16xf32>,
      %add3A_1442 = arith.constant 16 : i32
      %add3A_1443 = vector.broadcast %add3A_1442 : i32 to vector<16xi32>
      %add3A_1444 = arith.addi %iota3A, %add3A_1443 : vector<16xi32>
      %gather3A_1445 = arith.constant 5 : i32
      %gather3A_1446 = arith.constant 0 : i32
      %gather3A_1447 = arith.constant 0 : i32
      %gather3A_1448 = tpu.memref_slice %arg7[%gather3A_1445, %gather3A_1446, %gather3A_1447] : memref<8x64x128xf32, #tpu.memory_space<vmem>> -> memref<1x64x128xf32, #tpu.memory_space<vmem>>
      %gather3A_1449 = tpu.memref_squeeze %gather3A_1448 : memref<1x64x128xf32, #tpu.memory_space<vmem>> -> memref<64x128xf32, #tpu.memory_space<vmem>>
      %gather3A_1450 = tpu.vector_load_idx %gather3A_1449[%add3A_1444, %broadcast_in_dim3A_1426] : memref<64x128xf32, #tpu.memory_space<vmem>>[vector<16xi32>, vector<16xi32>], vector<16xf32>,
      %gather3A_1451 = tpu.vector_load_idx %arg9[%add3A_1444, %broadcast_in_dim3A_1427] : memref<64x256xf32, #tpu.memory_space<vmem>>[vector<16xi32>, vector<16xi32>], vector<16xf32>,
      %add3A_1452 = arith.addf %gather3A_1450, %gather3A_1451 : vector<16xf32>
      %mul3A_1453 = arith.constant 8.000000e+00 : f32
      %mul3A_1454 = vector.broadcast %mul3A_1453 : f32 to vector<16xf32>
      %mul3A_1455 = arith.mulf %add3A_1452, %mul3A_1454 : vector<16xf32>
      tpu.vector_store_idx %arg8[%add3A_1444, %broadcast_in_dim3A_1427], %mul3A_1455 : memref<64x256xf32, #tpu.memory_space<vmem>>[vector<16xi32>, vector<16xi32>], vector<16xf32>,
      %add3A_1456 = arith.constant 32 : i32
      %add3A_1457 = vector.broadcast %add3A_1456 : i32 to vector<16xi32>
      %add3A_1458 = arith.addi %iota3A, %add3A_1457 : vector<16xi32>
      %gather3A_1459 = arith.constant 5 : i32
      %gather3A_1460 = arith.constant 0 : i32
      %gather3A_1461 = arith.constant 0 : i32
      %gather3A_1462 = tpu.memref_slice %arg7[%gather3A_1459, %gather3A_1460, %gather3A_1461] : memref<8x64x128xf32, #tpu.memory_space<vmem>> -> memref<1x64x128xf32, #tpu.memory_space<vmem>>
      %gather3A_1463 = tpu.memref_squeeze %gather3A_1462 : memref<1x64x128xf32, #tpu.memory_space<vmem>> -> memref<64x128xf32, #tpu.memory_space<vmem>>
      %gather3A_1464 = tpu.vector_load_idx %gather3A_1463[%add3A_1458, %broadcast_in_dim3A_1426] : memref<64x128xf32, #tpu.memory_space<vmem>>[vector<16xi32>, vector<16xi32>], vector<16xf32>,
      %gather3A_1465 = tpu.vector_load_idx %arg9[%add3A_1458, %broadcast_in_dim3A_1427] : memref<64x256xf32, #tpu.memory_space<vmem>>[vector<16xi32>, vector<16xi32>], vector<16xf32>,
      %add3A_1466 = arith.addf %gather3A_1464, %gather3A_1465 : vector<16xf32>
      %mul3A_1467 = arith.constant 8.000000e+00 : f32
      %mul3A_1468 = vector.broadcast %mul3A_1467 : f32 to vector<16xf32>
      %mul3A_1469 = arith.mulf %add3A_1466, %mul3A_1468 : vector<16xf32>
      tpu.vector_store_idx %arg8[%add3A_1458, %broadcast_in_dim3A_1427], %mul3A_1469 : memref<64x256xf32, #tpu.memory_space<vmem>>[vector<16xi32>, vector<16xi32>], vector<16xf32>,
      %add3A_1470 = arith.constant 48 : i32
      %add3A_1471 = vector.broadcast %add3A_1470 : i32 to vector<16xi32>
      %add3A_1472 = arith.addi %iota3A, %add3A_1471 : vector<16xi32>
      %gather3A_1473 = arith.constant 5 : i32
      %gather3A_1474 = arith.constant 0 : i32
      %gather3A_1475 = arith.constant 0 : i32
      %gather3A_1476 = tpu.memref_slice %arg7[%gather3A_1473, %gather3A_1474, %gather3A_1475] : memref<8x64x128xf32, #tpu.memory_space<vmem>> -> memref<1x64x128xf32, #tpu.memory_space<vmem>>
      %gather3A_1477 = tpu.memref_squeeze %gather3A_1476 : memref<1x64x128xf32, #tpu.memory_space<vmem>> -> memref<64x128xf32, #tpu.memory_space<vmem>>
      %gather3A_1478 = tpu.vector_load_idx %gather3A_1477[%add3A_1472, %broadcast_in_dim3A_1426] : memref<64x128xf32, #tpu.memory_space<vmem>>[vector<16xi32>, vector<16xi32>], vector<16xf32>,
      %gather3A_1479 = tpu.vector_load_idx %arg9[%add3A_1472, %broadcast_in_dim3A_1427] : memref<64x256xf32, #tpu.memory_space<vmem>>[vector<16xi32>, vector<16xi32>], vector<16xf32>,
      %add3A_1480 = arith.addf %gather3A_1478, %gather3A_1479 : vector<16xf32>
      %mul3A_1481 = arith.constant 8.000000e+00 : f32
      %mul3A_1482 = vector.broadcast %mul3A_1481 : f32 to vector<16xf32>
      %mul3A_1483 = arith.mulf %add3A_1480, %mul3A_1482 : vector<16xf32>
      tpu.vector_store_idx %arg8[%add3A_1472, %broadcast_in_dim3A_1427], %mul3A_1483 : memref<64x256xf32, #tpu.memory_space<vmem>>[vector<16xi32>, vector<16xi32>], vector<16xf32>,
      %slice3A_1484 = vector.extract_strided_slice %get3A_864 {offsets = [13], sizes = [1], strides = [1]} : vector<16xi32> to vector<1xi32>
      %squeeze3A_1485 = vector.extract %slice3A_1484[0] : i32 from vector<1xi32>
      %shift_right_arithmetic3A_1486 = arith.constant 7 : i32
      %shift_right_arithmetic3A_1487 = arith.shrsi %squeeze3A_1485, %shift_right_arithmetic3A_1486 : i32
      %shift_left3A_1488 = arith.constant 7 : i32
      %shift_left3A_1489 = arith.shli %shift_right_arithmetic3A_1487, %shift_left3A_1488 : i32
      %multiple_of3A_1490 = tpu.assume_multiple %shift_left3A_1489, 128 : i32
      %dma_start3A_1491 = arith.constant 5 : i32
      %dma_start3A_1492 = arith.constant 5 : i32
      %dma_start3A_1493 = arith.constant 0 : i32
      %dma_start3A_1494 = arith.constant 0 : i32
      %dma_start3A_1495 = tpu.memref_slice %arg7[%dma_start3A_1491, %dma_start3A_1493, %dma_start3A_1494] : memref<8x64x128xf32, #tpu.memory_space<vmem>> -> memref<1x64x128xf32, #tpu.memory_space<vmem>>
      %dma_start3A_1496 = tpu.memref_squeeze %dma_start3A_1495 : memref<1x64x128xf32, #tpu.memory_space<vmem>> -> memref<64x128xf32, #tpu.memory_space<vmem>>
      %dma_start3A_1497 = arith.constant 0 : i32
      %dma_start3A_1498 = tpu.memref_slice %arg3[%dma_start3A_1497, %multiple_of3A_1490] : memref<64x1000000xf32, #tpu.memory_space<hbm>> -> memref<64x128xf32, #tpu.memory_space<hbm>>
      %dma_start3A_1499 = tpu.memref_slice %arg10[%dma_start3A_1492] : memref<8x!tpu.dma_semaphore, #tpu.memory_space<semaphore_mem>> -> memref<1x!tpu.dma_semaphore, #tpu.memory_space<semaphore_mem>>
      %dma_start3A_1500 = tpu.memref_squeeze %dma_start3A_1499 : memref<1x!tpu.dma_semaphore, #tpu.memory_space<semaphore_mem>> -> memref<!tpu.dma_semaphore, #tpu.memory_space<semaphore_mem>>
      %dma_start3A_1501 = arith.constant 0 : i32
      %dma_start3A_1502 = arith.constant 0 : i32
      %dma_start3A_1503 = tpu.memref_slice %arg7[%dma_start3A_1491, %dma_start3A_1501, %dma_start3A_1502] : memref<8x64x128xf32, #tpu.memory_space<vmem>> -> memref<1x64x128xf32, #tpu.memory_space<vmem>>
      %dma_start3A_1504 = tpu.memref_squeeze %dma_start3A_1503 : memref<1x64x128xf32, #tpu.memory_space<vmem>> -> memref<64x128xf32, #tpu.memory_space<vmem>>
      %dma_start3A_1505 = arith.constant 0 : i32
      %dma_start3A_1506 = tpu.memref_slice %arg3[%dma_start3A_1505, %multiple_of3A_1490] : memref<64x1000000xf32, #tpu.memory_space<hbm>> -> memref<64x128xf32, #tpu.memory_space<hbm>>
      tpu.enqueue_dma source(%dma_start3A_1506 : memref<64x128xf32, #tpu.memory_space<hbm>>) target(%dma_start3A_1504 : memref<64x128xf32, #tpu.memory_space<vmem>>) target_semaphore(%dma_start3A_1500 : memref<!tpu.dma_semaphore, #tpu.memory_space<semaphore_mem>>)
      %mul3A_1507 = arith.constant 8 : i32
      %mul3A_1508 = arith.muli %scan3A_860, %mul3A_1507 : i32
      %add3A_1509 = arith.constant 6 : i32
      %add3A_1510 = arith.addi %mul3A_1508, %add3A_1509 : i32
      %slice3A_1511 = vector.extract_strided_slice %get3A_864 {offsets = [6], sizes = [1], strides = [1]} : vector<16xi32> to vector<1xi32>
      %squeeze3A_1512 = vector.extract %slice3A_1511[0] : i32 from vector<1xi32>
      %dma_wait3A_1513 = arith.constant 6 : i32
      %dma_wait3A_1514 = arith.constant 6 : i32
      %dma_wait3A_1515 = arith.constant 0 : i32
      %dma_wait3A_1516 = arith.constant 0 : i32
      %dma_wait3A_1517 = tpu.memref_slice %arg7[%dma_wait3A_1513, %dma_wait3A_1515, %dma_wait3A_1516] : memref<8x64x128xf32, #tpu.memory_space<vmem>> -> memref<1x64x128xf32, #tpu.memory_space<vmem>>
      %dma_wait3A_1518 = tpu.memref_squeeze %dma_wait3A_1517 : memref<1x64x128xf32, #tpu.memory_space<vmem>> -> memref<64x128xf32, #tpu.memory_space<vmem>>
      %dma_wait3A_1519 = arith.constant 0 : i32
      %dma_wait3A_1520 = arith.constant 0 : i32
      %dma_wait3A_1521 = tpu.memref_slice %arg3[%dma_wait3A_1519, %dma_wait3A_1520] : memref<64x1000000xf32, #tpu.memory_space<hbm>> -> memref<64x128xf32, #tpu.memory_space<hbm>>
      %dma_wait3A_1522 = tpu.memref_slice %arg10[%dma_wait3A_1514] : memref<8x!tpu.dma_semaphore, #tpu.memory_space<semaphore_mem>> -> memref<1x!tpu.dma_semaphore, #tpu.memory_space<semaphore_mem>>
      %dma_wait3A_1523 = tpu.memref_squeeze %dma_wait3A_1522 : memref<1x!tpu.dma_semaphore, #tpu.memory_space<semaphore_mem>> -> memref<!tpu.dma_semaphore, #tpu.memory_space<semaphore_mem>>
      %dma_wait3A_1524 = arith.constant 0 : i32
      %dma_wait3A_1525 = arith.constant 0 : i32
      %dma_wait3A_1526 = tpu.memref_slice %arg7[%dma_wait3A_1513, %dma_wait3A_1524, %dma_wait3A_1525] : memref<8x64x128xf32, #tpu.memory_space<vmem>> -> memref<1x64x128xf32, #tpu.memory_space<vmem>>
      %dma_wait3A_1527 = tpu.memref_squeeze %dma_wait3A_1526 : memref<1x64x128xf32, #tpu.memory_space<vmem>> -> memref<64x128xf32, #tpu.memory_space<vmem>>
      %dma_wait3A_1528 = arith.constant 0 : i32
      %dma_wait3A_1529 = arith.constant 0 : i32
      %dma_wait3A_1530 = tpu.memref_slice %arg3[%dma_wait3A_1528, %dma_wait3A_1529] : memref<64x1000000xf32, #tpu.memory_space<hbm>> -> memref<64x128xf32, #tpu.memory_space<hbm>>
      tpu.wait_dma2 semaphore(%dma_wait3A_1523 : memref<!tpu.dma_semaphore, #tpu.memory_space<semaphore_mem>>) src(%dma_wait3A_1530 : memref<64x128xf32, #tpu.memory_space<hbm>>) dst(%dma_wait3A_1527 : memref<64x128xf32, #tpu.memory_space<vmem>>)
      %and3A_1531 = arith.constant 127 : i32
      %and3A_1532 = arith.andi %squeeze3A_1512, %and3A_1531 : i32
      %broadcast_in_dim3A_1533 = vector.broadcast %and3A_1532 : i32 to vector<16xi32>
      %broadcast_in_dim3A_1534 = vector.broadcast %add3A_1510 : i32 to vector<16xi32>
      %add3A_1535 = arith.constant 0 : i32
      %add3A_1536 = vector.broadcast %add3A_1535 : i32 to vector<16xi32>
      %add3A_1537 = arith.addi %iota3A, %add3A_1536 : vector<16xi32>
      %gather3A_1538 = arith.constant 6 : i32
      %gather3A_1539 = arith.constant 0 : i32
      %gather3A_1540 = arith.constant 0 : i32
      %gather3A_1541 = tpu.memref_slice %arg7[%gather3A_1538, %gather3A_1539, %gather3A_1540] : memref<8x64x128xf32, #tpu.memory_space<vmem>> -> memref<1x64x128xf32, #tpu.memory_space<vmem>>
      %gather3A_1542 = tpu.memref_squeeze %gather3A_1541 : memref<1x64x128xf32, #tpu.memory_space<vmem>> -> memref<64x128xf32, #tpu.memory_space<vmem>>
      %gather3A_1543 = tpu.vector_load_idx %gather3A_1542[%add3A_1537, %broadcast_in_dim3A_1533] : memref<64x128xf32, #tpu.memory_space<vmem>>[vector<16xi32>, vector<16xi32>], vector<16xf32>,
      %gather3A_1544 = tpu.vector_load_idx %arg9[%add3A_1537, %broadcast_in_dim3A_1534] : memref<64x256xf32, #tpu.memory_space<vmem>>[vector<16xi32>, vector<16xi32>], vector<16xf32>,
      %add3A_1545 = arith.addf %gather3A_1543, %gather3A_1544 : vector<16xf32>
      %mul3A_1546 = arith.constant 8.000000e+00 : f32
      %mul3A_1547 = vector.broadcast %mul3A_1546 : f32 to vector<16xf32>
      %mul3A_1548 = arith.mulf %add3A_1545, %mul3A_1547 : vector<16xf32>
      tpu.vector_store_idx %arg8[%add3A_1537, %broadcast_in_dim3A_1534], %mul3A_1548 : memref<64x256xf32, #tpu.memory_space<vmem>>[vector<16xi32>, vector<16xi32>], vector<16xf32>,
      %add3A_1549 = arith.constant 16 : i32
      %add3A_1550 = vector.broadcast %add3A_1549 : i32 to vector<16xi32>
      %add3A_1551 = arith.addi %iota3A, %add3A_1550 : vector<16xi32>
      %gather3A_1552 = arith.constant 6 : i32
      %gather3A_1553 = arith.constant 0 : i32
      %gather3A_1554 = arith.constant 0 : i32
      %gather3A_1555 = tpu.memref_slice %arg7[%gather3A_1552, %gather3A_1553, %gather3A_1554] : memref<8x64x128xf32, #tpu.memory_space<vmem>> -> memref<1x64x128xf32, #tpu.memory_space<vmem>>
      %gather3A_1556 = tpu.memref_squeeze %gather3A_1555 : memref<1x64x128xf32, #tpu.memory_space<vmem>> -> memref<64x128xf32, #tpu.memory_space<vmem>>
      %gather3A_1557 = tpu.vector_load_idx %gather3A_1556[%add3A_1551, %broadcast_in_dim3A_1533] : memref<64x128xf32, #tpu.memory_space<vmem>>[vector<16xi32>, vector<16xi32>], vector<16xf32>,
      %gather3A_1558 = tpu.vector_load_idx %arg9[%add3A_1551, %broadcast_in_dim3A_1534] : memref<64x256xf32, #tpu.memory_space<vmem>>[vector<16xi32>, vector<16xi32>], vector<16xf32>,
      %add3A_1559 = arith.addf %gather3A_1557, %gather3A_1558 : vector<16xf32>
      %mul3A_1560 = arith.constant 8.000000e+00 : f32
      %mul3A_1561 = vector.broadcast %mul3A_1560 : f32 to vector<16xf32>
      %mul3A_1562 = arith.mulf %add3A_1559, %mul3A_1561 : vector<16xf32>
      tpu.vector_store_idx %arg8[%add3A_1551, %broadcast_in_dim3A_1534], %mul3A_1562 : memref<64x256xf32, #tpu.memory_space<vmem>>[vector<16xi32>, vector<16xi32>], vector<16xf32>,
      %add3A_1563 = arith.constant 32 : i32
      %add3A_1564 = vector.broadcast %add3A_1563 : i32 to vector<16xi32>
      %add3A_1565 = arith.addi %iota3A, %add3A_1564 : vector<16xi32>
      %gather3A_1566 = arith.constant 6 : i32
      %gather3A_1567 = arith.constant 0 : i32
      %gather3A_1568 = arith.constant 0 : i32
      %gather3A_1569 = tpu.memref_slice %arg7[%gather3A_1566, %gather3A_1567, %gather3A_1568] : memref<8x64x128xf32, #tpu.memory_space<vmem>> -> memref<1x64x128xf32, #tpu.memory_space<vmem>>
      %gather3A_1570 = tpu.memref_squeeze %gather3A_1569 : memref<1x64x128xf32, #tpu.memory_space<vmem>> -> memref<64x128xf32, #tpu.memory_space<vmem>>
      %gather3A_1571 = tpu.vector_load_idx %gather3A_1570[%add3A_1565, %broadcast_in_dim3A_1533] : memref<64x128xf32, #tpu.memory_space<vmem>>[vector<16xi32>, vector<16xi32>], vector<16xf32>,
      %gather3A_1572 = tpu.vector_load_idx %arg9[%add3A_1565, %broadcast_in_dim3A_1534] : memref<64x256xf32, #tpu.memory_space<vmem>>[vector<16xi32>, vector<16xi32>], vector<16xf32>,
      %add3A_1573 = arith.addf %gather3A_1571, %gather3A_1572 : vector<16xf32>
      %mul3A_1574 = arith.constant 8.000000e+00 : f32
      %mul3A_1575 = vector.broadcast %mul3A_1574 : f32 to vector<16xf32>
      %mul3A_1576 = arith.mulf %add3A_1573, %mul3A_1575 : vector<16xf32>
      tpu.vector_store_idx %arg8[%add3A_1565, %broadcast_in_dim3A_1534], %mul3A_1576 : memref<64x256xf32, #tpu.memory_space<vmem>>[vector<16xi32>, vector<16xi32>], vector<16xf32>,
      %add3A_1577 = arith.constant 48 : i32
      %add3A_1578 = vector.broadcast %add3A_1577 : i32 to vector<16xi32>
      %add3A_1579 = arith.addi %iota3A, %add3A_1578 : vector<16xi32>
      %gather3A_1580 = arith.constant 6 : i32
      %gather3A_1581 = arith.constant 0 : i32
      %gather3A_1582 = arith.constant 0 : i32
      %gather3A_1583 = tpu.memref_slice %arg7[%gather3A_1580, %gather3A_1581, %gather3A_1582] : memref<8x64x128xf32, #tpu.memory_space<vmem>> -> memref<1x64x128xf32, #tpu.memory_space<vmem>>
      %gather3A_1584 = tpu.memref_squeeze %gather3A_1583 : memref<1x64x128xf32, #tpu.memory_space<vmem>> -> memref<64x128xf32, #tpu.memory_space<vmem>>
      %gather3A_1585 = tpu.vector_load_idx %gather3A_1584[%add3A_1579, %broadcast_in_dim3A_1533] : memref<64x128xf32, #tpu.memory_space<vmem>>[vector<16xi32>, vector<16xi32>], vector<16xf32>,
      %gather3A_1586 = tpu.vector_load_idx %arg9[%add3A_1579, %broadcast_in_dim3A_1534] : memref<64x256xf32, #tpu.memory_space<vmem>>[vector<16xi32>, vector<16xi32>], vector<16xf32>,
      %add3A_1587 = arith.addf %gather3A_1585, %gather3A_1586 : vector<16xf32>
      %mul3A_1588 = arith.constant 8.000000e+00 : f32
      %mul3A_1589 = vector.broadcast %mul3A_1588 : f32 to vector<16xf32>
      %mul3A_1590 = arith.mulf %add3A_1587, %mul3A_1589 : vector<16xf32>
      tpu.vector_store_idx %arg8[%add3A_1579, %broadcast_in_dim3A_1534], %mul3A_1590 : memref<64x256xf32, #tpu.memory_space<vmem>>[vector<16xi32>, vector<16xi32>], vector<16xf32>,
      %slice3A_1591 = vector.extract_strided_slice %get3A_864 {offsets = [14], sizes = [1], strides = [1]} : vector<16xi32> to vector<1xi32>
      %squeeze3A_1592 = vector.extract %slice3A_1591[0] : i32 from vector<1xi32>
      %shift_right_arithmetic3A_1593 = arith.constant 7 : i32
      %shift_right_arithmetic3A_1594 = arith.shrsi %squeeze3A_1592, %shift_right_arithmetic3A_1593 : i32
      %shift_left3A_1595 = arith.constant 7 : i32
      %shift_left3A_1596 = arith.shli %shift_right_arithmetic3A_1594, %shift_left3A_1595 : i32
      %multiple_of3A_1597 = tpu.assume_multiple %shift_left3A_1596, 128 : i32
      %dma_start3A_1598 = arith.constant 6 : i32
      %dma_start3A_1599 = arith.constant 6 : i32
      %dma_start3A_1600 = arith.constant 0 : i32
      %dma_start3A_1601 = arith.constant 0 : i32
      %dma_start3A_1602 = tpu.memref_slice %arg7[%dma_start3A_1598, %dma_start3A_1600, %dma_start3A_1601] : memref<8x64x128xf32, #tpu.memory_space<vmem>> -> memref<1x64x128xf32, #tpu.memory_space<vmem>>
      %dma_start3A_1603 = tpu.memref_squeeze %dma_start3A_1602 : memref<1x64x128xf32, #tpu.memory_space<vmem>> -> memref<64x128xf32, #tpu.memory_space<vmem>>
      %dma_start3A_1604 = arith.constant 0 : i32
      %dma_start3A_1605 = tpu.memref_slice %arg3[%dma_start3A_1604, %multiple_of3A_1597] : memref<64x1000000xf32, #tpu.memory_space<hbm>> -> memref<64x128xf32, #tpu.memory_space<hbm>>
      %dma_start3A_1606 = tpu.memref_slice %arg10[%dma_start3A_1599] : memref<8x!tpu.dma_semaphore, #tpu.memory_space<semaphore_mem>> -> memref<1x!tpu.dma_semaphore, #tpu.memory_space<semaphore_mem>>
      %dma_start3A_1607 = tpu.memref_squeeze %dma_start3A_1606 : memref<1x!tpu.dma_semaphore, #tpu.memory_space<semaphore_mem>> -> memref<!tpu.dma_semaphore, #tpu.memory_space<semaphore_mem>>
      %dma_start3A_1608 = arith.constant 0 : i32
      %dma_start3A_1609 = arith.constant 0 : i32
      %dma_start3A_1610 = tpu.memref_slice %arg7[%dma_start3A_1598, %dma_start3A_1608, %dma_start3A_1609] : memref<8x64x128xf32, #tpu.memory_space<vmem>> -> memref<1x64x128xf32, #tpu.memory_space<vmem>>
      %dma_start3A_1611 = tpu.memref_squeeze %dma_start3A_1610 : memref<1x64x128xf32, #tpu.memory_space<vmem>> -> memref<64x128xf32, #tpu.memory_space<vmem>>
      %dma_start3A_1612 = arith.constant 0 : i32
      %dma_start3A_1613 = tpu.memref_slice %arg3[%dma_start3A_1612, %multiple_of3A_1597] : memref<64x1000000xf32, #tpu.memory_space<hbm>> -> memref<64x128xf32, #tpu.memory_space<hbm>>
      tpu.enqueue_dma source(%dma_start3A_1613 : memref<64x128xf32, #tpu.memory_space<hbm>>) target(%dma_start3A_1611 : memref<64x128xf32, #tpu.memory_space<vmem>>) target_semaphore(%dma_start3A_1607 : memref<!tpu.dma_semaphore, #tpu.memory_space<semaphore_mem>>)
      %mul3A_1614 = arith.constant 8 : i32
      %mul3A_1615 = arith.muli %scan3A_860, %mul3A_1614 : i32
      %add3A_1616 = arith.constant 7 : i32
      %add3A_1617 = arith.addi %mul3A_1615, %add3A_1616 : i32
      %slice3A_1618 = vector.extract_strided_slice %get3A_864 {offsets = [7], sizes = [1], strides = [1]} : vector<16xi32> to vector<1xi32>
      %squeeze3A_1619 = vector.extract %slice3A_1618[0] : i32 from vector<1xi32>
      %dma_wait3A_1620 = arith.constant 7 : i32
      %dma_wait3A_1621 = arith.constant 7 : i32
      %dma_wait3A_1622 = arith.constant 0 : i32
      %dma_wait3A_1623 = arith.constant 0 : i32
      %dma_wait3A_1624 = tpu.memref_slice %arg7[%dma_wait3A_1620, %dma_wait3A_1622, %dma_wait3A_1623] : memref<8x64x128xf32, #tpu.memory_space<vmem>> -> memref<1x64x128xf32, #tpu.memory_space<vmem>>
      %dma_wait3A_1625 = tpu.memref_squeeze %dma_wait3A_1624 : memref<1x64x128xf32, #tpu.memory_space<vmem>> -> memref<64x128xf32, #tpu.memory_space<vmem>>
      %dma_wait3A_1626 = arith.constant 0 : i32
      %dma_wait3A_1627 = arith.constant 0 : i32
      %dma_wait3A_1628 = tpu.memref_slice %arg3[%dma_wait3A_1626, %dma_wait3A_1627] : memref<64x1000000xf32, #tpu.memory_space<hbm>> -> memref<64x128xf32, #tpu.memory_space<hbm>>
      %dma_wait3A_1629 = tpu.memref_slice %arg10[%dma_wait3A_1621] : memref<8x!tpu.dma_semaphore, #tpu.memory_space<semaphore_mem>> -> memref<1x!tpu.dma_semaphore, #tpu.memory_space<semaphore_mem>>
      %dma_wait3A_1630 = tpu.memref_squeeze %dma_wait3A_1629 : memref<1x!tpu.dma_semaphore, #tpu.memory_space<semaphore_mem>> -> memref<!tpu.dma_semaphore, #tpu.memory_space<semaphore_mem>>
      %dma_wait3A_1631 = arith.constant 0 : i32
      %dma_wait3A_1632 = arith.constant 0 : i32
      %dma_wait3A_1633 = tpu.memref_slice %arg7[%dma_wait3A_1620, %dma_wait3A_1631, %dma_wait3A_1632] : memref<8x64x128xf32, #tpu.memory_space<vmem>> -> memref<1x64x128xf32, #tpu.memory_space<vmem>>
      %dma_wait3A_1634 = tpu.memref_squeeze %dma_wait3A_1633 : memref<1x64x128xf32, #tpu.memory_space<vmem>> -> memref<64x128xf32, #tpu.memory_space<vmem>>
      %dma_wait3A_1635 = arith.constant 0 : i32
      %dma_wait3A_1636 = arith.constant 0 : i32
      %dma_wait3A_1637 = tpu.memref_slice %arg3[%dma_wait3A_1635, %dma_wait3A_1636] : memref<64x1000000xf32, #tpu.memory_space<hbm>> -> memref<64x128xf32, #tpu.memory_space<hbm>>
      tpu.wait_dma2 semaphore(%dma_wait3A_1630 : memref<!tpu.dma_semaphore, #tpu.memory_space<semaphore_mem>>) src(%dma_wait3A_1637 : memref<64x128xf32, #tpu.memory_space<hbm>>) dst(%dma_wait3A_1634 : memref<64x128xf32, #tpu.memory_space<vmem>>)
      %and3A_1638 = arith.constant 127 : i32
      %and3A_1639 = arith.andi %squeeze3A_1619, %and3A_1638 : i32
      %broadcast_in_dim3A_1640 = vector.broadcast %and3A_1639 : i32 to vector<16xi32>
      %broadcast_in_dim3A_1641 = vector.broadcast %add3A_1617 : i32 to vector<16xi32>
      %add3A_1642 = arith.constant 0 : i32
      %add3A_1643 = vector.broadcast %add3A_1642 : i32 to vector<16xi32>
      %add3A_1644 = arith.addi %iota3A, %add3A_1643 : vector<16xi32>
      %gather3A_1645 = arith.constant 7 : i32
      %gather3A_1646 = arith.constant 0 : i32
      %gather3A_1647 = arith.constant 0 : i32
      %gather3A_1648 = tpu.memref_slice %arg7[%gather3A_1645, %gather3A_1646, %gather3A_1647] : memref<8x64x128xf32, #tpu.memory_space<vmem>> -> memref<1x64x128xf32, #tpu.memory_space<vmem>>
      %gather3A_1649 = tpu.memref_squeeze %gather3A_1648 : memref<1x64x128xf32, #tpu.memory_space<vmem>> -> memref<64x128xf32, #tpu.memory_space<vmem>>
      %gather3A_1650 = tpu.vector_load_idx %gather3A_1649[%add3A_1644, %broadcast_in_dim3A_1640] : memref<64x128xf32, #tpu.memory_space<vmem>>[vector<16xi32>, vector<16xi32>], vector<16xf32>,
      %gather3A_1651 = tpu.vector_load_idx %arg9[%add3A_1644, %broadcast_in_dim3A_1641] : memref<64x256xf32, #tpu.memory_space<vmem>>[vector<16xi32>, vector<16xi32>], vector<16xf32>,
      %add3A_1652 = arith.addf %gather3A_1650, %gather3A_1651 : vector<16xf32>
      %mul3A_1653 = arith.constant 8.000000e+00 : f32
      %mul3A_1654 = vector.broadcast %mul3A_1653 : f32 to vector<16xf32>
      %mul3A_1655 = arith.mulf %add3A_1652, %mul3A_1654 : vector<16xf32>
      tpu.vector_store_idx %arg8[%add3A_1644, %broadcast_in_dim3A_1641], %mul3A_1655 : memref<64x256xf32, #tpu.memory_space<vmem>>[vector<16xi32>, vector<16xi32>], vector<16xf32>,
      %add3A_1656 = arith.constant 16 : i32
      %add3A_1657 = vector.broadcast %add3A_1656 : i32 to vector<16xi32>
      %add3A_1658 = arith.addi %iota3A, %add3A_1657 : vector<16xi32>
      %gather3A_1659 = arith.constant 7 : i32
      %gather3A_1660 = arith.constant 0 : i32
      %gather3A_1661 = arith.constant 0 : i32
      %gather3A_1662 = tpu.memref_slice %arg7[%gather3A_1659, %gather3A_1660, %gather3A_1661] : memref<8x64x128xf32, #tpu.memory_space<vmem>> -> memref<1x64x128xf32, #tpu.memory_space<vmem>>
      %gather3A_1663 = tpu.memref_squeeze %gather3A_1662 : memref<1x64x128xf32, #tpu.memory_space<vmem>> -> memref<64x128xf32, #tpu.memory_space<vmem>>
      %gather3A_1664 = tpu.vector_load_idx %gather3A_1663[%add3A_1658, %broadcast_in_dim3A_1640] : memref<64x128xf32, #tpu.memory_space<vmem>>[vector<16xi32>, vector<16xi32>], vector<16xf32>,
      %gather3A_1665 = tpu.vector_load_idx %arg9[%add3A_1658, %broadcast_in_dim3A_1641] : memref<64x256xf32, #tpu.memory_space<vmem>>[vector<16xi32>, vector<16xi32>], vector<16xf32>,
      %add3A_1666 = arith.addf %gather3A_1664, %gather3A_1665 : vector<16xf32>
      %mul3A_1667 = arith.constant 8.000000e+00 : f32
      %mul3A_1668 = vector.broadcast %mul3A_1667 : f32 to vector<16xf32>
      %mul3A_1669 = arith.mulf %add3A_1666, %mul3A_1668 : vector<16xf32>
      tpu.vector_store_idx %arg8[%add3A_1658, %broadcast_in_dim3A_1641], %mul3A_1669 : memref<64x256xf32, #tpu.memory_space<vmem>>[vector<16xi32>, vector<16xi32>], vector<16xf32>,
      %add3A_1670 = arith.constant 32 : i32
      %add3A_1671 = vector.broadcast %add3A_1670 : i32 to vector<16xi32>
      %add3A_1672 = arith.addi %iota3A, %add3A_1671 : vector<16xi32>
      %gather3A_1673 = arith.constant 7 : i32
      %gather3A_1674 = arith.constant 0 : i32
      %gather3A_1675 = arith.constant 0 : i32
      %gather3A_1676 = tpu.memref_slice %arg7[%gather3A_1673, %gather3A_1674, %gather3A_1675] : memref<8x64x128xf32, #tpu.memory_space<vmem>> -> memref<1x64x128xf32, #tpu.memory_space<vmem>>
      %gather3A_1677 = tpu.memref_squeeze %gather3A_1676 : memref<1x64x128xf32, #tpu.memory_space<vmem>> -> memref<64x128xf32, #tpu.memory_space<vmem>>
      %gather3A_1678 = tpu.vector_load_idx %gather3A_1677[%add3A_1672, %broadcast_in_dim3A_1640] : memref<64x128xf32, #tpu.memory_space<vmem>>[vector<16xi32>, vector<16xi32>], vector<16xf32>,
      %gather3A_1679 = tpu.vector_load_idx %arg9[%add3A_1672, %broadcast_in_dim3A_1641] : memref<64x256xf32, #tpu.memory_space<vmem>>[vector<16xi32>, vector<16xi32>], vector<16xf32>,
      %add3A_1680 = arith.addf %gather3A_1678, %gather3A_1679 : vector<16xf32>
      %mul3A_1681 = arith.constant 8.000000e+00 : f32
      %mul3A_1682 = vector.broadcast %mul3A_1681 : f32 to vector<16xf32>
      %mul3A_1683 = arith.mulf %add3A_1680, %mul3A_1682 : vector<16xf32>
      tpu.vector_store_idx %arg8[%add3A_1672, %broadcast_in_dim3A_1641], %mul3A_1683 : memref<64x256xf32, #tpu.memory_space<vmem>>[vector<16xi32>, vector<16xi32>], vector<16xf32>,
      %add3A_1684 = arith.constant 48 : i32
      %add3A_1685 = vector.broadcast %add3A_1684 : i32 to vector<16xi32>
      %add3A_1686 = arith.addi %iota3A, %add3A_1685 : vector<16xi32>
      %gather3A_1687 = arith.constant 7 : i32
      %gather3A_1688 = arith.constant 0 : i32
      %gather3A_1689 = arith.constant 0 : i32
      %gather3A_1690 = tpu.memref_slice %arg7[%gather3A_1687, %gather3A_1688, %gather3A_1689] : memref<8x64x128xf32, #tpu.memory_space<vmem>> -> memref<1x64x128xf32, #tpu.memory_space<vmem>>
      %gather3A_1691 = tpu.memref_squeeze %gather3A_1690 : memref<1x64x128xf32, #tpu.memory_space<vmem>> -> memref<64x128xf32, #tpu.memory_space<vmem>>
      %gather3A_1692 = tpu.vector_load_idx %gather3A_1691[%add3A_1686, %broadcast_in_dim3A_1640] : memref<64x128xf32, #tpu.memory_space<vmem>>[vector<16xi32>, vector<16xi32>], vector<16xf32>,
      %gather3A_1693 = tpu.vector_load_idx %arg9[%add3A_1686, %broadcast_in_dim3A_1641] : memref<64x256xf32, #tpu.memory_space<vmem>>[vector<16xi32>, vector<16xi32>], vector<16xf32>,
      %add3A_1694 = arith.addf %gather3A_1692, %gather3A_1693 : vector<16xf32>
      %mul3A_1695 = arith.constant 8.000000e+00 : f32
      %mul3A_1696 = vector.broadcast %mul3A_1695 : f32 to vector<16xf32>
      %mul3A_1697 = arith.mulf %add3A_1694, %mul3A_1696 : vector<16xf32>
      tpu.vector_store_idx %arg8[%add3A_1686, %broadcast_in_dim3A_1641], %mul3A_1697 : memref<64x256xf32, #tpu.memory_space<vmem>>[vector<16xi32>, vector<16xi32>], vector<16xf32>,
      %slice3A_1698 = vector.extract_strided_slice %get3A_864 {offsets = [15], sizes = [1], strides = [1]} : vector<16xi32> to vector<1xi32>
      %squeeze3A_1699 = vector.extract %slice3A_1698[0] : i32 from vector<1xi32>
      %shift_right_arithmetic3A_1700 = arith.constant 7 : i32
      %shift_right_arithmetic3A_1701 = arith.shrsi %squeeze3A_1699, %shift_right_arithmetic3A_1700 : i32
      %shift_left3A_1702 = arith.constant 7 : i32
      %shift_left3A_1703 = arith.shli %shift_right_arithmetic3A_1701, %shift_left3A_1702 : i32
      %multiple_of3A_1704 = tpu.assume_multiple %shift_left3A_1703, 128 : i32
      %dma_start3A_1705 = arith.constant 7 : i32
      %dma_start3A_1706 = arith.constant 7 : i32
      %dma_start3A_1707 = arith.constant 0 : i32
      %dma_start3A_1708 = arith.constant 0 : i32
      %dma_start3A_1709 = tpu.memref_slice %arg7[%dma_start3A_1705, %dma_start3A_1707, %dma_start3A_1708] : memref<8x64x128xf32, #tpu.memory_space<vmem>> -> memref<1x64x128xf32, #tpu.memory_space<vmem>>
      %dma_start3A_1710 = tpu.memref_squeeze %dma_start3A_1709 : memref<1x64x128xf32, #tpu.memory_space<vmem>> -> memref<64x128xf32, #tpu.memory_space<vmem>>
      %dma_start3A_1711 = arith.constant 0 : i32
      %dma_start3A_1712 = tpu.memref_slice %arg3[%dma_start3A_1711, %multiple_of3A_1704] : memref<64x1000000xf32, #tpu.memory_space<hbm>> -> memref<64x128xf32, #tpu.memory_space<hbm>>
      %dma_start3A_1713 = tpu.memref_slice %arg10[%dma_start3A_1706] : memref<8x!tpu.dma_semaphore, #tpu.memory_space<semaphore_mem>> -> memref<1x!tpu.dma_semaphore, #tpu.memory_space<semaphore_mem>>
      %dma_start3A_1714 = tpu.memref_squeeze %dma_start3A_1713 : memref<1x!tpu.dma_semaphore, #tpu.memory_space<semaphore_mem>> -> memref<!tpu.dma_semaphore, #tpu.memory_space<semaphore_mem>>
      %dma_start3A_1715 = arith.constant 0 : i32
      %dma_start3A_1716 = arith.constant 0 : i32
      %dma_start3A_1717 = tpu.memref_slice %arg7[%dma_start3A_1705, %dma_start3A_1715, %dma_start3A_1716] : memref<8x64x128xf32, #tpu.memory_space<vmem>> -> memref<1x64x128xf32, #tpu.memory_space<vmem>>
      %dma_start3A_1718 = tpu.memref_squeeze %dma_start3A_1717 : memref<1x64x128xf32, #tpu.memory_space<vmem>> -> memref<64x128xf32, #tpu.memory_space<vmem>>
      %dma_start3A_1719 = arith.constant 0 : i32
      %dma_start3A_1720 = tpu.memref_slice %arg3[%dma_start3A_1719, %multiple_of3A_1704] : memref<64x1000000xf32, #tpu.memory_space<hbm>> -> memref<64x128xf32, #tpu.memory_space<hbm>>
      tpu.enqueue_dma source(%dma_start3A_1720 : memref<64x128xf32, #tpu.memory_space<hbm>>) target(%dma_start3A_1718 : memref<64x128xf32, #tpu.memory_space<vmem>>) target_semaphore(%dma_start3A_1714 : memref<!tpu.dma_semaphore, #tpu.memory_space<semaphore_mem>>)
    }
    %scan3A_211 = arith.constant 31 : i32
    %get3A_212 = arith.constant 248 : index
    %get3A_213 = tpu.vector_load %arg6[%get3A_212] {strides = array<i32>} : memref<272xi32, #tpu.memory_space<vmem>>, vector<16xi32>,
    %slice3A_214 = vector.extract_strided_slice %get3A_213 {offsets = [0], sizes = [1], strides = [1]} : vector<16xi32> to vector<1xi32>
    %squeeze3A_215 = vector.extract %slice3A_214[0] : i32 from vector<1xi32>
    %dma_wait3A_216 = arith.constant 0 : i32
    %dma_wait3A_217 = arith.constant 0 : i32
    %dma_wait3A_218 = arith.constant 0 : i32
    %dma_wait3A_219 = arith.constant 0 : i32
    %dma_wait3A_220 = tpu.memref_slice %arg7[%dma_wait3A_216, %dma_wait3A_218, %dma_wait3A_219] : memref<8x64x128xf32, #tpu.memory_space<vmem>> -> memref<1x64x128xf32, #tpu.memory_space<vmem>>
    %dma_wait3A_221 = tpu.memref_squeeze %dma_wait3A_220 : memref<1x64x128xf32, #tpu.memory_space<vmem>> -> memref<64x128xf32, #tpu.memory_space<vmem>>
    %dma_wait3A_222 = arith.constant 0 : i32
    %dma_wait3A_223 = arith.constant 0 : i32
    %dma_wait3A_224 = tpu.memref_slice %arg3[%dma_wait3A_222, %dma_wait3A_223] : memref<64x1000000xf32, #tpu.memory_space<hbm>> -> memref<64x128xf32, #tpu.memory_space<hbm>>
    %dma_wait3A_225 = tpu.memref_slice %arg10[%dma_wait3A_217] : memref<8x!tpu.dma_semaphore, #tpu.memory_space<semaphore_mem>> -> memref<1x!tpu.dma_semaphore, #tpu.memory_space<semaphore_mem>>
    %dma_wait3A_226 = tpu.memref_squeeze %dma_wait3A_225 : memref<1x!tpu.dma_semaphore, #tpu.memory_space<semaphore_mem>> -> memref<!tpu.dma_semaphore, #tpu.memory_space<semaphore_mem>>
    %dma_wait3A_227 = arith.constant 0 : i32
    %dma_wait3A_228 = arith.constant 0 : i32
    %dma_wait3A_229 = tpu.memref_slice %arg7[%dma_wait3A_216, %dma_wait3A_227, %dma_wait3A_228] : memref<8x64x128xf32, #tpu.memory_space<vmem>> -> memref<1x64x128xf32, #tpu.memory_space<vmem>>
    %dma_wait3A_230 = tpu.memref_squeeze %dma_wait3A_229 : memref<1x64x128xf32, #tpu.memory_space<vmem>> -> memref<64x128xf32, #tpu.memory_space<vmem>>
    %dma_wait3A_231 = arith.constant 0 : i32
    %dma_wait3A_232 = arith.constant 0 : i32
    %dma_wait3A_233 = tpu.memref_slice %arg3[%dma_wait3A_231, %dma_wait3A_232] : memref<64x1000000xf32, #tpu.memory_space<hbm>> -> memref<64x128xf32, #tpu.memory_space<hbm>>
    tpu.wait_dma2 semaphore(%dma_wait3A_226 : memref<!tpu.dma_semaphore, #tpu.memory_space<semaphore_mem>>) src(%dma_wait3A_233 : memref<64x128xf32, #tpu.memory_space<hbm>>) dst(%dma_wait3A_230 : memref<64x128xf32, #tpu.memory_space<vmem>>)
    %and3A_234 = arith.constant 127 : i32
    %and3A_235 = arith.andi %squeeze3A_215, %and3A_234 : i32
    %broadcast_in_dim3A = vector.broadcast %and3A_235 : i32 to vector<16xi32>
    %broadcast_in_dim3A_236 = arith.constant 248 : i32
    %broadcast_in_dim3A_237 = vector.broadcast %broadcast_in_dim3A_236 : i32 to vector<16xi32>
    %add3A_238 = arith.constant 0 : i32
    %add3A_239 = vector.broadcast %add3A_238 : i32 to vector<16xi32>
    %add3A_240 = arith.addi %iota3A, %add3A_239 : vector<16xi32>
    %gather3A = arith.constant 0 : i32
    %gather3A_241 = arith.constant 0 : i32
    %gather3A_242 = arith.constant 0 : i32
    %gather3A_243 = tpu.memref_slice %arg7[%gather3A, %gather3A_241, %gather3A_242] : memref<8x64x128xf32, #tpu.memory_space<vmem>> -> memref<1x64x128xf32, #tpu.memory_space<vmem>>
    %gather3A_244 = tpu.memref_squeeze %gather3A_243 : memref<1x64x128xf32, #tpu.memory_space<vmem>> -> memref<64x128xf32, #tpu.memory_space<vmem>>
    %gather3A_245 = tpu.vector_load_idx %gather3A_244[%add3A_240, %broadcast_in_dim3A] : memref<64x128xf32, #tpu.memory_space<vmem>>[vector<16xi32>, vector<16xi32>], vector<16xf32>,
    %gather3A_246 = tpu.vector_load_idx %arg9[%add3A_240, %broadcast_in_dim3A_237] : memref<64x256xf32, #tpu.memory_space<vmem>>[vector<16xi32>, vector<16xi32>], vector<16xf32>,
    %add3A_247 = arith.addf %gather3A_245, %gather3A_246 : vector<16xf32>
    %mul3A_248 = arith.constant 8.000000e+00 : f32
    %mul3A_249 = vector.broadcast %mul3A_248 : f32 to vector<16xf32>
    %mul3A_250 = arith.mulf %add3A_247, %mul3A_249 : vector<16xf32>
    tpu.vector_store_idx %arg8[%add3A_240, %broadcast_in_dim3A_237], %mul3A_250 : memref<64x256xf32, #tpu.memory_space<vmem>>[vector<16xi32>, vector<16xi32>], vector<16xf32>,
    %add3A_251 = arith.constant 16 : i32
    %add3A_252 = vector.broadcast %add3A_251 : i32 to vector<16xi32>
    %add3A_253 = arith.addi %iota3A, %add3A_252 : vector<16xi32>
    %gather3A_254 = arith.constant 0 : i32
    %gather3A_255 = arith.constant 0 : i32
    %gather3A_256 = arith.constant 0 : i32
    %gather3A_257 = tpu.memref_slice %arg7[%gather3A_254, %gather3A_255, %gather3A_256] : memref<8x64x128xf32, #tpu.memory_space<vmem>> -> memref<1x64x128xf32, #tpu.memory_space<vmem>>
    %gather3A_258 = tpu.memref_squeeze %gather3A_257 : memref<1x64x128xf32, #tpu.memory_space<vmem>> -> memref<64x128xf32, #tpu.memory_space<vmem>>
    %gather3A_259 = tpu.vector_load_idx %gather3A_258[%add3A_253, %broadcast_in_dim3A] : memref<64x128xf32, #tpu.memory_space<vmem>>[vector<16xi32>, vector<16xi32>], vector<16xf32>,
    %gather3A_260 = tpu.vector_load_idx %arg9[%add3A_253, %broadcast_in_dim3A_237] : memref<64x256xf32, #tpu.memory_space<vmem>>[vector<16xi32>, vector<16xi32>], vector<16xf32>,
    %add3A_261 = arith.addf %gather3A_259, %gather3A_260 : vector<16xf32>
    %mul3A_262 = arith.constant 8.000000e+00 : f32
    %mul3A_263 = vector.broadcast %mul3A_262 : f32 to vector<16xf32>
    %mul3A_264 = arith.mulf %add3A_261, %mul3A_263 : vector<16xf32>
    tpu.vector_store_idx %arg8[%add3A_253, %broadcast_in_dim3A_237], %mul3A_264 : memref<64x256xf32, #tpu.memory_space<vmem>>[vector<16xi32>, vector<16xi32>], vector<16xf32>,
    %add3A_265 = arith.constant 32 : i32
    %add3A_266 = vector.broadcast %add3A_265 : i32 to vector<16xi32>
    %add3A_267 = arith.addi %iota3A, %add3A_266 : vector<16xi32>
    %gather3A_268 = arith.constant 0 : i32
    %gather3A_269 = arith.constant 0 : i32
    %gather3A_270 = arith.constant 0 : i32
    %gather3A_271 = tpu.memref_slice %arg7[%gather3A_268, %gather3A_269, %gather3A_270] : memref<8x64x128xf32, #tpu.memory_space<vmem>> -> memref<1x64x128xf32, #tpu.memory_space<vmem>>
    %gather3A_272 = tpu.memref_squeeze %gather3A_271 : memref<1x64x128xf32, #tpu.memory_space<vmem>> -> memref<64x128xf32, #tpu.memory_space<vmem>>
    %gather3A_273 = tpu.vector_load_idx %gather3A_272[%add3A_267, %broadcast_in_dim3A] : memref<64x128xf32, #tpu.memory_space<vmem>>[vector<16xi32>, vector<16xi32>], vector<16xf32>,
    %gather3A_274 = tpu.vector_load_idx %arg9[%add3A_267, %broadcast_in_dim3A_237] : memref<64x256xf32, #tpu.memory_space<vmem>>[vector<16xi32>, vector<16xi32>], vector<16xf32>,
    %add3A_275 = arith.addf %gather3A_273, %gather3A_274 : vector<16xf32>
    %mul3A_276 = arith.constant 8.000000e+00 : f32
    %mul3A_277 = vector.broadcast %mul3A_276 : f32 to vector<16xf32>
    %mul3A_278 = arith.mulf %add3A_275, %mul3A_277 : vector<16xf32>
    tpu.vector_store_idx %arg8[%add3A_267, %broadcast_in_dim3A_237], %mul3A_278 : memref<64x256xf32, #tpu.memory_space<vmem>>[vector<16xi32>, vector<16xi32>], vector<16xf32>,
    %add3A_279 = arith.constant 48 : i32
    %add3A_280 = vector.broadcast %add3A_279 : i32 to vector<16xi32>
    %add3A_281 = arith.addi %iota3A, %add3A_280 : vector<16xi32>
    %gather3A_282 = arith.constant 0 : i32
    %gather3A_283 = arith.constant 0 : i32
    %gather3A_284 = arith.constant 0 : i32
    %gather3A_285 = tpu.memref_slice %arg7[%gather3A_282, %gather3A_283, %gather3A_284] : memref<8x64x128xf32, #tpu.memory_space<vmem>> -> memref<1x64x128xf32, #tpu.memory_space<vmem>>
    %gather3A_286 = tpu.memref_squeeze %gather3A_285 : memref<1x64x128xf32, #tpu.memory_space<vmem>> -> memref<64x128xf32, #tpu.memory_space<vmem>>
    %gather3A_287 = tpu.vector_load_idx %gather3A_286[%add3A_281, %broadcast_in_dim3A] : memref<64x128xf32, #tpu.memory_space<vmem>>[vector<16xi32>, vector<16xi32>], vector<16xf32>,
    %gather3A_288 = tpu.vector_load_idx %arg9[%add3A_281, %broadcast_in_dim3A_237] : memref<64x256xf32, #tpu.memory_space<vmem>>[vector<16xi32>, vector<16xi32>], vector<16xf32>,
    %add3A_289 = arith.addf %gather3A_287, %gather3A_288 : vector<16xf32>
    %mul3A_290 = arith.constant 8.000000e+00 : f32
    %mul3A_291 = vector.broadcast %mul3A_290 : f32 to vector<16xf32>
    %mul3A_292 = arith.mulf %add3A_289, %mul3A_291 : vector<16xf32>
    tpu.vector_store_idx %arg8[%add3A_281, %broadcast_in_dim3A_237], %mul3A_292 : memref<64x256xf32, #tpu.memory_space<vmem>>[vector<16xi32>, vector<16xi32>], vector<16xf32>,
    %slice3A_293 = vector.extract_strided_slice %get3A_213 {offsets = [1], sizes = [1], strides = [1]} : vector<16xi32> to vector<1xi32>
    %squeeze3A_294 = vector.extract %slice3A_293[0] : i32 from vector<1xi32>
    %dma_wait3A_295 = arith.constant 1 : i32
    %dma_wait3A_296 = arith.constant 1 : i32
    %dma_wait3A_297 = arith.constant 0 : i32
    %dma_wait3A_298 = arith.constant 0 : i32
    %dma_wait3A_299 = tpu.memref_slice %arg7[%dma_wait3A_295, %dma_wait3A_297, %dma_wait3A_298] : memref<8x64x128xf32, #tpu.memory_space<vmem>> -> memref<1x64x128xf32, #tpu.memory_space<vmem>>
    %dma_wait3A_300 = tpu.memref_squeeze %dma_wait3A_299 : memref<1x64x128xf32, #tpu.memory_space<vmem>> -> memref<64x128xf32, #tpu.memory_space<vmem>>
    %dma_wait3A_301 = arith.constant 0 : i32
    %dma_wait3A_302 = arith.constant 0 : i32
    %dma_wait3A_303 = tpu.memref_slice %arg3[%dma_wait3A_301, %dma_wait3A_302] : memref<64x1000000xf32, #tpu.memory_space<hbm>> -> memref<64x128xf32, #tpu.memory_space<hbm>>
    %dma_wait3A_304 = tpu.memref_slice %arg10[%dma_wait3A_296] : memref<8x!tpu.dma_semaphore, #tpu.memory_space<semaphore_mem>> -> memref<1x!tpu.dma_semaphore, #tpu.memory_space<semaphore_mem>>
    %dma_wait3A_305 = tpu.memref_squeeze %dma_wait3A_304 : memref<1x!tpu.dma_semaphore, #tpu.memory_space<semaphore_mem>> -> memref<!tpu.dma_semaphore, #tpu.memory_space<semaphore_mem>>
    %dma_wait3A_306 = arith.constant 0 : i32
    %dma_wait3A_307 = arith.constant 0 : i32
    %dma_wait3A_308 = tpu.memref_slice %arg7[%dma_wait3A_295, %dma_wait3A_306, %dma_wait3A_307] : memref<8x64x128xf32, #tpu.memory_space<vmem>> -> memref<1x64x128xf32, #tpu.memory_space<vmem>>
    %dma_wait3A_309 = tpu.memref_squeeze %dma_wait3A_308 : memref<1x64x128xf32, #tpu.memory_space<vmem>> -> memref<64x128xf32, #tpu.memory_space<vmem>>
    %dma_wait3A_310 = arith.constant 0 : i32
    %dma_wait3A_311 = arith.constant 0 : i32
    %dma_wait3A_312 = tpu.memref_slice %arg3[%dma_wait3A_310, %dma_wait3A_311] : memref<64x1000000xf32, #tpu.memory_space<hbm>> -> memref<64x128xf32, #tpu.memory_space<hbm>>
    tpu.wait_dma2 semaphore(%dma_wait3A_305 : memref<!tpu.dma_semaphore, #tpu.memory_space<semaphore_mem>>) src(%dma_wait3A_312 : memref<64x128xf32, #tpu.memory_space<hbm>>) dst(%dma_wait3A_309 : memref<64x128xf32, #tpu.memory_space<vmem>>)
    %and3A_313 = arith.constant 127 : i32
    %and3A_314 = arith.andi %squeeze3A_294, %and3A_313 : i32
    %broadcast_in_dim3A_315 = vector.broadcast %and3A_314 : i32 to vector<16xi32>
    %broadcast_in_dim3A_316 = arith.constant 249 : i32
    %broadcast_in_dim3A_317 = vector.broadcast %broadcast_in_dim3A_316 : i32 to vector<16xi32>
    %add3A_318 = arith.constant 0 : i32
    %add3A_319 = vector.broadcast %add3A_318 : i32 to vector<16xi32>
    %add3A_320 = arith.addi %iota3A, %add3A_319 : vector<16xi32>
    %gather3A_321 = arith.constant 1 : i32
    %gather3A_322 = arith.constant 0 : i32
    %gather3A_323 = arith.constant 0 : i32
    %gather3A_324 = tpu.memref_slice %arg7[%gather3A_321, %gather3A_322, %gather3A_323] : memref<8x64x128xf32, #tpu.memory_space<vmem>> -> memref<1x64x128xf32, #tpu.memory_space<vmem>>
    %gather3A_325 = tpu.memref_squeeze %gather3A_324 : memref<1x64x128xf32, #tpu.memory_space<vmem>> -> memref<64x128xf32, #tpu.memory_space<vmem>>
    %gather3A_326 = tpu.vector_load_idx %gather3A_325[%add3A_320, %broadcast_in_dim3A_315] : memref<64x128xf32, #tpu.memory_space<vmem>>[vector<16xi32>, vector<16xi32>], vector<16xf32>,
    %gather3A_327 = tpu.vector_load_idx %arg9[%add3A_320, %broadcast_in_dim3A_317] : memref<64x256xf32, #tpu.memory_space<vmem>>[vector<16xi32>, vector<16xi32>], vector<16xf32>,
    %add3A_328 = arith.addf %gather3A_326, %gather3A_327 : vector<16xf32>
    %mul3A_329 = arith.constant 8.000000e+00 : f32
    %mul3A_330 = vector.broadcast %mul3A_329 : f32 to vector<16xf32>
    %mul3A_331 = arith.mulf %add3A_328, %mul3A_330 : vector<16xf32>
    tpu.vector_store_idx %arg8[%add3A_320, %broadcast_in_dim3A_317], %mul3A_331 : memref<64x256xf32, #tpu.memory_space<vmem>>[vector<16xi32>, vector<16xi32>], vector<16xf32>,
    %add3A_332 = arith.constant 16 : i32
    %add3A_333 = vector.broadcast %add3A_332 : i32 to vector<16xi32>
    %add3A_334 = arith.addi %iota3A, %add3A_333 : vector<16xi32>
    %gather3A_335 = arith.constant 1 : i32
    %gather3A_336 = arith.constant 0 : i32
    %gather3A_337 = arith.constant 0 : i32
    %gather3A_338 = tpu.memref_slice %arg7[%gather3A_335, %gather3A_336, %gather3A_337] : memref<8x64x128xf32, #tpu.memory_space<vmem>> -> memref<1x64x128xf32, #tpu.memory_space<vmem>>
    %gather3A_339 = tpu.memref_squeeze %gather3A_338 : memref<1x64x128xf32, #tpu.memory_space<vmem>> -> memref<64x128xf32, #tpu.memory_space<vmem>>
    %gather3A_340 = tpu.vector_load_idx %gather3A_339[%add3A_334, %broadcast_in_dim3A_315] : memref<64x128xf32, #tpu.memory_space<vmem>>[vector<16xi32>, vector<16xi32>], vector<16xf32>,
    %gather3A_341 = tpu.vector_load_idx %arg9[%add3A_334, %broadcast_in_dim3A_317] : memref<64x256xf32, #tpu.memory_space<vmem>>[vector<16xi32>, vector<16xi32>], vector<16xf32>,
    %add3A_342 = arith.addf %gather3A_340, %gather3A_341 : vector<16xf32>
    %mul3A_343 = arith.constant 8.000000e+00 : f32
    %mul3A_344 = vector.broadcast %mul3A_343 : f32 to vector<16xf32>
    %mul3A_345 = arith.mulf %add3A_342, %mul3A_344 : vector<16xf32>
    tpu.vector_store_idx %arg8[%add3A_334, %broadcast_in_dim3A_317], %mul3A_345 : memref<64x256xf32, #tpu.memory_space<vmem>>[vector<16xi32>, vector<16xi32>], vector<16xf32>,
    %add3A_346 = arith.constant 32 : i32
    %add3A_347 = vector.broadcast %add3A_346 : i32 to vector<16xi32>
    %add3A_348 = arith.addi %iota3A, %add3A_347 : vector<16xi32>
    %gather3A_349 = arith.constant 1 : i32
    %gather3A_350 = arith.constant 0 : i32
    %gather3A_351 = arith.constant 0 : i32
    %gather3A_352 = tpu.memref_slice %arg7[%gather3A_349, %gather3A_350, %gather3A_351] : memref<8x64x128xf32, #tpu.memory_space<vmem>> -> memref<1x64x128xf32, #tpu.memory_space<vmem>>
    %gather3A_353 = tpu.memref_squeeze %gather3A_352 : memref<1x64x128xf32, #tpu.memory_space<vmem>> -> memref<64x128xf32, #tpu.memory_space<vmem>>
    %gather3A_354 = tpu.vector_load_idx %gather3A_353[%add3A_348, %broadcast_in_dim3A_315] : memref<64x128xf32, #tpu.memory_space<vmem>>[vector<16xi32>, vector<16xi32>], vector<16xf32>,
    %gather3A_355 = tpu.vector_load_idx %arg9[%add3A_348, %broadcast_in_dim3A_317] : memref<64x256xf32, #tpu.memory_space<vmem>>[vector<16xi32>, vector<16xi32>], vector<16xf32>,
    %add3A_356 = arith.addf %gather3A_354, %gather3A_355 : vector<16xf32>
    %mul3A_357 = arith.constant 8.000000e+00 : f32
    %mul3A_358 = vector.broadcast %mul3A_357 : f32 to vector<16xf32>
    %mul3A_359 = arith.mulf %add3A_356, %mul3A_358 : vector<16xf32>
    tpu.vector_store_idx %arg8[%add3A_348, %broadcast_in_dim3A_317], %mul3A_359 : memref<64x256xf32, #tpu.memory_space<vmem>>[vector<16xi32>, vector<16xi32>], vector<16xf32>,
    %add3A_360 = arith.constant 48 : i32
    %add3A_361 = vector.broadcast %add3A_360 : i32 to vector<16xi32>
    %add3A_362 = arith.addi %iota3A, %add3A_361 : vector<16xi32>
    %gather3A_363 = arith.constant 1 : i32
    %gather3A_364 = arith.constant 0 : i32
    %gather3A_365 = arith.constant 0 : i32
    %gather3A_366 = tpu.memref_slice %arg7[%gather3A_363, %gather3A_364, %gather3A_365] : memref<8x64x128xf32, #tpu.memory_space<vmem>> -> memref<1x64x128xf32, #tpu.memory_space<vmem>>
    %gather3A_367 = tpu.memref_squeeze %gather3A_366 : memref<1x64x128xf32, #tpu.memory_space<vmem>> -> memref<64x128xf32, #tpu.memory_space<vmem>>
    %gather3A_368 = tpu.vector_load_idx %gather3A_367[%add3A_362, %broadcast_in_dim3A_315] : memref<64x128xf32, #tpu.memory_space<vmem>>[vector<16xi32>, vector<16xi32>], vector<16xf32>,
    %gather3A_369 = tpu.vector_load_idx %arg9[%add3A_362, %broadcast_in_dim3A_317] : memref<64x256xf32, #tpu.memory_space<vmem>>[vector<16xi32>, vector<16xi32>], vector<16xf32>,
    %add3A_370 = arith.addf %gather3A_368, %gather3A_369 : vector<16xf32>
    %mul3A_371 = arith.constant 8.000000e+00 : f32
    %mul3A_372 = vector.broadcast %mul3A_371 : f32 to vector<16xf32>
    %mul3A_373 = arith.mulf %add3A_370, %mul3A_372 : vector<16xf32>
    tpu.vector_store_idx %arg8[%add3A_362, %broadcast_in_dim3A_317], %mul3A_373 : memref<64x256xf32, #tpu.memory_space<vmem>>[vector<16xi32>, vector<16xi32>], vector<16xf32>,
    %slice3A_374 = vector.extract_strided_slice %get3A_213 {offsets = [2], sizes = [1], strides = [1]} : vector<16xi32> to vector<1xi32>
    %squeeze3A_375 = vector.extract %slice3A_374[0] : i32 from vector<1xi32>
    %dma_wait3A_376 = arith.constant 2 : i32
    %dma_wait3A_377 = arith.constant 2 : i32
    %dma_wait3A_378 = arith.constant 0 : i32
    %dma_wait3A_379 = arith.constant 0 : i32
    %dma_wait3A_380 = tpu.memref_slice %arg7[%dma_wait3A_376, %dma_wait3A_378, %dma_wait3A_379] : memref<8x64x128xf32, #tpu.memory_space<vmem>> -> memref<1x64x128xf32, #tpu.memory_space<vmem>>
    %dma_wait3A_381 = tpu.memref_squeeze %dma_wait3A_380 : memref<1x64x128xf32, #tpu.memory_space<vmem>> -> memref<64x128xf32, #tpu.memory_space<vmem>>
    %dma_wait3A_382 = arith.constant 0 : i32
    %dma_wait3A_383 = arith.constant 0 : i32
    %dma_wait3A_384 = tpu.memref_slice %arg3[%dma_wait3A_382, %dma_wait3A_383] : memref<64x1000000xf32, #tpu.memory_space<hbm>> -> memref<64x128xf32, #tpu.memory_space<hbm>>
    %dma_wait3A_385 = tpu.memref_slice %arg10[%dma_wait3A_377] : memref<8x!tpu.dma_semaphore, #tpu.memory_space<semaphore_mem>> -> memref<1x!tpu.dma_semaphore, #tpu.memory_space<semaphore_mem>>
    %dma_wait3A_386 = tpu.memref_squeeze %dma_wait3A_385 : memref<1x!tpu.dma_semaphore, #tpu.memory_space<semaphore_mem>> -> memref<!tpu.dma_semaphore, #tpu.memory_space<semaphore_mem>>
    %dma_wait3A_387 = arith.constant 0 : i32
    %dma_wait3A_388 = arith.constant 0 : i32
    %dma_wait3A_389 = tpu.memref_slice %arg7[%dma_wait3A_376, %dma_wait3A_387, %dma_wait3A_388] : memref<8x64x128xf32, #tpu.memory_space<vmem>> -> memref<1x64x128xf32, #tpu.memory_space<vmem>>
    %dma_wait3A_390 = tpu.memref_squeeze %dma_wait3A_389 : memref<1x64x128xf32, #tpu.memory_space<vmem>> -> memref<64x128xf32, #tpu.memory_space<vmem>>
    %dma_wait3A_391 = arith.constant 0 : i32
    %dma_wait3A_392 = arith.constant 0 : i32
    %dma_wait3A_393 = tpu.memref_slice %arg3[%dma_wait3A_391, %dma_wait3A_392] : memref<64x1000000xf32, #tpu.memory_space<hbm>> -> memref<64x128xf32, #tpu.memory_space<hbm>>
    tpu.wait_dma2 semaphore(%dma_wait3A_386 : memref<!tpu.dma_semaphore, #tpu.memory_space<semaphore_mem>>) src(%dma_wait3A_393 : memref<64x128xf32, #tpu.memory_space<hbm>>) dst(%dma_wait3A_390 : memref<64x128xf32, #tpu.memory_space<vmem>>)
    %and3A_394 = arith.constant 127 : i32
    %and3A_395 = arith.andi %squeeze3A_375, %and3A_394 : i32
    %broadcast_in_dim3A_396 = vector.broadcast %and3A_395 : i32 to vector<16xi32>
    %broadcast_in_dim3A_397 = arith.constant 250 : i32
    %broadcast_in_dim3A_398 = vector.broadcast %broadcast_in_dim3A_397 : i32 to vector<16xi32>
    %add3A_399 = arith.constant 0 : i32
    %add3A_400 = vector.broadcast %add3A_399 : i32 to vector<16xi32>
    %add3A_401 = arith.addi %iota3A, %add3A_400 : vector<16xi32>
    %gather3A_402 = arith.constant 2 : i32
    %gather3A_403 = arith.constant 0 : i32
    %gather3A_404 = arith.constant 0 : i32
    %gather3A_405 = tpu.memref_slice %arg7[%gather3A_402, %gather3A_403, %gather3A_404] : memref<8x64x128xf32, #tpu.memory_space<vmem>> -> memref<1x64x128xf32, #tpu.memory_space<vmem>>
    %gather3A_406 = tpu.memref_squeeze %gather3A_405 : memref<1x64x128xf32, #tpu.memory_space<vmem>> -> memref<64x128xf32, #tpu.memory_space<vmem>>
    %gather3A_407 = tpu.vector_load_idx %gather3A_406[%add3A_401, %broadcast_in_dim3A_396] : memref<64x128xf32, #tpu.memory_space<vmem>>[vector<16xi32>, vector<16xi32>], vector<16xf32>,
    %gather3A_408 = tpu.vector_load_idx %arg9[%add3A_401, %broadcast_in_dim3A_398] : memref<64x256xf32, #tpu.memory_space<vmem>>[vector<16xi32>, vector<16xi32>], vector<16xf32>,
    %add3A_409 = arith.addf %gather3A_407, %gather3A_408 : vector<16xf32>
    %mul3A_410 = arith.constant 8.000000e+00 : f32
    %mul3A_411 = vector.broadcast %mul3A_410 : f32 to vector<16xf32>
    %mul3A_412 = arith.mulf %add3A_409, %mul3A_411 : vector<16xf32>
    tpu.vector_store_idx %arg8[%add3A_401, %broadcast_in_dim3A_398], %mul3A_412 : memref<64x256xf32, #tpu.memory_space<vmem>>[vector<16xi32>, vector<16xi32>], vector<16xf32>,
    %add3A_413 = arith.constant 16 : i32
    %add3A_414 = vector.broadcast %add3A_413 : i32 to vector<16xi32>
    %add3A_415 = arith.addi %iota3A, %add3A_414 : vector<16xi32>
    %gather3A_416 = arith.constant 2 : i32
    %gather3A_417 = arith.constant 0 : i32
    %gather3A_418 = arith.constant 0 : i32
    %gather3A_419 = tpu.memref_slice %arg7[%gather3A_416, %gather3A_417, %gather3A_418] : memref<8x64x128xf32, #tpu.memory_space<vmem>> -> memref<1x64x128xf32, #tpu.memory_space<vmem>>
    %gather3A_420 = tpu.memref_squeeze %gather3A_419 : memref<1x64x128xf32, #tpu.memory_space<vmem>> -> memref<64x128xf32, #tpu.memory_space<vmem>>
    %gather3A_421 = tpu.vector_load_idx %gather3A_420[%add3A_415, %broadcast_in_dim3A_396] : memref<64x128xf32, #tpu.memory_space<vmem>>[vector<16xi32>, vector<16xi32>], vector<16xf32>,
    %gather3A_422 = tpu.vector_load_idx %arg9[%add3A_415, %broadcast_in_dim3A_398] : memref<64x256xf32, #tpu.memory_space<vmem>>[vector<16xi32>, vector<16xi32>], vector<16xf32>,
    %add3A_423 = arith.addf %gather3A_421, %gather3A_422 : vector<16xf32>
    %mul3A_424 = arith.constant 8.000000e+00 : f32
    %mul3A_425 = vector.broadcast %mul3A_424 : f32 to vector<16xf32>
    %mul3A_426 = arith.mulf %add3A_423, %mul3A_425 : vector<16xf32>
    tpu.vector_store_idx %arg8[%add3A_415, %broadcast_in_dim3A_398], %mul3A_426 : memref<64x256xf32, #tpu.memory_space<vmem>>[vector<16xi32>, vector<16xi32>], vector<16xf32>,
    %add3A_427 = arith.constant 32 : i32
    %add3A_428 = vector.broadcast %add3A_427 : i32 to vector<16xi32>
    %add3A_429 = arith.addi %iota3A, %add3A_428 : vector<16xi32>
    %gather3A_430 = arith.constant 2 : i32
    %gather3A_431 = arith.constant 0 : i32
    %gather3A_432 = arith.constant 0 : i32
    %gather3A_433 = tpu.memref_slice %arg7[%gather3A_430, %gather3A_431, %gather3A_432] : memref<8x64x128xf32, #tpu.memory_space<vmem>> -> memref<1x64x128xf32, #tpu.memory_space<vmem>>
    %gather3A_434 = tpu.memref_squeeze %gather3A_433 : memref<1x64x128xf32, #tpu.memory_space<vmem>> -> memref<64x128xf32, #tpu.memory_space<vmem>>
    %gather3A_435 = tpu.vector_load_idx %gather3A_434[%add3A_429, %broadcast_in_dim3A_396] : memref<64x128xf32, #tpu.memory_space<vmem>>[vector<16xi32>, vector<16xi32>], vector<16xf32>,
    %gather3A_436 = tpu.vector_load_idx %arg9[%add3A_429, %broadcast_in_dim3A_398] : memref<64x256xf32, #tpu.memory_space<vmem>>[vector<16xi32>, vector<16xi32>], vector<16xf32>,
    %add3A_437 = arith.addf %gather3A_435, %gather3A_436 : vector<16xf32>
    %mul3A_438 = arith.constant 8.000000e+00 : f32
    %mul3A_439 = vector.broadcast %mul3A_438 : f32 to vector<16xf32>
    %mul3A_440 = arith.mulf %add3A_437, %mul3A_439 : vector<16xf32>
    tpu.vector_store_idx %arg8[%add3A_429, %broadcast_in_dim3A_398], %mul3A_440 : memref<64x256xf32, #tpu.memory_space<vmem>>[vector<16xi32>, vector<16xi32>], vector<16xf32>,
    %add3A_441 = arith.constant 48 : i32
    %add3A_442 = vector.broadcast %add3A_441 : i32 to vector<16xi32>
    %add3A_443 = arith.addi %iota3A, %add3A_442 : vector<16xi32>
    %gather3A_444 = arith.constant 2 : i32
    %gather3A_445 = arith.constant 0 : i32
    %gather3A_446 = arith.constant 0 : i32
    %gather3A_447 = tpu.memref_slice %arg7[%gather3A_444, %gather3A_445, %gather3A_446] : memref<8x64x128xf32, #tpu.memory_space<vmem>> -> memref<1x64x128xf32, #tpu.memory_space<vmem>>
    %gather3A_448 = tpu.memref_squeeze %gather3A_447 : memref<1x64x128xf32, #tpu.memory_space<vmem>> -> memref<64x128xf32, #tpu.memory_space<vmem>>
    %gather3A_449 = tpu.vector_load_idx %gather3A_448[%add3A_443, %broadcast_in_dim3A_396] : memref<64x128xf32, #tpu.memory_space<vmem>>[vector<16xi32>, vector<16xi32>], vector<16xf32>,
    %gather3A_450 = tpu.vector_load_idx %arg9[%add3A_443, %broadcast_in_dim3A_398] : memref<64x256xf32, #tpu.memory_space<vmem>>[vector<16xi32>, vector<16xi32>], vector<16xf32>,
    %add3A_451 = arith.addf %gather3A_449, %gather3A_450 : vector<16xf32>
    %mul3A_452 = arith.constant 8.000000e+00 : f32
    %mul3A_453 = vector.broadcast %mul3A_452 : f32 to vector<16xf32>
    %mul3A_454 = arith.mulf %add3A_451, %mul3A_453 : vector<16xf32>
    tpu.vector_store_idx %arg8[%add3A_443, %broadcast_in_dim3A_398], %mul3A_454 : memref<64x256xf32, #tpu.memory_space<vmem>>[vector<16xi32>, vector<16xi32>], vector<16xf32>,
    %slice3A_455 = vector.extract_strided_slice %get3A_213 {offsets = [3], sizes = [1], strides = [1]} : vector<16xi32> to vector<1xi32>
    %squeeze3A_456 = vector.extract %slice3A_455[0] : i32 from vector<1xi32>
    %dma_wait3A_457 = arith.constant 3 : i32
    %dma_wait3A_458 = arith.constant 3 : i32
    %dma_wait3A_459 = arith.constant 0 : i32
    %dma_wait3A_460 = arith.constant 0 : i32
    %dma_wait3A_461 = tpu.memref_slice %arg7[%dma_wait3A_457, %dma_wait3A_459, %dma_wait3A_460] : memref<8x64x128xf32, #tpu.memory_space<vmem>> -> memref<1x64x128xf32, #tpu.memory_space<vmem>>
    %dma_wait3A_462 = tpu.memref_squeeze %dma_wait3A_461 : memref<1x64x128xf32, #tpu.memory_space<vmem>> -> memref<64x128xf32, #tpu.memory_space<vmem>>
    %dma_wait3A_463 = arith.constant 0 : i32
    %dma_wait3A_464 = arith.constant 0 : i32
    %dma_wait3A_465 = tpu.memref_slice %arg3[%dma_wait3A_463, %dma_wait3A_464] : memref<64x1000000xf32, #tpu.memory_space<hbm>> -> memref<64x128xf32, #tpu.memory_space<hbm>>
    %dma_wait3A_466 = tpu.memref_slice %arg10[%dma_wait3A_458] : memref<8x!tpu.dma_semaphore, #tpu.memory_space<semaphore_mem>> -> memref<1x!tpu.dma_semaphore, #tpu.memory_space<semaphore_mem>>
    %dma_wait3A_467 = tpu.memref_squeeze %dma_wait3A_466 : memref<1x!tpu.dma_semaphore, #tpu.memory_space<semaphore_mem>> -> memref<!tpu.dma_semaphore, #tpu.memory_space<semaphore_mem>>
    %dma_wait3A_468 = arith.constant 0 : i32
    %dma_wait3A_469 = arith.constant 0 : i32
    %dma_wait3A_470 = tpu.memref_slice %arg7[%dma_wait3A_457, %dma_wait3A_468, %dma_wait3A_469] : memref<8x64x128xf32, #tpu.memory_space<vmem>> -> memref<1x64x128xf32, #tpu.memory_space<vmem>>
    %dma_wait3A_471 = tpu.memref_squeeze %dma_wait3A_470 : memref<1x64x128xf32, #tpu.memory_space<vmem>> -> memref<64x128xf32, #tpu.memory_space<vmem>>
    %dma_wait3A_472 = arith.constant 0 : i32
    %dma_wait3A_473 = arith.constant 0 : i32
    %dma_wait3A_474 = tpu.memref_slice %arg3[%dma_wait3A_472, %dma_wait3A_473] : memref<64x1000000xf32, #tpu.memory_space<hbm>> -> memref<64x128xf32, #tpu.memory_space<hbm>>
    tpu.wait_dma2 semaphore(%dma_wait3A_467 : memref<!tpu.dma_semaphore, #tpu.memory_space<semaphore_mem>>) src(%dma_wait3A_474 : memref<64x128xf32, #tpu.memory_space<hbm>>) dst(%dma_wait3A_471 : memref<64x128xf32, #tpu.memory_space<vmem>>)
    %and3A_475 = arith.constant 127 : i32
    %and3A_476 = arith.andi %squeeze3A_456, %and3A_475 : i32
    %broadcast_in_dim3A_477 = vector.broadcast %and3A_476 : i32 to vector<16xi32>
    %broadcast_in_dim3A_478 = arith.constant 251 : i32
    %broadcast_in_dim3A_479 = vector.broadcast %broadcast_in_dim3A_478 : i32 to vector<16xi32>
    %add3A_480 = arith.constant 0 : i32
    %add3A_481 = vector.broadcast %add3A_480 : i32 to vector<16xi32>
    %add3A_482 = arith.addi %iota3A, %add3A_481 : vector<16xi32>
    %gather3A_483 = arith.constant 3 : i32
    %gather3A_484 = arith.constant 0 : i32
    %gather3A_485 = arith.constant 0 : i32
    %gather3A_486 = tpu.memref_slice %arg7[%gather3A_483, %gather3A_484, %gather3A_485] : memref<8x64x128xf32, #tpu.memory_space<vmem>> -> memref<1x64x128xf32, #tpu.memory_space<vmem>>
    %gather3A_487 = tpu.memref_squeeze %gather3A_486 : memref<1x64x128xf32, #tpu.memory_space<vmem>> -> memref<64x128xf32, #tpu.memory_space<vmem>>
    %gather3A_488 = tpu.vector_load_idx %gather3A_487[%add3A_482, %broadcast_in_dim3A_477] : memref<64x128xf32, #tpu.memory_space<vmem>>[vector<16xi32>, vector<16xi32>], vector<16xf32>,
    %gather3A_489 = tpu.vector_load_idx %arg9[%add3A_482, %broadcast_in_dim3A_479] : memref<64x256xf32, #tpu.memory_space<vmem>>[vector<16xi32>, vector<16xi32>], vector<16xf32>,
    %add3A_490 = arith.addf %gather3A_488, %gather3A_489 : vector<16xf32>
    %mul3A_491 = arith.constant 8.000000e+00 : f32
    %mul3A_492 = vector.broadcast %mul3A_491 : f32 to vector<16xf32>
    %mul3A_493 = arith.mulf %add3A_490, %mul3A_492 : vector<16xf32>
    tpu.vector_store_idx %arg8[%add3A_482, %broadcast_in_dim3A_479], %mul3A_493 : memref<64x256xf32, #tpu.memory_space<vmem>>[vector<16xi32>, vector<16xi32>], vector<16xf32>,
    %add3A_494 = arith.constant 16 : i32
    %add3A_495 = vector.broadcast %add3A_494 : i32 to vector<16xi32>
    %add3A_496 = arith.addi %iota3A, %add3A_495 : vector<16xi32>
    %gather3A_497 = arith.constant 3 : i32
    %gather3A_498 = arith.constant 0 : i32
    %gather3A_499 = arith.constant 0 : i32
    %gather3A_500 = tpu.memref_slice %arg7[%gather3A_497, %gather3A_498, %gather3A_499] : memref<8x64x128xf32, #tpu.memory_space<vmem>> -> memref<1x64x128xf32, #tpu.memory_space<vmem>>
    %gather3A_501 = tpu.memref_squeeze %gather3A_500 : memref<1x64x128xf32, #tpu.memory_space<vmem>> -> memref<64x128xf32, #tpu.memory_space<vmem>>
    %gather3A_502 = tpu.vector_load_idx %gather3A_501[%add3A_496, %broadcast_in_dim3A_477] : memref<64x128xf32, #tpu.memory_space<vmem>>[vector<16xi32>, vector<16xi32>], vector<16xf32>,
    %gather3A_503 = tpu.vector_load_idx %arg9[%add3A_496, %broadcast_in_dim3A_479] : memref<64x256xf32, #tpu.memory_space<vmem>>[vector<16xi32>, vector<16xi32>], vector<16xf32>,
    %add3A_504 = arith.addf %gather3A_502, %gather3A_503 : vector<16xf32>
    %mul3A_505 = arith.constant 8.000000e+00 : f32
    %mul3A_506 = vector.broadcast %mul3A_505 : f32 to vector<16xf32>
    %mul3A_507 = arith.mulf %add3A_504, %mul3A_506 : vector<16xf32>
    tpu.vector_store_idx %arg8[%add3A_496, %broadcast_in_dim3A_479], %mul3A_507 : memref<64x256xf32, #tpu.memory_space<vmem>>[vector<16xi32>, vector<16xi32>], vector<16xf32>,
    %add3A_508 = arith.constant 32 : i32
    %add3A_509 = vector.broadcast %add3A_508 : i32 to vector<16xi32>
    %add3A_510 = arith.addi %iota3A, %add3A_509 : vector<16xi32>
    %gather3A_511 = arith.constant 3 : i32
    %gather3A_512 = arith.constant 0 : i32
    %gather3A_513 = arith.constant 0 : i32
    %gather3A_514 = tpu.memref_slice %arg7[%gather3A_511, %gather3A_512, %gather3A_513] : memref<8x64x128xf32, #tpu.memory_space<vmem>> -> memref<1x64x128xf32, #tpu.memory_space<vmem>>
    %gather3A_515 = tpu.memref_squeeze %gather3A_514 : memref<1x64x128xf32, #tpu.memory_space<vmem>> -> memref<64x128xf32, #tpu.memory_space<vmem>>
    %gather3A_516 = tpu.vector_load_idx %gather3A_515[%add3A_510, %broadcast_in_dim3A_477] : memref<64x128xf32, #tpu.memory_space<vmem>>[vector<16xi32>, vector<16xi32>], vector<16xf32>,
    %gather3A_517 = tpu.vector_load_idx %arg9[%add3A_510, %broadcast_in_dim3A_479] : memref<64x256xf32, #tpu.memory_space<vmem>>[vector<16xi32>, vector<16xi32>], vector<16xf32>,
    %add3A_518 = arith.addf %gather3A_516, %gather3A_517 : vector<16xf32>
    %mul3A_519 = arith.constant 8.000000e+00 : f32
    %mul3A_520 = vector.broadcast %mul3A_519 : f32 to vector<16xf32>
    %mul3A_521 = arith.mulf %add3A_518, %mul3A_520 : vector<16xf32>
    tpu.vector_store_idx %arg8[%add3A_510, %broadcast_in_dim3A_479], %mul3A_521 : memref<64x256xf32, #tpu.memory_space<vmem>>[vector<16xi32>, vector<16xi32>], vector<16xf32>,
    %add3A_522 = arith.constant 48 : i32
    %add3A_523 = vector.broadcast %add3A_522 : i32 to vector<16xi32>
    %add3A_524 = arith.addi %iota3A, %add3A_523 : vector<16xi32>
    %gather3A_525 = arith.constant 3 : i32
    %gather3A_526 = arith.constant 0 : i32
    %gather3A_527 = arith.constant 0 : i32
    %gather3A_528 = tpu.memref_slice %arg7[%gather3A_525, %gather3A_526, %gather3A_527] : memref<8x64x128xf32, #tpu.memory_space<vmem>> -> memref<1x64x128xf32, #tpu.memory_space<vmem>>
    %gather3A_529 = tpu.memref_squeeze %gather3A_528 : memref<1x64x128xf32, #tpu.memory_space<vmem>> -> memref<64x128xf32, #tpu.memory_space<vmem>>
    %gather3A_530 = tpu.vector_load_idx %gather3A_529[%add3A_524, %broadcast_in_dim3A_477] : memref<64x128xf32, #tpu.memory_space<vmem>>[vector<16xi32>, vector<16xi32>], vector<16xf32>,
    %gather3A_531 = tpu.vector_load_idx %arg9[%add3A_524, %broadcast_in_dim3A_479] : memref<64x256xf32, #tpu.memory_space<vmem>>[vector<16xi32>, vector<16xi32>], vector<16xf32>,
    %add3A_532 = arith.addf %gather3A_530, %gather3A_531 : vector<16xf32>
    %mul3A_533 = arith.constant 8.000000e+00 : f32
    %mul3A_534 = vector.broadcast %mul3A_533 : f32 to vector<16xf32>
    %mul3A_535 = arith.mulf %add3A_532, %mul3A_534 : vector<16xf32>
    tpu.vector_store_idx %arg8[%add3A_524, %broadcast_in_dim3A_479], %mul3A_535 : memref<64x256xf32, #tpu.memory_space<vmem>>[vector<16xi32>, vector<16xi32>], vector<16xf32>,
    %slice3A_536 = vector.extract_strided_slice %get3A_213 {offsets = [4], sizes = [1], strides = [1]} : vector<16xi32> to vector<1xi32>
    %squeeze3A_537 = vector.extract %slice3A_536[0] : i32 from vector<1xi32>
    %dma_wait3A_538 = arith.constant 4 : i32
    %dma_wait3A_539 = arith.constant 4 : i32
    %dma_wait3A_540 = arith.constant 0 : i32
    %dma_wait3A_541 = arith.constant 0 : i32
    %dma_wait3A_542 = tpu.memref_slice %arg7[%dma_wait3A_538, %dma_wait3A_540, %dma_wait3A_541] : memref<8x64x128xf32, #tpu.memory_space<vmem>> -> memref<1x64x128xf32, #tpu.memory_space<vmem>>
    %dma_wait3A_543 = tpu.memref_squeeze %dma_wait3A_542 : memref<1x64x128xf32, #tpu.memory_space<vmem>> -> memref<64x128xf32, #tpu.memory_space<vmem>>
    %dma_wait3A_544 = arith.constant 0 : i32
    %dma_wait3A_545 = arith.constant 0 : i32
    %dma_wait3A_546 = tpu.memref_slice %arg3[%dma_wait3A_544, %dma_wait3A_545] : memref<64x1000000xf32, #tpu.memory_space<hbm>> -> memref<64x128xf32, #tpu.memory_space<hbm>>
    %dma_wait3A_547 = tpu.memref_slice %arg10[%dma_wait3A_539] : memref<8x!tpu.dma_semaphore, #tpu.memory_space<semaphore_mem>> -> memref<1x!tpu.dma_semaphore, #tpu.memory_space<semaphore_mem>>
    %dma_wait3A_548 = tpu.memref_squeeze %dma_wait3A_547 : memref<1x!tpu.dma_semaphore, #tpu.memory_space<semaphore_mem>> -> memref<!tpu.dma_semaphore, #tpu.memory_space<semaphore_mem>>
    %dma_wait3A_549 = arith.constant 0 : i32
    %dma_wait3A_550 = arith.constant 0 : i32
    %dma_wait3A_551 = tpu.memref_slice %arg7[%dma_wait3A_538, %dma_wait3A_549, %dma_wait3A_550] : memref<8x64x128xf32, #tpu.memory_space<vmem>> -> memref<1x64x128xf32, #tpu.memory_space<vmem>>
    %dma_wait3A_552 = tpu.memref_squeeze %dma_wait3A_551 : memref<1x64x128xf32, #tpu.memory_space<vmem>> -> memref<64x128xf32, #tpu.memory_space<vmem>>
    %dma_wait3A_553 = arith.constant 0 : i32
    %dma_wait3A_554 = arith.constant 0 : i32
    %dma_wait3A_555 = tpu.memref_slice %arg3[%dma_wait3A_553, %dma_wait3A_554] : memref<64x1000000xf32, #tpu.memory_space<hbm>> -> memref<64x128xf32, #tpu.memory_space<hbm>>
    tpu.wait_dma2 semaphore(%dma_wait3A_548 : memref<!tpu.dma_semaphore, #tpu.memory_space<semaphore_mem>>) src(%dma_wait3A_555 : memref<64x128xf32, #tpu.memory_space<hbm>>) dst(%dma_wait3A_552 : memref<64x128xf32, #tpu.memory_space<vmem>>)
    %and3A_556 = arith.constant 127 : i32
    %and3A_557 = arith.andi %squeeze3A_537, %and3A_556 : i32
    %broadcast_in_dim3A_558 = vector.broadcast %and3A_557 : i32 to vector<16xi32>
    %broadcast_in_dim3A_559 = arith.constant 252 : i32
    %broadcast_in_dim3A_560 = vector.broadcast %broadcast_in_dim3A_559 : i32 to vector<16xi32>
    %add3A_561 = arith.constant 0 : i32
    %add3A_562 = vector.broadcast %add3A_561 : i32 to vector<16xi32>
    %add3A_563 = arith.addi %iota3A, %add3A_562 : vector<16xi32>
    %gather3A_564 = arith.constant 4 : i32
    %gather3A_565 = arith.constant 0 : i32
    %gather3A_566 = arith.constant 0 : i32
    %gather3A_567 = tpu.memref_slice %arg7[%gather3A_564, %gather3A_565, %gather3A_566] : memref<8x64x128xf32, #tpu.memory_space<vmem>> -> memref<1x64x128xf32, #tpu.memory_space<vmem>>
    %gather3A_568 = tpu.memref_squeeze %gather3A_567 : memref<1x64x128xf32, #tpu.memory_space<vmem>> -> memref<64x128xf32, #tpu.memory_space<vmem>>
    %gather3A_569 = tpu.vector_load_idx %gather3A_568[%add3A_563, %broadcast_in_dim3A_558] : memref<64x128xf32, #tpu.memory_space<vmem>>[vector<16xi32>, vector<16xi32>], vector<16xf32>,
    %gather3A_570 = tpu.vector_load_idx %arg9[%add3A_563, %broadcast_in_dim3A_560] : memref<64x256xf32, #tpu.memory_space<vmem>>[vector<16xi32>, vector<16xi32>], vector<16xf32>,
    %add3A_571 = arith.addf %gather3A_569, %gather3A_570 : vector<16xf32>
    %mul3A_572 = arith.constant 8.000000e+00 : f32
    %mul3A_573 = vector.broadcast %mul3A_572 : f32 to vector<16xf32>
    %mul3A_574 = arith.mulf %add3A_571, %mul3A_573 : vector<16xf32>
    tpu.vector_store_idx %arg8[%add3A_563, %broadcast_in_dim3A_560], %mul3A_574 : memref<64x256xf32, #tpu.memory_space<vmem>>[vector<16xi32>, vector<16xi32>], vector<16xf32>,
    %add3A_575 = arith.constant 16 : i32
    %add3A_576 = vector.broadcast %add3A_575 : i32 to vector<16xi32>
    %add3A_577 = arith.addi %iota3A, %add3A_576 : vector<16xi32>
    %gather3A_578 = arith.constant 4 : i32
    %gather3A_579 = arith.constant 0 : i32
    %gather3A_580 = arith.constant 0 : i32
    %gather3A_581 = tpu.memref_slice %arg7[%gather3A_578, %gather3A_579, %gather3A_580] : memref<8x64x128xf32, #tpu.memory_space<vmem>> -> memref<1x64x128xf32, #tpu.memory_space<vmem>>
    %gather3A_582 = tpu.memref_squeeze %gather3A_581 : memref<1x64x128xf32, #tpu.memory_space<vmem>> -> memref<64x128xf32, #tpu.memory_space<vmem>>
    %gather3A_583 = tpu.vector_load_idx %gather3A_582[%add3A_577, %broadcast_in_dim3A_558] : memref<64x128xf32, #tpu.memory_space<vmem>>[vector<16xi32>, vector<16xi32>], vector<16xf32>,
    %gather3A_584 = tpu.vector_load_idx %arg9[%add3A_577, %broadcast_in_dim3A_560] : memref<64x256xf32, #tpu.memory_space<vmem>>[vector<16xi32>, vector<16xi32>], vector<16xf32>,
    %add3A_585 = arith.addf %gather3A_583, %gather3A_584 : vector<16xf32>
    %mul3A_586 = arith.constant 8.000000e+00 : f32
    %mul3A_587 = vector.broadcast %mul3A_586 : f32 to vector<16xf32>
    %mul3A_588 = arith.mulf %add3A_585, %mul3A_587 : vector<16xf32>
    tpu.vector_store_idx %arg8[%add3A_577, %broadcast_in_dim3A_560], %mul3A_588 : memref<64x256xf32, #tpu.memory_space<vmem>>[vector<16xi32>, vector<16xi32>], vector<16xf32>,
    %add3A_589 = arith.constant 32 : i32
    %add3A_590 = vector.broadcast %add3A_589 : i32 to vector<16xi32>
    %add3A_591 = arith.addi %iota3A, %add3A_590 : vector<16xi32>
    %gather3A_592 = arith.constant 4 : i32
    %gather3A_593 = arith.constant 0 : i32
    %gather3A_594 = arith.constant 0 : i32
    %gather3A_595 = tpu.memref_slice %arg7[%gather3A_592, %gather3A_593, %gather3A_594] : memref<8x64x128xf32, #tpu.memory_space<vmem>> -> memref<1x64x128xf32, #tpu.memory_space<vmem>>
    %gather3A_596 = tpu.memref_squeeze %gather3A_595 : memref<1x64x128xf32, #tpu.memory_space<vmem>> -> memref<64x128xf32, #tpu.memory_space<vmem>>
    %gather3A_597 = tpu.vector_load_idx %gather3A_596[%add3A_591, %broadcast_in_dim3A_558] : memref<64x128xf32, #tpu.memory_space<vmem>>[vector<16xi32>, vector<16xi32>], vector<16xf32>,
    %gather3A_598 = tpu.vector_load_idx %arg9[%add3A_591, %broadcast_in_dim3A_560] : memref<64x256xf32, #tpu.memory_space<vmem>>[vector<16xi32>, vector<16xi32>], vector<16xf32>,
    %add3A_599 = arith.addf %gather3A_597, %gather3A_598 : vector<16xf32>
    %mul3A_600 = arith.constant 8.000000e+00 : f32
    %mul3A_601 = vector.broadcast %mul3A_600 : f32 to vector<16xf32>
    %mul3A_602 = arith.mulf %add3A_599, %mul3A_601 : vector<16xf32>
    tpu.vector_store_idx %arg8[%add3A_591, %broadcast_in_dim3A_560], %mul3A_602 : memref<64x256xf32, #tpu.memory_space<vmem>>[vector<16xi32>, vector<16xi32>], vector<16xf32>,
    %add3A_603 = arith.constant 48 : i32
    %add3A_604 = vector.broadcast %add3A_603 : i32 to vector<16xi32>
    %add3A_605 = arith.addi %iota3A, %add3A_604 : vector<16xi32>
    %gather3A_606 = arith.constant 4 : i32
    %gather3A_607 = arith.constant 0 : i32
    %gather3A_608 = arith.constant 0 : i32
    %gather3A_609 = tpu.memref_slice %arg7[%gather3A_606, %gather3A_607, %gather3A_608] : memref<8x64x128xf32, #tpu.memory_space<vmem>> -> memref<1x64x128xf32, #tpu.memory_space<vmem>>
    %gather3A_610 = tpu.memref_squeeze %gather3A_609 : memref<1x64x128xf32, #tpu.memory_space<vmem>> -> memref<64x128xf32, #tpu.memory_space<vmem>>
    %gather3A_611 = tpu.vector_load_idx %gather3A_610[%add3A_605, %broadcast_in_dim3A_558] : memref<64x128xf32, #tpu.memory_space<vmem>>[vector<16xi32>, vector<16xi32>], vector<16xf32>,
    %gather3A_612 = tpu.vector_load_idx %arg9[%add3A_605, %broadcast_in_dim3A_560] : memref<64x256xf32, #tpu.memory_space<vmem>>[vector<16xi32>, vector<16xi32>], vector<16xf32>,
    %add3A_613 = arith.addf %gather3A_611, %gather3A_612 : vector<16xf32>
    %mul3A_614 = arith.constant 8.000000e+00 : f32
    %mul3A_615 = vector.broadcast %mul3A_614 : f32 to vector<16xf32>
    %mul3A_616 = arith.mulf %add3A_613, %mul3A_615 : vector<16xf32>
    tpu.vector_store_idx %arg8[%add3A_605, %broadcast_in_dim3A_560], %mul3A_616 : memref<64x256xf32, #tpu.memory_space<vmem>>[vector<16xi32>, vector<16xi32>], vector<16xf32>,
    %slice3A_617 = vector.extract_strided_slice %get3A_213 {offsets = [5], sizes = [1], strides = [1]} : vector<16xi32> to vector<1xi32>
    %squeeze3A_618 = vector.extract %slice3A_617[0] : i32 from vector<1xi32>
    %dma_wait3A_619 = arith.constant 5 : i32
    %dma_wait3A_620 = arith.constant 5 : i32
    %dma_wait3A_621 = arith.constant 0 : i32
    %dma_wait3A_622 = arith.constant 0 : i32
    %dma_wait3A_623 = tpu.memref_slice %arg7[%dma_wait3A_619, %dma_wait3A_621, %dma_wait3A_622] : memref<8x64x128xf32, #tpu.memory_space<vmem>> -> memref<1x64x128xf32, #tpu.memory_space<vmem>>
    %dma_wait3A_624 = tpu.memref_squeeze %dma_wait3A_623 : memref<1x64x128xf32, #tpu.memory_space<vmem>> -> memref<64x128xf32, #tpu.memory_space<vmem>>
    %dma_wait3A_625 = arith.constant 0 : i32
    %dma_wait3A_626 = arith.constant 0 : i32
    %dma_wait3A_627 = tpu.memref_slice %arg3[%dma_wait3A_625, %dma_wait3A_626] : memref<64x1000000xf32, #tpu.memory_space<hbm>> -> memref<64x128xf32, #tpu.memory_space<hbm>>
    %dma_wait3A_628 = tpu.memref_slice %arg10[%dma_wait3A_620] : memref<8x!tpu.dma_semaphore, #tpu.memory_space<semaphore_mem>> -> memref<1x!tpu.dma_semaphore, #tpu.memory_space<semaphore_mem>>
    %dma_wait3A_629 = tpu.memref_squeeze %dma_wait3A_628 : memref<1x!tpu.dma_semaphore, #tpu.memory_space<semaphore_mem>> -> memref<!tpu.dma_semaphore, #tpu.memory_space<semaphore_mem>>
    %dma_wait3A_630 = arith.constant 0 : i32
    %dma_wait3A_631 = arith.constant 0 : i32
    %dma_wait3A_632 = tpu.memref_slice %arg7[%dma_wait3A_619, %dma_wait3A_630, %dma_wait3A_631] : memref<8x64x128xf32, #tpu.memory_space<vmem>> -> memref<1x64x128xf32, #tpu.memory_space<vmem>>
    %dma_wait3A_633 = tpu.memref_squeeze %dma_wait3A_632 : memref<1x64x128xf32, #tpu.memory_space<vmem>> -> memref<64x128xf32, #tpu.memory_space<vmem>>
    %dma_wait3A_634 = arith.constant 0 : i32
    %dma_wait3A_635 = arith.constant 0 : i32
    %dma_wait3A_636 = tpu.memref_slice %arg3[%dma_wait3A_634, %dma_wait3A_635] : memref<64x1000000xf32, #tpu.memory_space<hbm>> -> memref<64x128xf32, #tpu.memory_space<hbm>>
    tpu.wait_dma2 semaphore(%dma_wait3A_629 : memref<!tpu.dma_semaphore, #tpu.memory_space<semaphore_mem>>) src(%dma_wait3A_636 : memref<64x128xf32, #tpu.memory_space<hbm>>) dst(%dma_wait3A_633 : memref<64x128xf32, #tpu.memory_space<vmem>>)
    %and3A_637 = arith.constant 127 : i32
    %and3A_638 = arith.andi %squeeze3A_618, %and3A_637 : i32
    %broadcast_in_dim3A_639 = vector.broadcast %and3A_638 : i32 to vector<16xi32>
    %broadcast_in_dim3A_640 = arith.constant 253 : i32
    %broadcast_in_dim3A_641 = vector.broadcast %broadcast_in_dim3A_640 : i32 to vector<16xi32>
    %add3A_642 = arith.constant 0 : i32
    %add3A_643 = vector.broadcast %add3A_642 : i32 to vector<16xi32>
    %add3A_644 = arith.addi %iota3A, %add3A_643 : vector<16xi32>
    %gather3A_645 = arith.constant 5 : i32
    %gather3A_646 = arith.constant 0 : i32
    %gather3A_647 = arith.constant 0 : i32
    %gather3A_648 = tpu.memref_slice %arg7[%gather3A_645, %gather3A_646, %gather3A_647] : memref<8x64x128xf32, #tpu.memory_space<vmem>> -> memref<1x64x128xf32, #tpu.memory_space<vmem>>
    %gather3A_649 = tpu.memref_squeeze %gather3A_648 : memref<1x64x128xf32, #tpu.memory_space<vmem>> -> memref<64x128xf32, #tpu.memory_space<vmem>>
    %gather3A_650 = tpu.vector_load_idx %gather3A_649[%add3A_644, %broadcast_in_dim3A_639] : memref<64x128xf32, #tpu.memory_space<vmem>>[vector<16xi32>, vector<16xi32>], vector<16xf32>,
    %gather3A_651 = tpu.vector_load_idx %arg9[%add3A_644, %broadcast_in_dim3A_641] : memref<64x256xf32, #tpu.memory_space<vmem>>[vector<16xi32>, vector<16xi32>], vector<16xf32>,
    %add3A_652 = arith.addf %gather3A_650, %gather3A_651 : vector<16xf32>
    %mul3A_653 = arith.constant 8.000000e+00 : f32
    %mul3A_654 = vector.broadcast %mul3A_653 : f32 to vector<16xf32>
    %mul3A_655 = arith.mulf %add3A_652, %mul3A_654 : vector<16xf32>
    tpu.vector_store_idx %arg8[%add3A_644, %broadcast_in_dim3A_641], %mul3A_655 : memref<64x256xf32, #tpu.memory_space<vmem>>[vector<16xi32>, vector<16xi32>], vector<16xf32>,
    %add3A_656 = arith.constant 16 : i32
    %add3A_657 = vector.broadcast %add3A_656 : i32 to vector<16xi32>
    %add3A_658 = arith.addi %iota3A, %add3A_657 : vector<16xi32>
    %gather3A_659 = arith.constant 5 : i32
    %gather3A_660 = arith.constant 0 : i32
    %gather3A_661 = arith.constant 0 : i32
    %gather3A_662 = tpu.memref_slice %arg7[%gather3A_659, %gather3A_660, %gather3A_661] : memref<8x64x128xf32, #tpu.memory_space<vmem>> -> memref<1x64x128xf32, #tpu.memory_space<vmem>>
    %gather3A_663 = tpu.memref_squeeze %gather3A_662 : memref<1x64x128xf32, #tpu.memory_space<vmem>> -> memref<64x128xf32, #tpu.memory_space<vmem>>
    %gather3A_664 = tpu.vector_load_idx %gather3A_663[%add3A_658, %broadcast_in_dim3A_639] : memref<64x128xf32, #tpu.memory_space<vmem>>[vector<16xi32>, vector<16xi32>], vector<16xf32>,
    %gather3A_665 = tpu.vector_load_idx %arg9[%add3A_658, %broadcast_in_dim3A_641] : memref<64x256xf32, #tpu.memory_space<vmem>>[vector<16xi32>, vector<16xi32>], vector<16xf32>,
    %add3A_666 = arith.addf %gather3A_664, %gather3A_665 : vector<16xf32>
    %mul3A_667 = arith.constant 8.000000e+00 : f32
    %mul3A_668 = vector.broadcast %mul3A_667 : f32 to vector<16xf32>
    %mul3A_669 = arith.mulf %add3A_666, %mul3A_668 : vector<16xf32>
    tpu.vector_store_idx %arg8[%add3A_658, %broadcast_in_dim3A_641], %mul3A_669 : memref<64x256xf32, #tpu.memory_space<vmem>>[vector<16xi32>, vector<16xi32>], vector<16xf32>,
    %add3A_670 = arith.constant 32 : i32
    %add3A_671 = vector.broadcast %add3A_670 : i32 to vector<16xi32>
    %add3A_672 = arith.addi %iota3A, %add3A_671 : vector<16xi32>
    %gather3A_673 = arith.constant 5 : i32
    %gather3A_674 = arith.constant 0 : i32
    %gather3A_675 = arith.constant 0 : i32
    %gather3A_676 = tpu.memref_slice %arg7[%gather3A_673, %gather3A_674, %gather3A_675] : memref<8x64x128xf32, #tpu.memory_space<vmem>> -> memref<1x64x128xf32, #tpu.memory_space<vmem>>
    %gather3A_677 = tpu.memref_squeeze %gather3A_676 : memref<1x64x128xf32, #tpu.memory_space<vmem>> -> memref<64x128xf32, #tpu.memory_space<vmem>>
    %gather3A_678 = tpu.vector_load_idx %gather3A_677[%add3A_672, %broadcast_in_dim3A_639] : memref<64x128xf32, #tpu.memory_space<vmem>>[vector<16xi32>, vector<16xi32>], vector<16xf32>,
    %gather3A_679 = tpu.vector_load_idx %arg9[%add3A_672, %broadcast_in_dim3A_641] : memref<64x256xf32, #tpu.memory_space<vmem>>[vector<16xi32>, vector<16xi32>], vector<16xf32>,
    %add3A_680 = arith.addf %gather3A_678, %gather3A_679 : vector<16xf32>
    %mul3A_681 = arith.constant 8.000000e+00 : f32
    %mul3A_682 = vector.broadcast %mul3A_681 : f32 to vector<16xf32>
    %mul3A_683 = arith.mulf %add3A_680, %mul3A_682 : vector<16xf32>
    tpu.vector_store_idx %arg8[%add3A_672, %broadcast_in_dim3A_641], %mul3A_683 : memref<64x256xf32, #tpu.memory_space<vmem>>[vector<16xi32>, vector<16xi32>], vector<16xf32>,
    %add3A_684 = arith.constant 48 : i32
    %add3A_685 = vector.broadcast %add3A_684 : i32 to vector<16xi32>
    %add3A_686 = arith.addi %iota3A, %add3A_685 : vector<16xi32>
    %gather3A_687 = arith.constant 5 : i32
    %gather3A_688 = arith.constant 0 : i32
    %gather3A_689 = arith.constant 0 : i32
    %gather3A_690 = tpu.memref_slice %arg7[%gather3A_687, %gather3A_688, %gather3A_689] : memref<8x64x128xf32, #tpu.memory_space<vmem>> -> memref<1x64x128xf32, #tpu.memory_space<vmem>>
    %gather3A_691 = tpu.memref_squeeze %gather3A_690 : memref<1x64x128xf32, #tpu.memory_space<vmem>> -> memref<64x128xf32, #tpu.memory_space<vmem>>
    %gather3A_692 = tpu.vector_load_idx %gather3A_691[%add3A_686, %broadcast_in_dim3A_639] : memref<64x128xf32, #tpu.memory_space<vmem>>[vector<16xi32>, vector<16xi32>], vector<16xf32>,
    %gather3A_693 = tpu.vector_load_idx %arg9[%add3A_686, %broadcast_in_dim3A_641] : memref<64x256xf32, #tpu.memory_space<vmem>>[vector<16xi32>, vector<16xi32>], vector<16xf32>,
    %add3A_694 = arith.addf %gather3A_692, %gather3A_693 : vector<16xf32>
    %mul3A_695 = arith.constant 8.000000e+00 : f32
    %mul3A_696 = vector.broadcast %mul3A_695 : f32 to vector<16xf32>
    %mul3A_697 = arith.mulf %add3A_694, %mul3A_696 : vector<16xf32>
    tpu.vector_store_idx %arg8[%add3A_686, %broadcast_in_dim3A_641], %mul3A_697 : memref<64x256xf32, #tpu.memory_space<vmem>>[vector<16xi32>, vector<16xi32>], vector<16xf32>,
    %slice3A_698 = vector.extract_strided_slice %get3A_213 {offsets = [6], sizes = [1], strides = [1]} : vector<16xi32> to vector<1xi32>
    %squeeze3A_699 = vector.extract %slice3A_698[0] : i32 from vector<1xi32>
    %dma_wait3A_700 = arith.constant 6 : i32
    %dma_wait3A_701 = arith.constant 6 : i32
    %dma_wait3A_702 = arith.constant 0 : i32
    %dma_wait3A_703 = arith.constant 0 : i32
    %dma_wait3A_704 = tpu.memref_slice %arg7[%dma_wait3A_700, %dma_wait3A_702, %dma_wait3A_703] : memref<8x64x128xf32, #tpu.memory_space<vmem>> -> memref<1x64x128xf32, #tpu.memory_space<vmem>>
    %dma_wait3A_705 = tpu.memref_squeeze %dma_wait3A_704 : memref<1x64x128xf32, #tpu.memory_space<vmem>> -> memref<64x128xf32, #tpu.memory_space<vmem>>
    %dma_wait3A_706 = arith.constant 0 : i32
    %dma_wait3A_707 = arith.constant 0 : i32
    %dma_wait3A_708 = tpu.memref_slice %arg3[%dma_wait3A_706, %dma_wait3A_707] : memref<64x1000000xf32, #tpu.memory_space<hbm>> -> memref<64x128xf32, #tpu.memory_space<hbm>>
    %dma_wait3A_709 = tpu.memref_slice %arg10[%dma_wait3A_701] : memref<8x!tpu.dma_semaphore, #tpu.memory_space<semaphore_mem>> -> memref<1x!tpu.dma_semaphore, #tpu.memory_space<semaphore_mem>>
    %dma_wait3A_710 = tpu.memref_squeeze %dma_wait3A_709 : memref<1x!tpu.dma_semaphore, #tpu.memory_space<semaphore_mem>> -> memref<!tpu.dma_semaphore, #tpu.memory_space<semaphore_mem>>
    %dma_wait3A_711 = arith.constant 0 : i32
    %dma_wait3A_712 = arith.constant 0 : i32
    %dma_wait3A_713 = tpu.memref_slice %arg7[%dma_wait3A_700, %dma_wait3A_711, %dma_wait3A_712] : memref<8x64x128xf32, #tpu.memory_space<vmem>> -> memref<1x64x128xf32, #tpu.memory_space<vmem>>
    %dma_wait3A_714 = tpu.memref_squeeze %dma_wait3A_713 : memref<1x64x128xf32, #tpu.memory_space<vmem>> -> memref<64x128xf32, #tpu.memory_space<vmem>>
    %dma_wait3A_715 = arith.constant 0 : i32
    %dma_wait3A_716 = arith.constant 0 : i32
    %dma_wait3A_717 = tpu.memref_slice %arg3[%dma_wait3A_715, %dma_wait3A_716] : memref<64x1000000xf32, #tpu.memory_space<hbm>> -> memref<64x128xf32, #tpu.memory_space<hbm>>
    tpu.wait_dma2 semaphore(%dma_wait3A_710 : memref<!tpu.dma_semaphore, #tpu.memory_space<semaphore_mem>>) src(%dma_wait3A_717 : memref<64x128xf32, #tpu.memory_space<hbm>>) dst(%dma_wait3A_714 : memref<64x128xf32, #tpu.memory_space<vmem>>)
    %and3A_718 = arith.constant 127 : i32
    %and3A_719 = arith.andi %squeeze3A_699, %and3A_718 : i32
    %broadcast_in_dim3A_720 = vector.broadcast %and3A_719 : i32 to vector<16xi32>
    %broadcast_in_dim3A_721 = arith.constant 254 : i32
    %broadcast_in_dim3A_722 = vector.broadcast %broadcast_in_dim3A_721 : i32 to vector<16xi32>
    %add3A_723 = arith.constant 0 : i32
    %add3A_724 = vector.broadcast %add3A_723 : i32 to vector<16xi32>
    %add3A_725 = arith.addi %iota3A, %add3A_724 : vector<16xi32>
    %gather3A_726 = arith.constant 6 : i32
    %gather3A_727 = arith.constant 0 : i32
    %gather3A_728 = arith.constant 0 : i32
    %gather3A_729 = tpu.memref_slice %arg7[%gather3A_726, %gather3A_727, %gather3A_728] : memref<8x64x128xf32, #tpu.memory_space<vmem>> -> memref<1x64x128xf32, #tpu.memory_space<vmem>>
    %gather3A_730 = tpu.memref_squeeze %gather3A_729 : memref<1x64x128xf32, #tpu.memory_space<vmem>> -> memref<64x128xf32, #tpu.memory_space<vmem>>
    %gather3A_731 = tpu.vector_load_idx %gather3A_730[%add3A_725, %broadcast_in_dim3A_720] : memref<64x128xf32, #tpu.memory_space<vmem>>[vector<16xi32>, vector<16xi32>], vector<16xf32>,
    %gather3A_732 = tpu.vector_load_idx %arg9[%add3A_725, %broadcast_in_dim3A_722] : memref<64x256xf32, #tpu.memory_space<vmem>>[vector<16xi32>, vector<16xi32>], vector<16xf32>,
    %add3A_733 = arith.addf %gather3A_731, %gather3A_732 : vector<16xf32>
    %mul3A_734 = arith.constant 8.000000e+00 : f32
    %mul3A_735 = vector.broadcast %mul3A_734 : f32 to vector<16xf32>
    %mul3A_736 = arith.mulf %add3A_733, %mul3A_735 : vector<16xf32>
    tpu.vector_store_idx %arg8[%add3A_725, %broadcast_in_dim3A_722], %mul3A_736 : memref<64x256xf32, #tpu.memory_space<vmem>>[vector<16xi32>, vector<16xi32>], vector<16xf32>,
    %add3A_737 = arith.constant 16 : i32
    %add3A_738 = vector.broadcast %add3A_737 : i32 to vector<16xi32>
    %add3A_739 = arith.addi %iota3A, %add3A_738 : vector<16xi32>
    %gather3A_740 = arith.constant 6 : i32
    %gather3A_741 = arith.constant 0 : i32
    %gather3A_742 = arith.constant 0 : i32
    %gather3A_743 = tpu.memref_slice %arg7[%gather3A_740, %gather3A_741, %gather3A_742] : memref<8x64x128xf32, #tpu.memory_space<vmem>> -> memref<1x64x128xf32, #tpu.memory_space<vmem>>
    %gather3A_744 = tpu.memref_squeeze %gather3A_743 : memref<1x64x128xf32, #tpu.memory_space<vmem>> -> memref<64x128xf32, #tpu.memory_space<vmem>>
    %gather3A_745 = tpu.vector_load_idx %gather3A_744[%add3A_739, %broadcast_in_dim3A_720] : memref<64x128xf32, #tpu.memory_space<vmem>>[vector<16xi32>, vector<16xi32>], vector<16xf32>,
    %gather3A_746 = tpu.vector_load_idx %arg9[%add3A_739, %broadcast_in_dim3A_722] : memref<64x256xf32, #tpu.memory_space<vmem>>[vector<16xi32>, vector<16xi32>], vector<16xf32>,
    %add3A_747 = arith.addf %gather3A_745, %gather3A_746 : vector<16xf32>
    %mul3A_748 = arith.constant 8.000000e+00 : f32
    %mul3A_749 = vector.broadcast %mul3A_748 : f32 to vector<16xf32>
    %mul3A_750 = arith.mulf %add3A_747, %mul3A_749 : vector<16xf32>
    tpu.vector_store_idx %arg8[%add3A_739, %broadcast_in_dim3A_722], %mul3A_750 : memref<64x256xf32, #tpu.memory_space<vmem>>[vector<16xi32>, vector<16xi32>], vector<16xf32>,
    %add3A_751 = arith.constant 32 : i32
    %add3A_752 = vector.broadcast %add3A_751 : i32 to vector<16xi32>
    %add3A_753 = arith.addi %iota3A, %add3A_752 : vector<16xi32>
    %gather3A_754 = arith.constant 6 : i32
    %gather3A_755 = arith.constant 0 : i32
    %gather3A_756 = arith.constant 0 : i32
    %gather3A_757 = tpu.memref_slice %arg7[%gather3A_754, %gather3A_755, %gather3A_756] : memref<8x64x128xf32, #tpu.memory_space<vmem>> -> memref<1x64x128xf32, #tpu.memory_space<vmem>>
    %gather3A_758 = tpu.memref_squeeze %gather3A_757 : memref<1x64x128xf32, #tpu.memory_space<vmem>> -> memref<64x128xf32, #tpu.memory_space<vmem>>
    %gather3A_759 = tpu.vector_load_idx %gather3A_758[%add3A_753, %broadcast_in_dim3A_720] : memref<64x128xf32, #tpu.memory_space<vmem>>[vector<16xi32>, vector<16xi32>], vector<16xf32>,
    %gather3A_760 = tpu.vector_load_idx %arg9[%add3A_753, %broadcast_in_dim3A_722] : memref<64x256xf32, #tpu.memory_space<vmem>>[vector<16xi32>, vector<16xi32>], vector<16xf32>,
    %add3A_761 = arith.addf %gather3A_759, %gather3A_760 : vector<16xf32>
    %mul3A_762 = arith.constant 8.000000e+00 : f32
    %mul3A_763 = vector.broadcast %mul3A_762 : f32 to vector<16xf32>
    %mul3A_764 = arith.mulf %add3A_761, %mul3A_763 : vector<16xf32>
    tpu.vector_store_idx %arg8[%add3A_753, %broadcast_in_dim3A_722], %mul3A_764 : memref<64x256xf32, #tpu.memory_space<vmem>>[vector<16xi32>, vector<16xi32>], vector<16xf32>,
    %add3A_765 = arith.constant 48 : i32
    %add3A_766 = vector.broadcast %add3A_765 : i32 to vector<16xi32>
    %add3A_767 = arith.addi %iota3A, %add3A_766 : vector<16xi32>
    %gather3A_768 = arith.constant 6 : i32
    %gather3A_769 = arith.constant 0 : i32
    %gather3A_770 = arith.constant 0 : i32
    %gather3A_771 = tpu.memref_slice %arg7[%gather3A_768, %gather3A_769, %gather3A_770] : memref<8x64x128xf32, #tpu.memory_space<vmem>> -> memref<1x64x128xf32, #tpu.memory_space<vmem>>
    %gather3A_772 = tpu.memref_squeeze %gather3A_771 : memref<1x64x128xf32, #tpu.memory_space<vmem>> -> memref<64x128xf32, #tpu.memory_space<vmem>>
    %gather3A_773 = tpu.vector_load_idx %gather3A_772[%add3A_767, %broadcast_in_dim3A_720] : memref<64x128xf32, #tpu.memory_space<vmem>>[vector<16xi32>, vector<16xi32>], vector<16xf32>,
    %gather3A_774 = tpu.vector_load_idx %arg9[%add3A_767, %broadcast_in_dim3A_722] : memref<64x256xf32, #tpu.memory_space<vmem>>[vector<16xi32>, vector<16xi32>], vector<16xf32>,
    %add3A_775 = arith.addf %gather3A_773, %gather3A_774 : vector<16xf32>
    %mul3A_776 = arith.constant 8.000000e+00 : f32
    %mul3A_777 = vector.broadcast %mul3A_776 : f32 to vector<16xf32>
    %mul3A_778 = arith.mulf %add3A_775, %mul3A_777 : vector<16xf32>
    tpu.vector_store_idx %arg8[%add3A_767, %broadcast_in_dim3A_722], %mul3A_778 : memref<64x256xf32, #tpu.memory_space<vmem>>[vector<16xi32>, vector<16xi32>], vector<16xf32>,
    %slice3A_779 = vector.extract_strided_slice %get3A_213 {offsets = [7], sizes = [1], strides = [1]} : vector<16xi32> to vector<1xi32>
    %squeeze3A_780 = vector.extract %slice3A_779[0] : i32 from vector<1xi32>
    %dma_wait3A_781 = arith.constant 7 : i32
    %dma_wait3A_782 = arith.constant 7 : i32
    %dma_wait3A_783 = arith.constant 0 : i32
    %dma_wait3A_784 = arith.constant 0 : i32
    %dma_wait3A_785 = tpu.memref_slice %arg7[%dma_wait3A_781, %dma_wait3A_783, %dma_wait3A_784] : memref<8x64x128xf32, #tpu.memory_space<vmem>> -> memref<1x64x128xf32, #tpu.memory_space<vmem>>
    %dma_wait3A_786 = tpu.memref_squeeze %dma_wait3A_785 : memref<1x64x128xf32, #tpu.memory_space<vmem>> -> memref<64x128xf32, #tpu.memory_space<vmem>>
    %dma_wait3A_787 = arith.constant 0 : i32
    %dma_wait3A_788 = arith.constant 0 : i32
    %dma_wait3A_789 = tpu.memref_slice %arg3[%dma_wait3A_787, %dma_wait3A_788] : memref<64x1000000xf32, #tpu.memory_space<hbm>> -> memref<64x128xf32, #tpu.memory_space<hbm>>
    %dma_wait3A_790 = tpu.memref_slice %arg10[%dma_wait3A_782] : memref<8x!tpu.dma_semaphore, #tpu.memory_space<semaphore_mem>> -> memref<1x!tpu.dma_semaphore, #tpu.memory_space<semaphore_mem>>
    %dma_wait3A_791 = tpu.memref_squeeze %dma_wait3A_790 : memref<1x!tpu.dma_semaphore, #tpu.memory_space<semaphore_mem>> -> memref<!tpu.dma_semaphore, #tpu.memory_space<semaphore_mem>>
    %dma_wait3A_792 = arith.constant 0 : i32
    %dma_wait3A_793 = arith.constant 0 : i32
    %dma_wait3A_794 = tpu.memref_slice %arg7[%dma_wait3A_781, %dma_wait3A_792, %dma_wait3A_793] : memref<8x64x128xf32, #tpu.memory_space<vmem>> -> memref<1x64x128xf32, #tpu.memory_space<vmem>>
    %dma_wait3A_795 = tpu.memref_squeeze %dma_wait3A_794 : memref<1x64x128xf32, #tpu.memory_space<vmem>> -> memref<64x128xf32, #tpu.memory_space<vmem>>
    %dma_wait3A_796 = arith.constant 0 : i32
    %dma_wait3A_797 = arith.constant 0 : i32
    %dma_wait3A_798 = tpu.memref_slice %arg3[%dma_wait3A_796, %dma_wait3A_797] : memref<64x1000000xf32, #tpu.memory_space<hbm>> -> memref<64x128xf32, #tpu.memory_space<hbm>>
    tpu.wait_dma2 semaphore(%dma_wait3A_791 : memref<!tpu.dma_semaphore, #tpu.memory_space<semaphore_mem>>) src(%dma_wait3A_798 : memref<64x128xf32, #tpu.memory_space<hbm>>) dst(%dma_wait3A_795 : memref<64x128xf32, #tpu.memory_space<vmem>>)
    %and3A_799 = arith.constant 127 : i32
    %and3A_800 = arith.andi %squeeze3A_780, %and3A_799 : i32
    %broadcast_in_dim3A_801 = vector.broadcast %and3A_800 : i32 to vector<16xi32>
    %broadcast_in_dim3A_802 = arith.constant 255 : i32
    %broadcast_in_dim3A_803 = vector.broadcast %broadcast_in_dim3A_802 : i32 to vector<16xi32>
    %add3A_804 = arith.constant 0 : i32
    %add3A_805 = vector.broadcast %add3A_804 : i32 to vector<16xi32>
    %add3A_806 = arith.addi %iota3A, %add3A_805 : vector<16xi32>
    %gather3A_807 = arith.constant 7 : i32
    %gather3A_808 = arith.constant 0 : i32
    %gather3A_809 = arith.constant 0 : i32
    %gather3A_810 = tpu.memref_slice %arg7[%gather3A_807, %gather3A_808, %gather3A_809] : memref<8x64x128xf32, #tpu.memory_space<vmem>> -> memref<1x64x128xf32, #tpu.memory_space<vmem>>
    %gather3A_811 = tpu.memref_squeeze %gather3A_810 : memref<1x64x128xf32, #tpu.memory_space<vmem>> -> memref<64x128xf32, #tpu.memory_space<vmem>>
    %gather3A_812 = tpu.vector_load_idx %gather3A_811[%add3A_806, %broadcast_in_dim3A_801] : memref<64x128xf32, #tpu.memory_space<vmem>>[vector<16xi32>, vector<16xi32>], vector<16xf32>,
    %gather3A_813 = tpu.vector_load_idx %arg9[%add3A_806, %broadcast_in_dim3A_803] : memref<64x256xf32, #tpu.memory_space<vmem>>[vector<16xi32>, vector<16xi32>], vector<16xf32>,
    %add3A_814 = arith.addf %gather3A_812, %gather3A_813 : vector<16xf32>
    %mul3A_815 = arith.constant 8.000000e+00 : f32
    %mul3A_816 = vector.broadcast %mul3A_815 : f32 to vector<16xf32>
    %mul3A_817 = arith.mulf %add3A_814, %mul3A_816 : vector<16xf32>
    tpu.vector_store_idx %arg8[%add3A_806, %broadcast_in_dim3A_803], %mul3A_817 : memref<64x256xf32, #tpu.memory_space<vmem>>[vector<16xi32>, vector<16xi32>], vector<16xf32>,
    %add3A_818 = arith.constant 16 : i32
    %add3A_819 = vector.broadcast %add3A_818 : i32 to vector<16xi32>
    %add3A_820 = arith.addi %iota3A, %add3A_819 : vector<16xi32>
    %gather3A_821 = arith.constant 7 : i32
    %gather3A_822 = arith.constant 0 : i32
    %gather3A_823 = arith.constant 0 : i32
    %gather3A_824 = tpu.memref_slice %arg7[%gather3A_821, %gather3A_822, %gather3A_823] : memref<8x64x128xf32, #tpu.memory_space<vmem>> -> memref<1x64x128xf32, #tpu.memory_space<vmem>>
    %gather3A_825 = tpu.memref_squeeze %gather3A_824 : memref<1x64x128xf32, #tpu.memory_space<vmem>> -> memref<64x128xf32, #tpu.memory_space<vmem>>
    %gather3A_826 = tpu.vector_load_idx %gather3A_825[%add3A_820, %broadcast_in_dim3A_801] : memref<64x128xf32, #tpu.memory_space<vmem>>[vector<16xi32>, vector<16xi32>], vector<16xf32>,
    %gather3A_827 = tpu.vector_load_idx %arg9[%add3A_820, %broadcast_in_dim3A_803] : memref<64x256xf32, #tpu.memory_space<vmem>>[vector<16xi32>, vector<16xi32>], vector<16xf32>,
    %add3A_828 = arith.addf %gather3A_826, %gather3A_827 : vector<16xf32>
    %mul3A_829 = arith.constant 8.000000e+00 : f32
    %mul3A_830 = vector.broadcast %mul3A_829 : f32 to vector<16xf32>
    %mul3A_831 = arith.mulf %add3A_828, %mul3A_830 : vector<16xf32>
    tpu.vector_store_idx %arg8[%add3A_820, %broadcast_in_dim3A_803], %mul3A_831 : memref<64x256xf32, #tpu.memory_space<vmem>>[vector<16xi32>, vector<16xi32>], vector<16xf32>,
    %add3A_832 = arith.constant 32 : i32
    %add3A_833 = vector.broadcast %add3A_832 : i32 to vector<16xi32>
    %add3A_834 = arith.addi %iota3A, %add3A_833 : vector<16xi32>
    %gather3A_835 = arith.constant 7 : i32
    %gather3A_836 = arith.constant 0 : i32
    %gather3A_837 = arith.constant 0 : i32
    %gather3A_838 = tpu.memref_slice %arg7[%gather3A_835, %gather3A_836, %gather3A_837] : memref<8x64x128xf32, #tpu.memory_space<vmem>> -> memref<1x64x128xf32, #tpu.memory_space<vmem>>
    %gather3A_839 = tpu.memref_squeeze %gather3A_838 : memref<1x64x128xf32, #tpu.memory_space<vmem>> -> memref<64x128xf32, #tpu.memory_space<vmem>>
    %gather3A_840 = tpu.vector_load_idx %gather3A_839[%add3A_834, %broadcast_in_dim3A_801] : memref<64x128xf32, #tpu.memory_space<vmem>>[vector<16xi32>, vector<16xi32>], vector<16xf32>,
    %gather3A_841 = tpu.vector_load_idx %arg9[%add3A_834, %broadcast_in_dim3A_803] : memref<64x256xf32, #tpu.memory_space<vmem>>[vector<16xi32>, vector<16xi32>], vector<16xf32>,
    %add3A_842 = arith.addf %gather3A_840, %gather3A_841 : vector<16xf32>
    %mul3A_843 = arith.constant 8.000000e+00 : f32
    %mul3A_844 = vector.broadcast %mul3A_843 : f32 to vector<16xf32>
    %mul3A_845 = arith.mulf %add3A_842, %mul3A_844 : vector<16xf32>
    tpu.vector_store_idx %arg8[%add3A_834, %broadcast_in_dim3A_803], %mul3A_845 : memref<64x256xf32, #tpu.memory_space<vmem>>[vector<16xi32>, vector<16xi32>], vector<16xf32>,
    %add3A_846 = arith.constant 48 : i32
    %add3A_847 = vector.broadcast %add3A_846 : i32 to vector<16xi32>
    %add3A_848 = arith.addi %iota3A, %add3A_847 : vector<16xi32>
    %gather3A_849 = arith.constant 7 : i32
    %gather3A_850 = arith.constant 0 : i32
    %gather3A_851 = arith.constant 0 : i32
    %gather3A_852 = tpu.memref_slice %arg7[%gather3A_849, %gather3A_850, %gather3A_851] : memref<8x64x128xf32, #tpu.memory_space<vmem>> -> memref<1x64x128xf32, #tpu.memory_space<vmem>>
    %gather3A_853 = tpu.memref_squeeze %gather3A_852 : memref<1x64x128xf32, #tpu.memory_space<vmem>> -> memref<64x128xf32, #tpu.memory_space<vmem>>
    %gather3A_854 = tpu.vector_load_idx %gather3A_853[%add3A_848, %broadcast_in_dim3A_801] : memref<64x128xf32, #tpu.memory_space<vmem>>[vector<16xi32>, vector<16xi32>], vector<16xf32>,
    %gather3A_855 = tpu.vector_load_idx %arg9[%add3A_848, %broadcast_in_dim3A_803] : memref<64x256xf32, #tpu.memory_space<vmem>>[vector<16xi32>, vector<16xi32>], vector<16xf32>,
    %add3A_856 = arith.addf %gather3A_854, %gather3A_855 : vector<16xf32>
    %mul3A_857 = arith.constant 8.000000e+00 : f32
    %mul3A_858 = vector.broadcast %mul3A_857 : f32 to vector<16xf32>
    %mul3A_859 = arith.mulf %add3A_856, %mul3A_858 : vector<16xf32>
    tpu.vector_store_idx %arg8[%add3A_848, %broadcast_in_dim3A_803], %mul3A_859 : memref<64x256xf32, #tpu.memory_space<vmem>>[vector<16xi32>, vector<16xi32>], vector<16xf32>,
    "tpu.region"() ({
      %run_scoped3A = tpu.sem_alloc : memref<!tpu.dma_semaphore, #tpu.memory_space<semaphore_mem>>
      %dma_start3A_860 = arith.constant 0 : i32
      %dma_start3A_861 = tpu.memref_slice %arg5[%select_n3A, %dma_start3A_860, %mul3A_20] : memref<4x64x2048xf32, #tpu.memory_space<hbm>> -> memref<1x64x256xf32, #tpu.memory_space<hbm>>
      %dma_start3A_862 = tpu.memref_squeeze %dma_start3A_861 : memref<1x64x256xf32, #tpu.memory_space<hbm>> -> memref<64x256xf32, #tpu.memory_space<hbm>>
      %dma_start3A_863 = arith.constant 0 : i32
      %dma_start3A_864 = tpu.memref_slice %arg5[%select_n3A, %dma_start3A_863, %mul3A_20] : memref<4x64x2048xf32, #tpu.memory_space<hbm>> -> memref<1x64x256xf32, #tpu.memory_space<hbm>>
      %dma_start3A_865 = tpu.memref_squeeze %dma_start3A_864 : memref<1x64x256xf32, #tpu.memory_space<hbm>> -> memref<64x256xf32, #tpu.memory_space<hbm>>
      tpu.enqueue_dma source(%arg8 : memref<64x256xf32, #tpu.memory_space<vmem>>) target(%dma_start3A_865 : memref<64x256xf32, #tpu.memory_space<hbm>>) target_semaphore(%run_scoped3A : memref<!tpu.dma_semaphore, #tpu.memory_space<semaphore_mem>>)
      %dma_wait3A_866 = arith.constant 0 : i32
      %dma_wait3A_867 = tpu.memref_slice %arg5[%select_n3A, %dma_wait3A_866, %mul3A_20] : memref<4x64x2048xf32, #tpu.memory_space<hbm>> -> memref<1x64x256xf32, #tpu.memory_space<hbm>>
      %dma_wait3A_868 = tpu.memref_squeeze %dma_wait3A_867 : memref<1x64x256xf32, #tpu.memory_space<hbm>> -> memref<64x256xf32, #tpu.memory_space<hbm>>
      %dma_wait3A_869 = arith.constant 0 : i32
      %dma_wait3A_870 = tpu.memref_slice %arg5[%select_n3A, %dma_wait3A_869, %mul3A_20] : memref<4x64x2048xf32, #tpu.memory_space<hbm>> -> memref<1x64x256xf32, #tpu.memory_space<hbm>>
      %dma_wait3A_871 = tpu.memref_squeeze %dma_wait3A_870 : memref<1x64x256xf32, #tpu.memory_space<hbm>> -> memref<64x256xf32, #tpu.memory_space<hbm>>
      tpu.wait_dma2 semaphore(%run_scoped3A : memref<!tpu.dma_semaphore, #tpu.memory_space<semaphore_mem>>) src(%arg8 : memref<64x256xf32, #tpu.memory_space<vmem>>) dst(%dma_wait3A_871 : memref<64x256xf32, #tpu.memory_space<hbm>>)
      tpu.yield
    }) : () -> ()
    return
  }
}

</mosaic_0001>

<sc_bundles>
// kernel: input_embedding_sc.3.cloned.1.call-start
scs
__scs_entry_jumppad:
0x0: {  	(pc) =	sbr.rel $0x88, $3  }
0x1: {  	(tag) =	ssettag $0x0;
	lr =	simm.s32 $0x1  }
0x2: {  	[smem:$0x3F9E] =	sst lr;
	_ =	strace $0xD0000000  }
0x3: {  	_ = 	snop  }
0x4: {  	_ = 	snop  }
0x5: {  	_ = 	snop  }
0x6: {  	_ = 	snop  }
0x7: {  	_ = 	snop  }
__scs_overlays_trampoline_lowered:
0x8: {  	[smem:$0x3FAD] =	sst s0  }
0x9: {  	[smem:$0x3FAE] =	sst s1  }
0xa: {  	[smem:$0x3FAF] =	sst s2  }
0xb: {  	[smem:$0x3FB0] =	sst s3  }
0xc: {  	[smem:$0x3FB1] =	sst s4  }
0xd: {  	[smem:$0x3FB2] =	sst s5  }
0xe: {  	[smem:$0x3FB3] =	sst s6  }
0xf: {  	[smem:$0x3FB4] =	sst s7  }
0x10: {  	[smem:$0x3FB5] =	sst s8  }
0x11: {  	[smem:$0x3FB6] =	sst s9;
	s0 =	simm.s32 @!p0 $0x0  }
0x12: {  	s1 =	sld [smem:$0x3F9C];
	s0 =	simm.s32 @p0 $0x1  }
0x13: {  	[smem:$0x3FB7] =	sst s0;
	s0 =	simm.s32 @!p1 $0x0  }
0x14: {  	s2 =	sld [smem:$0x3F9B];
	s0 =	simm.s32 @p1 $0x1  }
0x15: {  	[smem:$0x3FB8] =	sst s0;
	s0 =	simm.s32 @!p2 $0x0  }
0x16: {  	s3 =	sld [smem:$0x3FDB];
	s0 =	simm.s32 @p2 $0x1  }
0x17: {  	s4 =	simm.s32 $0x1BF5;
	[smem:$0x3FBA] =	sst s0  }
0x18: {  	s0 =	sld [smem:$0x3F9D];
	_ =	swait.ge [sflag:s4], $0x0  }
0x19: {  	s7 =	sld [smem:$0x3F9E]  }
0x1a: {  	s8 =	sadd.s32 $0xFFFFE003, lr  }
0x1b: {  	s9 =	sadd.s32 $0xFFFFFEF7, lr;
	s5 =	simm.s32 $0xFFFFFFFF;
	p2 =	slt.u32 s8, $0xFFFFF086  }
0x1c: {  	p1 =	slt.u32 s9, $0xF7A;
	s5 =	simm.s32 @!p2 $0x0  }
0x1d: {  	s5 =	simm.s32 @p1 $0x1;
	p0 =	seq.s32 s7, s2  }
0x1e: {  	s7 =	smul.u32 @!p0 $0xF7A, s2;
	p2 =	seq.s32 @!p0 s5, $0x0  }
0x1f: {  	s9 =	smul.u32 $0xF7A, s1;
	s8 =	simm.s32 @!p0 $0x1BF5;
	p2 =	por !p2, p0  }
0x20: {  	[sflag:s8] =	ssyncset.s32 @!p0 $0xFFFFF086;
	s6 =	sadd.s32 @!p0 s3, s7;
	s7 =	simm.s32 @!p0 $0x108  }
0x21: {  	s3 =	sadd.s32 s3, s9;
	s6 =	sadd.s32 @!p0 $0x88, s6;
	s7 =	simm.s32 @p2 $0x1082  }
0x22: {  	[simem:s7], [sflag:s8] =	dma.local @!p0 [hbm:s6], $0xF7A  }
0x23: {  	s9 =	sor.u32 $0xD0000000, s2;
	s6 =	simm.s32 $0x108;
	_ =	swait.ge @!p0 [sflag:s8], $0x0  }
0x24: {  	s3 =	sadd.s32 $0x88, s3;
	s6 =	simm.s32 @!p1 $0x1082;
	[sflag:s4] =	ssyncset.s32 $0xFFFFF086  }
0x25: {  	[simem:s6], [sflag:s4] =	dma.local [hbm:s3], $0xF7A  }
0x26: {  	[smem:$0x3F9E] =	sst s1;
	(tag) =	ssettag s2;
	_ =	strace s9  }
0x27: {  	s1 =	sld [smem:$0x3FAE]  }
0x28: {  	s2 =	sld [smem:$0x3FAF]  }
0x29: {  	s4 =	sld [smem:$0x3FB1]  }
0x2a: {  	p0 =	seq.s32 s5, $0x0;
	s5 =	sld [smem:$0x3FB2]  }
0x2b: {  	s6 =	sld [smem:$0x3FB3]  }
0x2c: {  	s7 =	sld [smem:$0x3FB4]  }
0x2d: {  	s3 =	simm.s32 $0x108;
	s8 =	sld [smem:$0x3FB5]  }
0x2e: {  	s3 =	simm.s32 @!p0 $0x1082;
	s9 =	sld [smem:$0x3FB6]  }
0x2f: {  	lr =	sadd.s32 s0, s3;
	s0 =	sld [smem:$0x3FAD]  }
0x30: {  	s3 =	sld [smem:$0x3FB0]  }
0x31: {  	[smem:$0x3FB9] =	sst s10  }
0x32: {  	s10 =	sld [smem:$0x3FB7];
	_ =	sdelay $0x3  }
0x33: {  	p0 =	seq.s32 s10, $0x1;
	s10 =	sld [smem:$0x3FB9];
	_ =	sdelay $0x3  }
0x34: {  	[smem:$0x3FB9] =	sst s10  }
0x35: {  	s10 =	sld [smem:$0x3FB8];
	_ =	sdelay $0x3  }
0x36: {  	p1 =	seq.s32 s10, $0x1;
	s10 =	sld [smem:$0x3FB9];
	_ =	sdelay $0x3  }
0x37: {  	[smem:$0x3FB9] =	sst s10  }
0x38: {  	s10 =	sld [smem:$0x3FBA]  }
0x39: {  	_ = 	snop;
	(pc) =	sbr.ind lr, $3  }
0x3a: {  	_ = 	snop  }
0x3b: {  	_ = 	snop  }
0x3c: {  	p2 =	seq.s32 s10, $0x1;
	s10 =	sld [smem:$0x3FB9]  }
0x3d: {  	_ =	shalt  }
0x3e: {  	_ =	shalt  }
0x3f: {  	_ =	shalt  }
0x40: {  	_ =	shalt  }
0x41: {  	_ =	shalt  }
0x42: {  	_ =	shalt  }
0x43: {  	_ =	shalt  }
0x44: {  	_ =	shalt  }
0x45: {  	_ =	shalt  }
0x46: {  	_ =	shalt  }
0x47: {  	_ =	shalt  }
0x48: {  	_ =	shalt  }
0x49: {  	_ =	shalt  }
0x4a: {  	_ =	shalt  }
0x4b: {  	_ =	shalt  }
0x4c: {  	_ =	shalt  }
0x4d: {  	_ =	shalt  }
0x4e: {  	_ =	shalt  }
0x4f: {  	_ =	shalt  }
0x50: {  	_ =	shalt  }
0x51: {  	_ =	shalt  }
0x52: {  	_ =	shalt  }
0x53: {  	_ =	shalt  }
0x54: {  	_ =	shalt  }
0x55: {  	_ =	shalt  }
0x56: {  	_ =	shalt  }
0x57: {  	_ =	shalt  }
0x58: {  	_ =	shalt  }
0x59: {  	_ =	shalt  }
0x5a: {  	_ =	shalt  }
0x5b: {  	_ =	shalt  }
0x5c: {  	_ =	shalt  }
0x5d: {  	_ =	shalt  }
0x5e: {  	_ =	shalt  }
0x5f: {  	_ =	shalt  }
0x60: {  	_ =	shalt  }
0x61: {  	_ =	shalt  }
0x62: {  	_ =	shalt  }
0x63: {  	_ =	shalt  }
0x64: {  	_ =	shalt  }
0x65: {  	_ =	shalt  }
0x66: {  	_ =	shalt  }
0x67: {  	_ =	shalt  }
0x68: {  	_ =	shalt  }
0x69: {  	_ =	shalt  }
0x6a: {  	_ =	shalt  }
0x6b: {  	_ =	shalt  }
0x6c: {  	_ =	shalt  }
0x6d: {  	_ =	shalt  }
0x6e: {  	_ =	shalt  }
0x6f: {  	_ =	shalt  }
0x70: {  	_ =	shalt  }
0x71: {  	_ =	shalt  }
0x72: {  	_ =	shalt  }
0x73: {  	_ =	shalt  }
0x74: {  	_ =	shalt  }
0x75: {  	_ =	shalt  }
0x76: {  	_ =	shalt  }
0x77: {  	_ =	shalt  }
0x78: {  	_ =	shalt  }
0x79: {  	_ =	shalt  }
0x7a: {  	_ =	shalt  }
0x7b: {  	_ =	shalt  }
0x7c: {  	_ =	shalt  }
0x7d: {  	_ =	shalt  }
0x7e: {  	_ =	shalt  }
0x7f: {  	_ =	shalt  }
0x80: {  	_ =	shalt  }
0x81: {  	_ =	shalt  }
0x82: {  	_ =	shalt  }
0x83: {  	_ =	shalt  }
0x84: {  	_ =	shalt  }
0x85: {  	_ =	shalt  }
0x86: {  	_ =	shalt  }
0x87: {  	_ =	shalt  }
.Lfunc_end0:
.L_simem_size_0:
called_computation_lowered:
.L_overlay_start_0:
0x88: {  	s2 =	sld [smem:$0x3FD9]  }
0x89: {  	s3 =	sld [smem:$0x3FFE];
	_ =	sdelay $0x1  }
0x8a: {  	s1 =	srdreg.scid  }
0x8b: {  	s0 =	sand.u32 $0x1, s1  }
0x8c: {  	s18 =	sshll.u32 s0, $0xA;
	s2 =	sadd.s32 s3, s2  }
0x8d: {  	s2 =	sadd.s32 s2, s18  }
0x8e: {  	[smem:$0x3FC5] =	sst s2  }
0x8f: {  	_ = 	snop  }
0x90: {  	s2 =	sld [smem:$0x3FC9]  }
0x91: {  	s19 =	sld [smem:$0x3FC8]  }
0x92: {  	s4 =	sld [smem:$0x3FC7]  }
0x93: {  	s5 =	sld [smem:$0x3FD0];
	(tm) =	ssettm $0x1  }
0x94: {  	s6 =	sld [smem:$0x3FFB];
	_ =	sdelay $0x3  }
0x95: {  	_ =	strace s6  }
0x96: {  	s6 =	sld [smem:$0x3FFC];
	_ =	sdelay $0x3  }
0x97: {  	_ =	strace s6  }
0x98: {  	s6 =	sld [smem:$0x3FFD];
	_ =	sdelay $0x3  }
0x99: {  	_ =	strace s6  }
0x9a: {  	_ =	strace $0x8FFFFFFF  }
0x9b: {  	s20 =	sld [smem:$0x3FDB];
	_ =	sdelay $0x1  }
0x9c: {  	s7 =	simm.s32 $_scs_section_size  }
0x9d: {  	s8 =	simm.s32 $_size__tile_overlayer_lowered;
	s9 =	simm.s32 $_tile_overlayer_lowered  }
0x9e: {  	s23 =	simm.s32 $0x1BFF;
	s22 =	sshll.u32 s9, $0x1;
	s6 =	sadd.s32 s7, s20  }
0x9f: {  	s10 =	simm.s32 $0x0;
	s21 =	sshll.u32 s8, $0x1;
	s8 =	sadd.s32 s22, s6  }
0xa0: {  	[timem:s10], [sflag:s23] =	dma.local [hbm:s8], s21  }
0xa1: {  	_ =	swait.ge [sflag:s23], s21  }
0xa2: {  	s7 =	ssub.s32 $0x0, s21;
	[sflag:s23] =	ssyncset.done $0x0  }
0xa3: {  	[sflag:s23] =	ssyncadd.s32 s7;
	_ =	sdelay $0x1  }
0xa4: {  	s24 =	simm.s32 $0x1B8B  }
0xa5: {  	_ =	swait.ge [sflag:s24], $0x1  }
0xa6: {  	[sflag:s24] =	ssyncset.done $0x0  }
0xa7: {  	s25 =	simm.s32 $0x1B8E;
	[sflag:s24] =	ssyncadd.s32 $0xFFFFFFFF  }
0xa8: {  	s26 =	simm.s32 $execute0_lowered;
	[smem:$0x3FD2] =	sst s25  }
0xa9: {  	s7 =	sshll.u32 s26, $0x1;
	_ =	strace $0x80000046;
	[dreg:$0x1] =	wrdreg $0xFFFFFFFF  }
0xaa: {  	s28 =	simm.s32 $_size_execute0_lowered;
	s6 =	sadd.s32 s6, s7;
	[dreg:$0x0] =	wrdreg $0x0  }
0xab: {  	s7 =	sshll.u32 s28, $0x1;
	[dreg:$0x2] =	wrdreg s6  }
0xac: {  	[dreg:$0x3] =	wrdreg s7  }
0xad: {  	[dreg:$0x4] =	wrdreg $0xC0  }
0xae: {  	_ =	task [dreg:s10], $0x5FFFF  }
0xaf: {  	[dreg:$0x1] =	wrdreg $0xFFFFFFFF  }
0xb0: {  	[dreg:$0x0] =	wrdreg $0x60  }
0xb1: {  	[dreg:$0x2] =	wrdreg s2  }
0xb2: {  	[dreg:$0x3] =	wrdreg s19  }
0xb3: {  	[dreg:$0x4] =	wrdreg s4  }
0xb4: {  	[dreg:$0x5] =	wrdreg s5  }
0xb5: {  	[dreg:$0x6] =	wrdreg $0x9  }
0xb6: {  	_ =	task.clear_ibuf [dreg:s10], $0x7FFFF;
	_ =	strace $0x90000046  }
0xb7: {  	s29 =	simm.s32 $0x9;
	_ =	strace $0x80000048  }
0xb8: {  	_ =	swait.ge [sflag:s29], $0x1  }
0xb9: {  	[sflag:s29] =	ssyncadd.s32 $0xFFFFFFFF  }
0xba: {  	_ =	strace $0x90000048  }
0xbb: {  	_ =	sfence  }
0xbc: {  	s30 =	sld [smem:$0x0];
	_ =	sdelay $0x2  }
0xbd: {  	s31 =	sshll.u32 s1, $0xD;
	s1 =	sshrl.u32 s1, $0x2  }
0xbe: {  	s3 =	sand.u32 $0x4000, s31;
	s1 =	sadd.s32 s1, s30  }
0xbf: {  	s0 =	sor.u32 s3, s0;
	s1 =	sshll.u32 s1, $0x11  }
0xc0: {  	s0 =	sor.u32 s1, s0  }
0xc1: {  	s0 =	sadd.s32 $0x8F2B, s0  }
0xc2: {  	[sflag:s0] =	ssyncadd.remote.s32 $0x1  }
0xc3: {  	_ =	sfence.sel $0xFFFF  }
0xc4: {  	[dreg:$0x0] =	wrdreg $0xFFFFFFFF;
	(pc) =	sbr.abs _section_cstart, $3  }
0xc5: {  	[dreg:$0x1] =	wrdreg $0xFFFFFFFF  }
0xc6: {  	_ =	task.clear_ibuf [dreg:s10], $0x2FFFF;
	_ =	strace $0x9FFFFFFF  }
0xc7: {  	(tm) =	ssettm $0x7FFFFFFF  }
tec
execute0_lowered:
.L_overlay_start_1:
0x0: {  	(tag) =	ssettag $0x1  }
0x1: {  	v0 =	vimm.s32 $0xB80;
	vm14 =	vcmask $0x300  }
0x2: {  	vm13 =	vcmask $0x704;
	vm12 =	vcmask $0xB08;
	vm11 =	vcmask $0xF0C  }
0x3: {  	vm10 =	vcmask $0x1310;
	vm9 =	vcmask $0x1714;
	vm8 =	vcmask $0x1B18  }
0x4: {  	v1 =	vlaneseq.u32;
	vm4 =	vcmask $0x1F1C;
	vm0 =	vcmask $0x2320  }
0x5: {  	v3 =	vimm.s32 $0x2B80;
	vm1 =	vcmask $0x2724;
	vm2 =	vcmask $0x2B28  }
0x6: {  	vm3 =	vcmask $0x2F2C;
	vm5 =	vcmask $0x3330;
	vm6 =	vcmask $0x3734  }
0x7: {  	vm7 =	vcmask $0x3B38;
	v7 =	vimm.s32 $0x3B80;
	v8 =	vimm.s32 $0xFF8  }
0x8: {  	v9 =	vimm.s32 $0x1FF8;
	v10 =	vimm.s32 $0x2FF8;
	v11 =	vimm.s32 $0x3FF8  }
0x9: {  	v12 =	vimm.s32 $0xFF9;
	v13 =	vimm.s32 $0x1FF9;
	v14 =	vimm.s32 $0x2FF9  }
0xa: {  	v15 =	vimm.s32 $0x3FF9;
	v16 =	vimm.s32 $0xFFA;
	v17 =	vimm.s32 $0x1FFA  }
0xb: {  	v18 =	vimm.s32 $0x2FFA;
	v19 =	vimm.s32 $0x3FFA;
	v20 =	vimm.s32 $0xFFB  }
0xc: {  	v21 =	vimm.s32 $0x1FFB;
	v22 =	vimm.s32 $0x2FFB;
	v23 =	vimm.s32 $0x3FFB  }
0xd: {  	v24 =	vimm.s32 $0xFFC;
	v25 =	vimm.s32 $0x1FFC;
	v26 =	vimm.s32 $0x2FFC  }
0xe: {  	v27 =	vimm.s32 $0x3FFC;
	v28 =	vimm.s32 $0xFFD;
	v29 =	vimm.s32 $0x1FFD  }
0xf: {  	v30 =	vimm.s32 $0x2FFD;
	v31 =	vimm.s32 $0x3FFD;
	v32 =	vimm.s32 $0xFFE  }
0x10: {  	v33 =	vimm.s32 $0x1FFE;
	v34 =	vimm.s32 $0x2FFE;
	v35 =	vimm.s32 $0x3FFE  }
0x11: {  	v36 =	vimm.s32 $0xFFF;
	v37 =	vimm.s32 $0x1FFF;
	v38 =	vimm.s32 $0x2FFF  }
0x12: {  	v39 =	vimm.s32 $0x3FFF;
	v0 =	vsel vm14, $0x0, v0;
	v3 =	vsel vm14, $0x2000, v3  }
0x13: {  	v7 =	vsel vm14, $0x3000, v7;
	v8 =	vsel vm14, $0x478, v8;
	v9 =	vsel vm14, $0x1478, v9  }
0x14: {  	v10 =	vsel vm14, $0x2478, v10;
	v11 =	vsel vm14, $0x3478, v11;
	v12 =	vsel vm14, $0x479, v12  }
0x15: {  	v13 =	vsel vm14, $0x1479, v13;
	v14 =	vsel vm14, $0x2479, v14;
	v15 =	vsel vm14, $0x3479, v15  }
0x16: {  	v16 =	vsel vm14, $0x47A, v16;
	v17 =	vsel vm14, $0x147A, v17;
	v18 =	vsel vm14, $0x247A, v18  }
0x17: {  	v19 =	vsel vm14, $0x347A, v19;
	v20 =	vsel vm14, $0x47B, v20;
	v21 =	vsel vm14, $0x147B, v21  }
0x18: {  	v22 =	vsel vm14, $0x247B, v22;
	v23 =	vsel vm14, $0x347B, v23;
	v24 =	vsel vm14, $0x47C, v24  }
0x19: {  	v25 =	vsel vm14, $0x147C, v25;
	v26 =	vsel vm14, $0x247C, v26;
	v27 =	vsel vm14, $0x347C, v27  }
0x1a: {  	v28 =	vsel vm14, $0x47D, v28;
	v29 =	vsel vm14, $0x147D, v29;
	v30 =	vsel vm14, $0x247D, v30  }
0x1b: {  	v31 =	vsel vm14, $0x347D, v31;
	v32 =	vsel vm14, $0x47E, v32;
	v33 =	vsel vm14, $0x147E, v33  }
0x1c: {  	v34 =	vsel vm14, $0x247E, v34;
	v35 =	vsel vm14, $0x347E, v35;
	v36 =	vsel vm14, $0x47F, v36  }
0x1d: {  	v37 =	vsel vm14, $0x147F, v37;
	v38 =	vsel vm14, $0x247F, v38;
	v39 =	vsel vm14, $0x347F, v39  }
0x1e: {  	v0 =	vsel vm13, $0x80, v0;
	v3 =	vsel vm13, $0x2080, v3;
	v7 =	vsel vm13, $0x3080, v7  }
0x1f: {  	v8 =	vsel vm13, $0x4F8, v8;
	v9 =	vsel vm13, $0x14F8, v9;
	v10 =	vsel vm13, $0x24F8, v10  }
0x20: {  	v11 =	vsel vm13, $0x34F8, v11;
	v12 =	vsel vm13, $0x4F9, v12;
	v13 =	vsel vm13, $0x14F9, v13  }
0x21: {  	v14 =	vsel vm13, $0x24F9, v14;
	v15 =	vsel vm13, $0x34F9, v15;
	v16 =	vsel vm13, $0x4FA, v16  }
0x22: {  	v17 =	vsel vm13, $0x14FA, v17;
	v18 =	vsel vm13, $0x24FA, v18;
	v19 =	vsel vm13, $0x34FA, v19  }
0x23: {  	v20 =	vsel vm13, $0x4FB, v20;
	v21 =	vsel vm13, $0x14FB, v21;
	v22 =	vsel vm13, $0x24FB, v22  }
0x24: {  	v23 =	vsel vm13, $0x34FB, v23;
	v24 =	vsel vm13, $0x4FC, v24;
	v25 =	vsel vm13, $0x14FC, v25  }
0x25: {  	v26 =	vsel vm13, $0x24FC, v26;
	v27 =	vsel vm13, $0x34FC, v27;
	v28 =	vsel vm13, $0x4FD, v28  }
0x26: {  	v29 =	vsel vm13, $0x14FD, v29;
	v30 =	vsel vm13, $0x24FD, v30;
	v31 =	vsel vm13, $0x34FD, v31  }
0x27: {  	v32 =	vsel vm13, $0x4FE, v32;
	v33 =	vsel vm13, $0x14FE, v33;
	v34 =	vsel vm13, $0x24FE, v34  }
0x28: {  	v35 =	vsel vm13, $0x34FE, v35;
	v36 =	vsel vm13, $0x4FF, v36;
	v37 =	vsel vm13, $0x14FF, v37  }
0x29: {  	v38 =	vsel vm13, $0x24FF, v38;
	v39 =	vsel vm13, $0x34FF, v39;
	v0 =	vsel vm12, $0x100, v0  }
0x2a: {  	v3 =	vsel vm12, $0x2100, v3;
	v7 =	vsel vm12, $0x3100, v7;
	v8 =	vsel vm12, $0x578, v8  }
0x2b: {  	v9 =	vsel vm12, $0x1578, v9;
	v10 =	vsel vm12, $0x2578, v10;
	v11 =	vsel vm12, $0x3578, v11  }
0x2c: {  	v12 =	vsel vm12, $0x579, v12;
	v13 =	vsel vm12, $0x1579, v13;
	v14 =	vsel vm12, $0x2579, v14  }
0x2d: {  	v15 =	vsel vm12, $0x3579, v15;
	v16 =	vsel vm12, $0x57A, v16;
	v17 =	vsel vm12, $0x157A, v17  }
0x2e: {  	v18 =	vsel vm12, $0x257A, v18;
	v19 =	vsel vm12, $0x357A, v19;
	v20 =	vsel vm12, $0x57B, v20  }
0x2f: {  	v21 =	vsel vm12, $0x157B, v21;
	v22 =	vsel vm12, $0x257B, v22;
	v23 =	vsel vm12, $0x357B, v23  }
0x30: {  	v24 =	vsel vm12, $0x57C, v24;
	v25 =	vsel vm12, $0x157C, v25;
	v26 =	vsel vm12, $0x257C, v26  }
0x31: {  	v27 =	vsel vm12, $0x357C, v27;
	v28 =	vsel vm12, $0x57D, v28;
	v29 =	vsel vm12, $0x157D, v29  }
0x32: {  	v30 =	vsel vm12, $0x257D, v30;
	v31 =	vsel vm12, $0x357D, v31;
	v32 =	vsel vm12, $0x57E, v32  }
0x33: {  	v33 =	vsel vm12, $0x157E, v33;
	v34 =	vsel vm12, $0x257E, v34;
	v35 =	vsel vm12, $0x357E, v35  }
0x34: {  	v36 =	vsel vm12, $0x57F, v36;
	v37 =	vsel vm12, $0x157F, v37;
	v38 =	vsel vm12, $0x257F, v38  }
0x35: {  	v39 =	vsel vm12, $0x357F, v39;
	v0 =	vsel vm11, $0x180, v0;
	v3 =	vsel vm11, $0x2180, v3  }
0x36: {  	v7 =	vsel vm11, $0x3180, v7;
	v8 =	vsel vm11, $0x5F8, v8;
	v9 =	vsel vm11, $0x15F8, v9  }
0x37: {  	v10 =	vsel vm11, $0x25F8, v10;
	v11 =	vsel vm11, $0x35F8, v11;
	v12 =	vsel vm11, $0x5F9, v12  }
0x38: {  	v13 =	vsel vm11, $0x15F9, v13;
	v14 =	vsel vm11, $0x25F9, v14;
	v15 =	vsel vm11, $0x35F9, v15  }
0x39: {  	v16 =	vsel vm11, $0x5FA, v16;
	v17 =	vsel vm11, $0x15FA, v17;
	v18 =	vsel vm11, $0x25FA, v18  }
0x3a: {  	v19 =	vsel vm11, $0x35FA, v19;
	v20 =	vsel vm11, $0x5FB, v20;
	v21 =	vsel vm11, $0x15FB, v21  }
0x3b: {  	v22 =	vsel vm11, $0x25FB, v22;
	v23 =	vsel vm11, $0x35FB, v23;
	v24 =	vsel vm11, $0x5FC, v24  }
0x3c: {  	v25 =	vsel vm11, $0x15FC, v25;
	v26 =	vsel vm11, $0x25FC, v26;
	v27 =	vsel vm11, $0x35FC, v27  }
0x3d: {  	v28 =	vsel vm11, $0x5FD, v28;
	v29 =	vsel vm11, $0x15FD, v29;
	v30 =	vsel vm11, $0x25FD, v30  }
0x3e: {  	v31 =	vsel vm11, $0x35FD, v31;
	v32 =	vsel vm11, $0x5FE, v32;
	v33 =	vsel vm11, $0x15FE, v33  }
0x3f: {  	v34 =	vsel vm11, $0x25FE, v34;
	v35 =	vsel vm11, $0x35FE, v35;
	v36 =	vsel vm11, $0x5FF, v36  }
0x40: {  	v37 =	vsel vm11, $0x15FF, v37;
	v38 =	vsel vm11, $0x25FF, v38;
	v39 =	vsel vm11, $0x35FF, v39  }
0x41: {  	v0 =	vsel vm10, $0x200, v0;
	v3 =	vsel vm10, $0x2200, v3;
	v7 =	vsel vm10, $0x3200, v7  }
0x42: {  	v8 =	vsel vm10, $0x678, v8;
	v9 =	vsel vm10, $0x1678, v9;
	v10 =	vsel vm10, $0x2678, v10  }
0x43: {  	v11 =	vsel vm10, $0x3678, v11;
	v12 =	vsel vm10, $0x679, v12;
	v13 =	vsel vm10, $0x1679, v13  }
0x44: {  	v14 =	vsel vm10, $0x2679, v14;
	v15 =	vsel vm10, $0x3679, v15;
	v16 =	vsel vm10, $0x67A, v16  }
0x45: {  	v17 =	vsel vm10, $0x167A, v17;
	v18 =	vsel vm10, $0x267A, v18;
	v19 =	vsel vm10, $0x367A, v19  }
0x46: {  	v20 =	vsel vm10, $0x67B, v20;
	v21 =	vsel vm10, $0x167B, v21;
	v22 =	vsel vm10, $0x267B, v22  }
0x47: {  	v23 =	vsel vm10, $0x367B, v23;
	v24 =	vsel vm10, $0x67C, v24;
	v25 =	vsel vm10, $0x167C, v25  }
0x48: {  	v26 =	vsel vm10, $0x267C, v26;
	v27 =	vsel vm10, $0x367C, v27;
	v28 =	vsel vm10, $0x67D, v28  }
0x49: {  	v29 =	vsel vm10, $0x167D, v29;
	v30 =	vsel vm10, $0x267D, v30;
	v31 =	vsel vm10, $0x367D, v31  }
0x4a: {  	v32 =	vsel vm10, $0x67E, v32;
	v33 =	vsel vm10, $0x167E, v33;
	v34 =	vsel vm10, $0x267E, v34  }
0x4b: {  	v35 =	vsel vm10, $0x367E, v35;
	v36 =	vsel vm10, $0x67F, v36;
	v37 =	vsel vm10, $0x167F, v37  }
0x4c: {  	v38 =	vsel vm10, $0x267F, v38;
	v39 =	vsel vm10, $0x367F, v39;
	v0 =	vsel vm9, $0x280, v0  }
0x4d: {  	v3 =	vsel vm9, $0x2280, v3;
	v7 =	vsel vm9, $0x3280, v7;
	v8 =	vsel vm9, $0x6F8, v8  }
0x4e: {  	v9 =	vsel vm9, $0x16F8, v9;
	v10 =	vsel vm9, $0x26F8, v10;
	v11 =	vsel vm9, $0x36F8, v11  }
0x4f: {  	v12 =	vsel vm9, $0x6F9, v12;
	v13 =	vsel vm9, $0x16F9, v13;
	v14 =	vsel vm9, $0x26F9, v14  }
0x50: {  	v15 =	vsel vm9, $0x36F9, v15;
	v16 =	vsel vm9, $0x6FA, v16;
	v17 =	vsel vm9, $0x16FA, v17  }
0x51: {  	v18 =	vsel vm9, $0x26FA, v18;
	v19 =	vsel vm9, $0x36FA, v19;
	v20 =	vsel vm9, $0x6FB, v20  }
0x52: {  	v21 =	vsel vm9, $0x16FB, v21;
	v22 =	vsel vm9, $0x26FB, v22;
	v23 =	vsel vm9, $0x36FB, v23  }
0x53: {  	v24 =	vsel vm9, $0x6FC, v24;
	v25 =	vsel vm9, $0x16FC, v25;
	v26 =	vsel vm9, $0x26FC, v26  }
0x54: {  	v27 =	vsel vm9, $0x36FC, v27;
	v28 =	vsel vm9, $0x6FD, v28;
	v29 =	vsel vm9, $0x16FD, v29  }
0x55: {  	v30 =	vsel vm9, $0x26FD, v30;
	v31 =	vsel vm9, $0x36FD, v31;
	v32 =	vsel vm9, $0x6FE, v32  }
0x56: {  	v33 =	vsel vm9, $0x16FE, v33;
	v34 =	vsel vm9, $0x26FE, v34;
	v35 =	vsel vm9, $0x36FE, v35  }
0x57: {  	v36 =	vsel vm9, $0x6FF, v36;
	v37 =	vsel vm9, $0x16FF, v37;
	v38 =	vsel vm9, $0x26FF, v38  }
0x58: {  	v39 =	vsel vm9, $0x36FF, v39;
	v2 =	vsel vm8, $0x300, v0;
	v0 =	vmul.u32 $0x80, v1  }
0x59: {  	v3 =	vsel vm8, $0x2300, v3;
	v7 =	vsel vm8, $0x3300, v7;
	v8 =	vsel vm8, $0x778, v8  }
0x5a: {  	v9 =	vsel vm8, $0x1778, v9;
	v10 =	vsel vm8, $0x2778, v10;
	v11 =	vsel vm8, $0x3778, v11  }
0x5b: {  	v12 =	vsel vm8, $0x779, v12;
	v13 =	vsel vm8, $0x1779, v13;
	v14 =	vsel vm8, $0x2779, v14  }
0x5c: {  	v15 =	vsel vm8, $0x3779, v15;
	v16 =	vsel vm8, $0x77A, v16;
	v17 =	vsel vm8, $0x177A, v17  }
0x5d: {  	v18 =	vsel vm8, $0x277A, v18;
	v19 =	vsel vm8, $0x377A, v19;
	v20 =	vsel vm8, $0x77B, v20  }
0x5e: {  	v21 =	vsel vm8, $0x177B, v21;
	v22 =	vsel vm8, $0x277B, v22;
	v23 =	vsel vm8, $0x377B, v23  }
0x5f: {  	v24 =	vsel vm8, $0x77C, v24;
	v25 =	vsel vm8, $0x177C, v25;
	v26 =	vsel vm8, $0x277C, v26  }
0x60: {  	v27 =	vsel vm8, $0x377C, v27;
	v28 =	vsel vm8, $0x77D, v28;
	v29 =	vsel vm8, $0x177D, v29  }
0x61: {  	v30 =	vsel vm8, $0x277D, v30;
	v31 =	vsel vm8, $0x377D, v31;
	v32 =	vsel vm8, $0x77E, v32  }
0x62: {  	v33 =	vsel vm8, $0x177E, v33;
	v34 =	vsel vm8, $0x277E, v34;
	v35 =	vsel vm8, $0x377E, v35  }
0x63: {  	v36 =	vsel vm8, $0x77F, v36;
	v37 =	vsel vm8, $0x177F, v37;
	v38 =	vsel vm8, $0x277F, v38  }
0x64: {  	v39 =	vsel vm8, $0x377F, v39;
	v1 =	vsel vm4, $0x380, v2;
	v2 =	vimm.s32 $0x1B80  }
0x65: {  	v3 =	vsel vm4, $0x2380, v3;
	v7 =	vsel vm4, $0x3380, v7;
	v8 =	vsel vm4, $0x7F8, v8  }
0x66: {  	v9 =	vsel vm4, $0x17F8, v9;
	v10 =	vsel vm4, $0x27F8, v10;
	v11 =	vsel vm4, $0x37F8, v11  }
0x67: {  	v12 =	vsel vm4, $0x7F9, v12;
	v13 =	vsel vm4, $0x17F9, v13;
	v14 =	vsel vm4, $0x27F9, v14  }
0x68: {  	v15 =	vsel vm4, $0x37F9, v15;
	v16 =	vsel vm4, $0x7FA, v16;
	v17 =	vsel vm4, $0x17FA, v17  }
0x69: {  	v18 =	vsel vm4, $0x27FA, v18;
	v19 =	vsel vm4, $0x37FA, v19;
	v20 =	vsel vm4, $0x7FB, v20  }
0x6a: {  	v21 =	vsel vm4, $0x17FB, v21;
	v22 =	vsel vm4, $0x27FB, v22;
	v23 =	vsel vm4, $0x37FB, v23  }
0x6b: {  	v24 =	vsel vm4, $0x7FC, v24;
	v25 =	vsel vm4, $0x17FC, v25;
	v26 =	vsel vm4, $0x27FC, v26  }
0x6c: {  	v27 =	vsel vm4, $0x37FC, v27;
	v28 =	vsel vm4, $0x7FD, v28;
	v29 =	vsel vm4, $0x17FD, v29  }
0x6d: {  	v30 =	vsel vm4, $0x27FD, v30;
	v31 =	vsel vm4, $0x37FD, v31;
	v32 =	vsel vm4, $0x7FE, v32  }
0x6e: {  	v33 =	vsel vm4, $0x17FE, v33;
	v34 =	vsel vm4, $0x27FE, v34;
	v35 =	vsel vm4, $0x37FE, v35  }
0x6f: {  	v36 =	vsel vm4, $0x7FF, v36;
	v37 =	vsel vm4, $0x17FF, v37;
	v38 =	vsel vm4, $0x27FF, v38  }
0x70: {  	v39 =	vsel vm4, $0x37FF, v39;
	v2 =	vsel vm14, $0x1000, v2;
	v1 =	vsel vm0, $0x800, v1  }
0x71: {  	v3 =	vsel vm0, $0x2800, v3;
	v6 =	vor.u32 $0x1800, v0;
	v7 =	vsel vm0, $0x3800, v7  }
0x72: {  	v8 =	vsel vm0, $0xC78, v8;
	v9 =	vsel vm0, $0x1C78, v9;
	v10 =	vsel vm0, $0x2C78, v10  }
0x73: {  	v11 =	vsel vm0, $0x3C78, v11;
	v12 =	vsel vm0, $0xC79, v12;
	v13 =	vsel vm0, $0x1C79, v13  }
0x74: {  	v14 =	vsel vm0, $0x2C79, v14;
	v15 =	vsel vm0, $0x3C79, v15;
	v16 =	vsel vm0, $0xC7A, v16  }
0x75: {  	v17 =	vsel vm0, $0x1C7A, v17;
	v18 =	vsel vm0, $0x2C7A, v18;
	v19 =	vsel vm0, $0x3C7A, v19  }
0x76: {  	v20 =	vsel vm0, $0xC7B, v20;
	v21 =	vsel vm0, $0x1C7B, v21;
	v22 =	vsel vm0, $0x2C7B, v22  }
0x77: {  	v23 =	vsel vm0, $0x3C7B, v23;
	v24 =	vsel vm0, $0xC7C, v24;
	v25 =	vsel vm0, $0x1C7C, v25  }
0x78: {  	v26 =	vsel vm0, $0x2C7C, v26;
	v27 =	vsel vm0, $0x3C7C, v27;
	v28 =	vsel vm0, $0xC7D, v28  }
0x79: {  	v29 =	vsel vm0, $0x1C7D, v29;
	v30 =	vsel vm0, $0x2C7D, v30;
	v31 =	vsel vm0, $0x3C7D, v31  }
0x7a: {  	v32 =	vsel vm0, $0xC7E, v32;
	v33 =	vsel vm0, $0x1C7E, v33;
	v34 =	vsel vm0, $0x2C7E, v34  }
0x7b: {  	v35 =	vsel vm0, $0x3C7E, v35;
	v36 =	vsel vm0, $0xC7F, v36;
	v37 =	vsel vm0, $0x1C7F, v37  }
0x7c: {  	v38 =	vsel vm0, $0x2C7F, v38;
	v39 =	vsel vm0, $0x3C7F, v39;
	v2 =	vsel vm13, $0x1080, v2  }
0x7d: {  	v1 =	vsel vm1, $0x880, v1;
	v3 =	vsel vm1, $0x2880, v3;
	v7 =	vsel vm1, $0x3880, v7  }
0x7e: {  	v8 =	vsel vm1, $0xCF8, v8;
	v9 =	vsel vm1, $0x1CF8, v9;
	v10 =	vsel vm1, $0x2CF8, v10  }
0x7f: {  	v11 =	vsel vm1, $0x3CF8, v11;
	v12 =	vsel vm1, $0xCF9, v12;
	v13 =	vsel vm1, $0x1CF9, v13  }
0x80: {  	v14 =	vsel vm1, $0x2CF9, v14;
	v15 =	vsel vm1, $0x3CF9, v15;
	v16 =	vsel vm1, $0xCFA, v16  }
0x81: {  	v17 =	vsel vm1, $0x1CFA, v17;
	v18 =	vsel vm1, $0x2CFA, v18;
	v19 =	vsel vm1, $0x3CFA, v19  }
0x82: {  	v20 =	vsel vm1, $0xCFB, v20;
	v21 =	vsel vm1, $0x1CFB, v21;
	v22 =	vsel vm1, $0x2CFB, v22  }
0x83: {  	v23 =	vsel vm1, $0x3CFB, v23;
	v24 =	vsel vm1, $0xCFC, v24;
	v25 =	vsel vm1, $0x1CFC, v25  }
0x84: {  	v26 =	vsel vm1, $0x2CFC, v26;
	v27 =	vsel vm1, $0x3CFC, v27;
	v28 =	vsel vm1, $0xCFD, v28  }
0x85: {  	v29 =	vsel vm1, $0x1CFD, v29;
	v30 =	vsel vm1, $0x2CFD, v30;
	v31 =	vsel vm1, $0x3CFD, v31  }
0x86: {  	v32 =	vsel vm1, $0xCFE, v32;
	v33 =	vsel vm1, $0x1CFE, v33;
	v34 =	vsel vm1, $0x2CFE, v34  }
0x87: {  	v35 =	vsel vm1, $0x3CFE, v35;
	v36 =	vsel vm1, $0xCFF, v36;
	v37 =	vsel vm1, $0x1CFF, v37  }
0x88: {  	v38 =	vsel vm1, $0x2CFF, v38;
	v39 =	vsel vm1, $0x3CFF, v39;
	v2 =	vsel vm12, $0x1100, v2  }
0x89: {  	v1 =	vsel vm2, $0x900, v1;
	v3 =	vsel vm2, $0x2900, v3;
	v7 =	vsel vm2, $0x3900, v7  }
0x8a: {  	v8 =	vsel vm2, $0xD78, v8;
	v9 =	vsel vm2, $0x1D78, v9;
	v10 =	vsel vm2, $0x2D78, v10  }
0x8b: {  	v11 =	vsel vm2, $0x3D78, v11;
	v12 =	vsel vm2, $0xD79, v12;
	v13 =	vsel vm2, $0x1D79, v13  }
0x8c: {  	v14 =	vsel vm2, $0x2D79, v14;
	v15 =	vsel vm2, $0x3D79, v15;
	v16 =	vsel vm2, $0xD7A, v16  }
0x8d: {  	v17 =	vsel vm2, $0x1D7A, v17;
	v18 =	vsel vm2, $0x2D7A, v18;
	v19 =	vsel vm2, $0x3D7A, v19  }
0x8e: {  	v20 =	vsel vm2, $0xD7B, v20;
	v21 =	vsel vm2, $0x1D7B, v21;
	v22 =	vsel vm2, $0x2D7B, v22  }
0x8f: {  	v23 =	vsel vm2, $0x3D7B, v23;
	v24 =	vsel vm2, $0xD7C, v24;
	v25 =	vsel vm2, $0x1D7C, v25  }
0x90: {  	v26 =	vsel vm2, $0x2D7C, v26;
	v27 =	vsel vm2, $0x3D7C, v27;
	v28 =	vsel vm2, $0xD7D, v28  }
0x91: {  	v29 =	vsel vm2, $0x1D7D, v29;
	v30 =	vsel vm2, $0x2D7D, v30;
	v31 =	vsel vm2, $0x3D7D, v31  }
0x92: {  	v32 =	vsel vm2, $0xD7E, v32;
	v33 =	vsel vm2, $0x1D7E, v33;
	v34 =	vsel vm2, $0x2D7E, v34  }
0x93: {  	v35 =	vsel vm2, $0x3D7E, v35;
	v36 =	vsel vm2, $0xD7F, v36;
	v37 =	vsel vm2, $0x1D7F, v37  }
0x94: {  	v38 =	vsel vm2, $0x2D7F, v38;
	v39 =	vsel vm2, $0x3D7F, v39;
	v2 =	vsel vm11, $0x1180, v2  }
0x95: {  	v1 =	vsel vm3, $0x980, v1;
	v3 =	vsel vm3, $0x2980, v3;
	v7 =	vsel vm3, $0x3980, v7  }
0x96: {  	v8 =	vsel vm3, $0xDF8, v8;
	v9 =	vsel vm3, $0x1DF8, v9;
	v10 =	vsel vm3, $0x2DF8, v10  }
0x97: {  	v11 =	vsel vm3, $0x3DF8, v11;
	v12 =	vsel vm3, $0xDF9, v12;
	v13 =	vsel vm3, $0x1DF9, v13  }
0x98: {  	v14 =	vsel vm3, $0x2DF9, v14;
	v15 =	vsel vm3, $0x3DF9, v15;
	v16 =	vsel vm3, $0xDFA, v16  }
0x99: {  	v17 =	vsel vm3, $0x1DFA, v17;
	v18 =	vsel vm3, $0x2DFA, v18;
	v19 =	vsel vm3, $0x3DFA, v19  }
0x9a: {  	v20 =	vsel vm3, $0xDFB, v20;
	v21 =	vsel vm3, $0x1DFB, v21;
	v22 =	vsel vm3, $0x2DFB, v22  }
0x9b: {  	v23 =	vsel vm3, $0x3DFB, v23;
	v24 =	vsel vm3, $0xDFC, v24;
	v25 =	vsel vm3, $0x1DFC, v25  }
0x9c: {  	v26 =	vsel vm3, $0x2DFC, v26;
	v27 =	vsel vm3, $0x3DFC, v27;
	v28 =	vsel vm3, $0xDFD, v28  }
0x9d: {  	v29 =	vsel vm3, $0x1DFD, v29;
	v30 =	vsel vm3, $0x2DFD, v30;
	v31 =	vsel vm3, $0x3DFD, v31  }
0x9e: {  	v32 =	vsel vm3, $0xDFE, v32;
	v33 =	vsel vm3, $0x1DFE, v33;
	v34 =	vsel vm3, $0x2DFE, v34  }
0x9f: {  	v35 =	vsel vm3, $0x3DFE, v35;
	v36 =	vsel vm3, $0xDFF, v36;
	v37 =	vsel vm3, $0x1DFF, v37  }
0xa0: {  	v38 =	vsel vm3, $0x2DFF, v38;
	v39 =	vsel vm3, $0x3DFF, v39;
	v2 =	vsel vm10, $0x1200, v2  }
0xa1: {  	v1 =	vsel vm5, $0xA00, v1;
	v5 =	vsel vm5, $0x2A00, v3;
	v7 =	vsel vm5, $0x3A00, v7  }
0xa2: {  	v8 =	vsel vm5, $0xE78, v8;
	v9 =	vsel vm5, $0x1E78, v9;
	v10 =	vsel vm5, $0x2E78, v10  }
0xa3: {  	v11 =	vsel vm5, $0x3E78, v11;
	v12 =	vsel vm5, $0xE79, v12;
	v13 =	vsel vm5, $0x1E79, v13  }
0xa4: {  	v14 =	vsel vm5, $0x2E79, v14;
	v15 =	vsel vm5, $0x3E79, v15;
	v16 =	vsel vm5, $0xE7A, v16  }
0xa5: {  	v17 =	vsel vm5, $0x1E7A, v17;
	v18 =	vsel vm5, $0x2E7A, v18;
	v19 =	vsel vm5, $0x3E7A, v19  }
0xa6: {  	v20 =	vsel vm5, $0xE7B, v20;
	v21 =	vsel vm5, $0x1E7B, v21;
	v22 =	vsel vm5, $0x2E7B, v22  }
0xa7: {  	v23 =	vsel vm5, $0x3E7B, v23;
	v24 =	vsel vm5, $0xE7C, v24;
	v25 =	vsel vm5, $0x1E7C, v25  }
0xa8: {  	v26 =	vsel vm5, $0x2E7C, v26;
	v27 =	vsel vm5, $0x3E7C, v27;
	v28 =	vsel vm5, $0xE7D, v28  }
0xa9: {  	v29 =	vsel vm5, $0x1E7D, v29;
	v30 =	vsel vm5, $0x2E7D, v30;
	v31 =	vsel vm5, $0x3E7D, v31  }
0xaa: {  	v32 =	vsel vm5, $0xE7E, v32;
	v33 =	vsel vm5, $0x1E7E, v33;
	v34 =	vsel vm5, $0x2E7E, v34  }
0xab: {  	v35 =	vsel vm5, $0x3E7E, v35;
	v36 =	vsel vm5, $0xE7F, v36;
	v37 =	vsel vm5, $0x1E7F, v37  }
0xac: {  	v38 =	vsel vm5, $0x2E7F, v38;
	v39 =	vsel vm5, $0x3E7F, v39;
	v2 =	vsel vm9, $0x1280, v2  }
0xad: {  	v1 =	vsel vm6, $0xA80, v1;
	v5 =	vsel vm6, $0x2A80, v5;
	v7 =	vsel vm6, $0x3A80, v7  }
0xae: {  	v8 =	vsel vm6, $0xEF8, v8;
	v9 =	vsel vm6, $0x1EF8, v9;
	v10 =	vsel vm6, $0x2EF8, v10  }
0xaf: {  	v11 =	vsel vm6, $0x3EF8, v11;
	v12 =	vsel vm6, $0xEF9, v12;
	v13 =	vsel vm6, $0x1EF9, v13  }
0xb0: {  	v14 =	vsel vm6, $0x2EF9, v14;
	v15 =	vsel vm6, $0x3EF9, v15;
	v16 =	vsel vm6, $0xEFA, v16  }
0xb1: {  	v17 =	vsel vm6, $0x1EFA, v17;
	v18 =	vsel vm6, $0x2EFA, v18;
	v19 =	vsel vm6, $0x3EFA, v19  }
0xb2: {  	v20 =	vsel vm6, $0xEFB, v20;
	v21 =	vsel vm6, $0x1EFB, v21;
	v22 =	vsel vm6, $0x2EFB, v22  }
0xb3: {  	v23 =	vsel vm6, $0x3EFB, v23;
	v24 =	vsel vm6, $0xEFC, v24;
	v25 =	vsel vm6, $0x1EFC, v25  }
0xb4: {  	s1 =	rddreg [dreg:$0x0];
	v26 =	vsel vm6, $0x2EFC, v26;
	v27 =	vsel vm6, $0x3EFC, v27;
	v28 =	vsel vm6, $0xEFD, v28  }
0xb5: {  	s0 =	rddreg [dreg:$0x1];
	v29 =	vsel vm6, $0x1EFD, v29;
	v30 =	vsel vm6, $0x2EFD, v30;
	v31 =	vsel vm6, $0x3EFD, v31  }
0xb6: {  	s2 =	rddreg [dreg:$0x2];
	v32 =	vsel vm6, $0xEFE, v32;
	v33 =	vsel vm6, $0x1EFE, v33;
	v34 =	vsel vm6, $0x2EFE, v34  }
0xb7: {  	s3 =	rddreg [dreg:$0x3];
	s5 =	simm.s32 $0x0;
	v35 =	vsel vm6, $0x3EFE, v35;
	v36 =	vsel vm6, $0xEFF, v36;
	v37 =	vsel vm6, $0x1EFF, v37  }
0xb8: {  	s4 =	srdreg.scid;
	s9 =	simm.s32 $0xA;
	s14 =	simm.s32 $0x800;
	v38 =	vsel vm6, $0x2EFF, v38;
	v39 =	vsel vm6, $0x3EFF, v39;
	v2 =	vsel vm8, $0x1300, v2  }
0xb9: {  	s8 =	stileid.u32;
	s12 =	simm.s32 $0x14180;
	s15 =	simm.s32 $0x7A1400;
	v1 =	vsel vm7, $0xB00, v1;
	v5 =	vsel vm7, $0x2B00, v5;
	v7 =	vsel vm7, $0x3B00, v7  }
0xba: {  	s13 =	simm.s32 $0x400;
	s16 =	simm.s32 $0x180;
	s17 =	simm.s32 $0x2180;
	v8 =	vsel vm7, $0xF78, v8;
	v9 =	vsel vm7, $0x1F78, v9;
	v10 =	vsel vm7, $0x2F78, v10  }
0xbb: {  	s18 =	simm.s32 $0x4180;
	s19 =	simm.s32 $0x6180;
	s20 =	simm.s32 $0x8180;
	v11 =	vsel vm7, $0x3F78, v11;
	v12 =	vsel vm7, $0xF79, v12;
	v13 =	vsel vm7, $0x1F79, v13  }
0xbc: {  	s21 =	simm.s32 $0xA180;
	s22 =	simm.s32 $0xC180;
	s28 =	simm.s32 $0x2;
	v14 =	vsel vm7, $0x2F79, v14;
	v15 =	vsel vm7, $0x3F79, v15;
	v16 =	vsel vm7, $0xF7A, v16  }
0xbd: {  	s29 =	simm.s32 $0x3;
	s30 =	simm.s32 $0x4;
	s31 =	simm.s32 $0x5;
	v17 =	vsel vm7, $0x1F7A, v17;
	v18 =	vsel vm7, $0x2F7A, v18;
	v19 =	vsel vm7, $0x3F7A, v19  }
0xbe: {  	[smem:$0x7FF] =	sst s5;
	s4 =	sand.u32 $0x1, s4;
	s6 =	sshll.u32 s8, $0x1;
	v20 =	vsel vm7, $0xF7B, v20;
	v21 =	vsel vm7, $0x1F7B, v21;
	v22 =	vsel vm7, $0x2F7B, v22  }
0xbf: {  	s8 =	sshrl.u32 s8, $0x2;
	_ =	strace $0x80000047;
	s23 =	ssub.s32 $0x2, s4;
	v23 =	vsel vm7, $0x3F7B, v23;
	v24 =	vsel vm7, $0xF7C, v24;
	v25 =	vsel vm7, $0x1F7C, v25  }
0xc0: {  	s6 =	sand.u32 $0x6, s6;
	s24 =	sshll.u32 s8, $0x4;
	s25 =	sshll.u32 s8, $0xE;
	v26 =	vsel vm7, $0x2F7C, v26;
	v27 =	vsel vm7, $0x3F7C, v27;
	v2 =	vsel vm4, $0x1380, v2  }
0xc1: {  	s8 =	simm.s32 $0x0;
	s7 =	sshrl.u32 s23, $0x1;
	s4 =	sor.u32 s4, s6;
	v28 =	vsel vm7, $0xF7D, v28;
	v29 =	vsel vm7, $0x1F7D, v29;
	v2 =	vsel vm0, $0x1800, v2  }
0xc2: {  	s1 =	sadd.s32 s1, s24;
	s26 =	sadd.s32 s3, s25;
	s24 =	simm.s32 $0x9;
	v30 =	vsel vm7, $0x2F7D, v30;
	v31 =	vsel vm7, $0x3F7D, v31;
	v2 =	vsel vm1, $0x1880, v2  }
0xc3: {  	s25 =	simm.s32 $0x1;
	s3 =	simm.s32 $0x7;
	s7 =	ssub.s32 s23, s7;
	v32 =	vsel vm7, $0xF7E, v32;
	v33 =	vsel vm7, $0x1F7E, v33;
	v2 =	vsel vm2, $0x1900, v2  }
0xc4: {  	s6 =	sshll.u32 s4, $0x7;
	s4 =	sshll.u32 s4, $0x8;
	s23 =	simm.s32 $0xE180;
	v34 =	vsel vm7, $0x2F7E, v34;
	v35 =	vsel vm7, $0x3F7E, v35;
	v2 =	vsel vm3, $0x1980, v2  }
0xc5: {  	s1 =	sadd.s32 s6, s1;
	s2 =	sadd.s32 s2, s4;
	s6 =	sadd.s32 s4, s26;
	v36 =	vsel vm7, $0xF7F, v36;
	v37 =	vsel vm7, $0x1F7F, v37;
	v2 =	vsel vm5, $0x1A00, v2  }
0xc6: {  	s7 =	smax.u32 s7, $0x1;
	s26 =	simm.s32 $0x10180;
	[dreg:$0x5] =	wrdreg s1;
	v38 =	vsel vm7, $0x2F7F, v38;
	v39 =	vsel vm7, $0x3F7F, v39;
	v4 =	vsel vm6, $0x1A80, v2  }
0xc7: {  	[dreg:$0x6] =	wrdreg s2;
	s1 =	simm.s32 $0x6;
	s2 =	simm.s32 $0x8;
	v2 =	vor.u32 $0x800, v0;
	v3 =	vsel vm7, $0x1B00, v4;
	v4 =	vor.u32 $0x1000, v0  }
.LBB2_1:
0xc8: {  	s4 =	simm.s32 $0x0  }
0xc9: {  	s5 =	rddreg [dreg:$0x5];
	s10 =	simm.s32 $0x200;
	s11 =	simm.s32 $0x80  }
0xca: {  	[tilespmem:s4], [sflag:$0xA] =	stream.strided.gather [hbm4b:s5+s11], $0x100, s10, s11, $0x38;
	[tilespmem:$0x18180] =	vst v63  }
0xcb: {  	_ =	swait.ge [sflag:s9], $0x100  }
0xcc: {  	[sflag:s9] =	ssyncset.done $0x0  }
0xcd: {  	s11 =	simm.s32 $0x4000;
	s5 =	rddreg [dreg:$0x6];
	[sflag:s9] =	ssyncadd.s32 $0xFFFFFF00  }
0xce: {  	[tilespmem:s12], [sflag:$0x9] =	stream.strided.gather [hbm4b:s5+s14], $0x4000, s11, s14, $0x38;
	[tilespmem:$0x18180] =	vst v63  }
0xcf: {  	v40 =	vld [tilespmem:$0x0];
	_ =	sdelay $0x4  }
0xd0: {  	(v2sf) =	vpush v40, $0x0  }
0xd1: {  	(v2sf) =	vpush v40, $0x1;
	_ =	sdelay $0x1  }
0xd2: {  	(v2sf) =	vpush v40, $0x2;
	_ =	sdelay $0x4  }
0xd3: {  	(v2sf) =	vpush v40, $0x3  }
0xd4: {  	(v2sf) =	vpush v40, $0x4;
	_ =	sdelay $0x5  }
0xd5: {  	s10 =	spop (v2sf);
	(v2sf) =	vpush v40, $0x5  }
0xd6: {  	s14 =	spop (v2sf);
	(v2sf) =	vpush v40, $0x6  }
0xd7: {  	s4 =	sand.u32 $0xFFFFF80, s10  }
0xd8: {  	s4 =	sadd.s32 s0, s4;
	s5 =	spop (v2sf)  }
0xd9: {  	(v2sf) =	vpush v40, $0x7;
	[tilespmem:s16], [sflag:$0x1] =	stream.strided.gather [hbm4b:s4+s13], $0x2000, s15, s13, $0x38;
	[tilespmem:$0x18180] =	vst v63  }
0xda: {  	s4 =	sand.u32 $0xFFFFF80, s14  }
0xdb: {  	s4 =	sadd.s32 s0, s4  }
0xdc: {  	[tilespmem:s17], [sflag:$0x2] =	stream.strided.gather [hbm4b:s4+s13], $0x2000, s15, s13, $0x38;
	[tilespmem:$0x18180] =	vst v63  }
0xdd: {  	s10 =	spop (v2sf);
	s4 =	sand.u32 $0xFFFFF80, s5  }
0xde: {  	s5 =	sand.u32 $0xFFFFF80, s10;
	s10 =	spop (v2sf);
	s4 =	sadd.s32 s0, s4  }
0xdf: {  	[tilespmem:s18], [sflag:$0x3] =	stream.strided.gather [hbm4b:s4+s13], $0x2000, s15, s13, $0x38;
	[tilespmem:$0x18180] =	vst v63  }
0xe0: {  	s4 =	sadd.s32 s0, s5;
	s5 =	sand.u32 $0xFFFFF80, s10  }
0xe1: {  	[tilespmem:s19], [sflag:$0x4] =	stream.strided.gather [hbm4b:s4+s13], $0x2000, s15, s13, $0x38;
	[tilespmem:$0x18180] =	vst v63  }
0xe2: {  	s4 =	sadd.s32 s0, s5  }
0xe3: {  	[tilespmem:s20], [sflag:$0x5] =	stream.strided.gather [hbm4b:s4+s13], $0x2000, s15, s13, $0x38;
	[tilespmem:$0x18180] =	vst v63  }
0xe4: {  	s10 =	spop (v2sf)  }
0xe5: {  	s14 =	sand.u32 $0xFFFFF80, s10;
	s5 =	spop (v2sf)  }
0xe6: {  	s4 =	sadd.s32 s0, s14;
	s10 =	sand.u32 $0xFFFFF80, s5  }
0xe7: {  	[tilespmem:s21], [sflag:$0x6] =	stream.strided.gather [hbm4b:s4+s13], $0x2000, s15, s13, $0x38;
	[tilespmem:$0x18180] =	vst v63  }
0xe8: {  	s14 =	spop (v2sf);
	s4 =	sadd.s32 s0, s10  }
0xe9: {  	[tilespmem:s22], [sflag:$0x7] =	stream.strided.gather [hbm4b:s4+s13], $0x2000, s15, s13, $0x38;
	[tilespmem:$0x18180] =	vst v63  }
0xea: {  	s4 =	sand.u32 $0xFFFFF80, s14  }
0xeb: {  	s4 =	sadd.s32 s0, s4  }
0xec: {  	[tilespmem:s23], [sflag:$0x8] =	stream.strided.gather [hbm4b:s4+s13], $0x2000, s15, s13, $0x38;
	[tilespmem:$0x18180] =	vst v63  }
0xed: {  	_ =	swait.ge [sflag:s24], $0x4000  }
0xee: {  	[sflag:s24] =	ssyncset.done $0x0  }
0xef: {  	s14 =	simm.s32 $0x0;
	s4 =	simm.s32 $0x7;
	[sflag:s24] =	ssyncadd.s32 $0xFFFFC000  }
.LBB2_2:
0xf0: {  	v40 =	vld [tilespmem:s14+$0x0];
	_ =	sdelay $0x4  }
0xf1: {  	(v2sf) =	vpush v40, $0x0;
	_ =	sdelay $0xa  }
0xf2: {  	s10 =	sadd.s32 $0xFFFFFFF9, s4  }
0xf3: {  	v41 =	vmov s10  }
0xf4: {  	v42 =	vshll.u32 v41, $0x3  }
0xf5: {  	v41 =	vand.u32 $0x78, v41;
	v42 =	vand.u32 $0x400, v42  }
0xf6: {  	v41 =	vor.u32 v41, v42;
	s5 =	spop (v2sf)  }
0xf7: {  	v42 =	vor.u32 v1, v41;
	s10 =	sand.u32 $0x7F, s5  }
0xf8: {  	v43 =	vor.u32 s10, v0  }
0xf9: {  	_ =	swait.ge [sflag:s25], $0x2000  }
0xfa: {  	[sflag:s25] =	ssyncset.done $0x0  }
0xfb: {  	[sflag:s25] =	ssyncadd.s32 $0xFFFFE000  }
0xfc: {  	v44 =	vld.idx.msk [tilespmem:v42+s12+$0x0], $0xffff  }
0xfd: {  	v43 =	vld.idx.msk [tilespmem:v43+s16+$0x0], $0xffff;
	_ =	sdelay $0x4  }
0xfe: {  	v53 =	vor.u32 s10, v2;
	v43 =	vadd.f32 v44, v43  }
0xff: {  	v45 =	vor.u32 v3, v41  }
0x100: {  	v43 =	vmul.f32 $8.000000000e+00, v43;
	_ =	sdelay $0x1  }
0x101: {  	[tilespmem:v42+s26+$0x0] =	vst.idx.msk $0xffff, v43  }
0x102: {  	v42 =	vld.idx.msk [tilespmem:v53+s16+$0x0], $0xffff  }
0x103: {  	v43 =	vld.idx.msk [tilespmem:v45+s12+$0x0], $0xffff;
	_ =	sdelay $0x4  }
0x104: {  	v54 =	vor.u32 s10, v4;
	v42 =	vadd.f32 v43, v42  }
0x105: {  	v55 =	vor.u32 v5, v41  }
0x106: {  	v42 =	vmul.f32 $8.000000000e+00, v42;
	_ =	sdelay $0x1  }
0x107: {  	[tilespmem:v45+s26+$0x0] =	vst.idx.msk $0xffff, v42  }
0x108: {  	v42 =	vld.idx.msk [tilespmem:v54+s16+$0x0], $0xffff  }
0x109: {  	v56 =	vld.idx.msk [tilespmem:v55+s12+$0x0], $0xffff;
	_ =	sdelay $0x1  }
0x10a: {  	(v2sf) =	vpush v40, $0x8  }
0x10b: {  	(v2sf) =	vpush v40, $0x1;
	_ =	sdelay $0x1  }
0x10c: {  	v57 =	vor.u32 s10, v6;
	v42 =	vadd.f32 v56, v42  }
0x10d: {  	v41 =	vor.u32 v7, v41  }
0x10e: {  	v42 =	vmul.f32 $8.000000000e+00, v42;
	_ =	sdelay $0x1  }
0x10f: {  	[tilespmem:v55+s26+$0x0] =	vst.idx.msk $0xffff, v42  }
0x110: {  	v42 =	vld.idx.msk [tilespmem:v57+s16+$0x0], $0xffff  }
0x111: {  	v58 =	vld.idx.msk [tilespmem:v41+s12+$0x0], $0xffff;
	_ =	sdelay $0x4  }
0x112: {  	s10 =	sadd.s32 $0xFFFFFFFA, s4;
	v42 =	vadd.f32 v58, v42  }
0x113: {  	v59 =	vmov s10;
	s5 =	spop (v2sf)  }
0x114: {  	v60 =	vshll.u32 v59, $0x3;
	s10 =	spop (v2sf);
	v42 =	vmul.f32 $8.000000000e+00, v42  }
0x115: {  	v44 =	vand.u32 $0x400, v60;
	s5 =	sand.u32 $0xFFFFF80, s5;
	s10 =	sand.u32 $0x7F, s10;
	v43 =	vand.u32 $0x79, v59  }
0x116: {  	s5 =	sadd.s32 s0, s5;
	v61 =	vor.u32 s10, v0;
	v62 =	vor.u32 v43, v44;
	[tilespmem:v41+s26+$0x0] =	vst.idx.msk $0xffff, v42  }
0x117: {  	v43 =	vor.u32 v1, v62;
	[tilespmem:s16], [sflag:$0x1] =	stream.strided.gather [hbm4b:s5+s13], $0x2000, s15, s13, $0x38;
	[tilespmem:$0x18180] =	vst v63  }
0x118: {  	_ =	swait.ge [sflag:s28], $0x2000  }
0x119: {  	[sflag:s28] =	ssyncset.done $0x0  }
0x11a: {  	[sflag:s28] =	ssyncadd.s32 $0xFFFFE000  }
0x11b: {  	v41 =	vld.idx.msk [tilespmem:v61+s17+$0x0], $0xffff  }
0x11c: {  	v63 =	vld.idx.msk [tilespmem:v43+s12+$0x0], $0xffff;
	_ =	sdelay $0x4  }
0x11d: {  	v48 =	vor.u32 s10, v2;
	v41 =	vadd.f32 v63, v41  }
0x11e: {  	v49 =	vor.u32 v3, v62  }
0x11f: {  	v41 =	vmul.f32 $8.000000000e+00, v41;
	_ =	sdelay $0x1  }
0x120: {  	[tilespmem:v43+s26+$0x0] =	vst.idx.msk $0xffff, v41  }
0x121: {  	v41 =	vld.idx.msk [tilespmem:v48+s17+$0x0], $0xffff  }
0x122: {  	v43 =	vld.idx.msk [tilespmem:v49+s12+$0x0], $0xffff;
	_ =	sdelay $0x4  }
0x123: {  	v50 =	vor.u32 s10, v4;
	v41 =	vadd.f32 v43, v41  }
0x124: {  	v51 =	vor.u32 v5, v62  }
0x125: {  	v41 =	vmul.f32 $8.000000000e+00, v41;
	_ =	sdelay $0x1  }
0x126: {  	[tilespmem:v49+s26+$0x0] =	vst.idx.msk $0xffff, v41  }
0x127: {  	v41 =	vld.idx.msk [tilespmem:v50+s17+$0x0], $0xffff  }
0x128: {  	v52 =	vld.idx.msk [tilespmem:v51+s12+$0x0], $0xffff;
	_ =	sdelay $0x1  }
0x129: {  	(v2sf) =	vpush v40, $0x9  }
0x12a: {  	(v2sf) =	vpush v40, $0x2;
	_ =	sdelay $0x1  }
0x12b: {  	v53 =	vor.u32 s10, v6;
	v41 =	vadd.f32 v52, v41  }
0x12c: {  	v42 =	vor.u32 v7, v62  }
0x12d: {  	v41 =	vmul.f32 $8.000000000e+00, v41;
	_ =	sdelay $0x1  }
0x12e: {  	[tilespmem:v51+s26+$0x0] =	vst.idx.msk $0xffff, v41  }
0x12f: {  	v41 =	vld.idx.msk [tilespmem:v53+s17+$0x0], $0xffff  }
0x130: {  	v54 =	vld.idx.msk [tilespmem:v42+s12+$0x0], $0xffff;
	_ =	sdelay $0x4  }
0x131: {  	s5 =	sadd.s32 $0xFFFFFFFB, s4;
	v41 =	vadd.f32 v54, v41  }
0x132: {  	v55 =	vmov s5;
	s10 =	spop (v2sf)  }
0x133: {  	v56 =	vshll.u32 v55, $0x3;
	s5 =	spop (v2sf);
	v41 =	vmul.f32 $8.000000000e+00, v41  }
0x134: {  	v44 =	vand.u32 $0x400, v56;
	s10 =	sand.u32 $0xFFFFF80, s10;
	s5 =	sand.u32 $0x7F, s5;
	v43 =	vand.u32 $0x7A, v55  }
0x135: {  	s10 =	sadd.s32 s0, s10;
	v57 =	vor.u32 s5, v0;
	v58 =	vor.u32 v43, v44;
	[tilespmem:v42+s26+$0x0] =	vst.idx.msk $0xffff, v41  }
0x136: {  	v43 =	vor.u32 v1, v58;
	[tilespmem:s17], [sflag:$0x2] =	stream.strided.gather [hbm4b:s10+s13], $0x2000, s15, s13, $0x38;
	[tilespmem:$0x18180] =	vst v63  }
0x137: {  	_ =	swait.ge [sflag:s29], $0x2000  }
0x138: {  	[sflag:s29] =	ssyncset.done $0x0  }
0x139: {  	[sflag:s29] =	ssyncadd.s32 $0xFFFFE000  }
0x13a: {  	v41 =	vld.idx.msk [tilespmem:v57+s18+$0x0], $0xffff  }
0x13b: {  	v59 =	vld.idx.msk [tilespmem:v43+s12+$0x0], $0xffff;
	_ =	sdelay $0x4  }
0x13c: {  	v60 =	vor.u32 s5, v2;
	v41 =	vadd.f32 v59, v41  }
0x13d: {  	v61 =	vor.u32 v3, v58  }
0x13e: {  	v41 =	vmul.f32 $8.000000000e+00, v41;
	_ =	sdelay $0x1  }
0x13f: {  	[tilespmem:v43+s26+$0x0] =	vst.idx.msk $0xffff, v41  }
0x140: {  	v41 =	vld.idx.msk [tilespmem:v60+s18+$0x0], $0xffff  }
0x141: {  	v43 =	vld.idx.msk [tilespmem:v61+s12+$0x0], $0xffff;
	_ =	sdelay $0x4  }
0x142: {  	v62 =	vor.u32 s5, v4;
	v41 =	vadd.f32 v43, v41  }
0x143: {  	v63 =	vor.u32 v5, v58  }
0x144: {  	v41 =	vmul.f32 $8.000000000e+00, v41;
	_ =	sdelay $0x1  }
0x145: {  	[tilespmem:v61+s26+$0x0] =	vst.idx.msk $0xffff, v41  }
0x146: {  	v41 =	vld.idx.msk [tilespmem:v62+s18+$0x0], $0xffff  }
0x147: {  	v48 =	vld.idx.msk [tilespmem:v63+s12+$0x0], $0xffff;
	_ =	sdelay $0x1  }
0x148: {  	(v2sf) =	vpush v40, $0xA  }
0x149: {  	(v2sf) =	vpush v40, $0x3;
	_ =	sdelay $0x1  }
0x14a: {  	v49 =	vor.u32 s5, v6;
	v41 =	vadd.f32 v48, v41  }
0x14b: {  	v42 =	vor.u32 v7, v58  }
0x14c: {  	v41 =	vmul.f32 $8.000000000e+00, v41;
	_ =	sdelay $0x1  }
0x14d: {  	[tilespmem:v63+s26+$0x0] =	vst.idx.msk $0xffff, v41  }
0x14e: {  	v41 =	vld.idx.msk [tilespmem:v49+s18+$0x0], $0xffff  }
0x14f: {  	v50 =	vld.idx.msk [tilespmem:v42+s12+$0x0], $0xffff;
	_ =	sdelay $0x4  }
0x150: {  	s5 =	sadd.s32 $0xFFFFFFFC, s4;
	v41 =	vadd.f32 v50, v41  }
0x151: {  	v51 =	vmov s5;
	s10 =	spop (v2sf)  }
0x152: {  	v52 =	vshll.u32 v51, $0x3;
	s5 =	spop (v2sf);
	v41 =	vmul.f32 $8.000000000e+00, v41  }
0x153: {  	v44 =	vand.u32 $0x400, v52;
	s10 =	sand.u32 $0xFFFFF80, s10;
	s5 =	sand.u32 $0x7F, s5;
	v43 =	vand.u32 $0x7B, v51  }
0x154: {  	s10 =	sadd.s32 s0, s10;
	v53 =	vor.u32 s5, v0;
	v54 =	vor.u32 v43, v44;
	[tilespmem:v42+s26+$0x0] =	vst.idx.msk $0xffff, v41  }
0x155: {  	v43 =	vor.u32 v1, v54;
	[tilespmem:s18], [sflag:$0x3] =	stream.strided.gather [hbm4b:s10+s13], $0x2000, s15, s13, $0x38;
	[tilespmem:$0x18180] =	vst v63  }
0x156: {  	_ =	swait.ge [sflag:s30], $0x2000  }
0x157: {  	[sflag:s30] =	ssyncset.done $0x0  }
0x158: {  	[sflag:s30] =	ssyncadd.s32 $0xFFFFE000  }
0x159: {  	v41 =	vld.idx.msk [tilespmem:v53+s19+$0x0], $0xffff  }
0x15a: {  	v55 =	vld.idx.msk [tilespmem:v43+s12+$0x0], $0xffff;
	_ =	sdelay $0x4  }
0x15b: {  	v56 =	vor.u32 s5, v2;
	v41 =	vadd.f32 v55, v41  }
0x15c: {  	v57 =	vor.u32 v3, v54  }
0x15d: {  	v41 =	vmul.f32 $8.000000000e+00, v41;
	_ =	sdelay $0x1  }
0x15e: {  	[tilespmem:v43+s26+$0x0] =	vst.idx.msk $0xffff, v41  }
0x15f: {  	v41 =	vld.idx.msk [tilespmem:v56+s19+$0x0], $0xffff  }
0x160: {  	v43 =	vld.idx.msk [tilespmem:v57+s12+$0x0], $0xffff;
	_ =	sdelay $0x4  }
0x161: {  	v58 =	vor.u32 s5, v4;
	v41 =	vadd.f32 v43, v41  }
0x162: {  	v59 =	vor.u32 v5, v54  }
0x163: {  	v41 =	vmul.f32 $8.000000000e+00, v41;
	_ =	sdelay $0x1  }
0x164: {  	[tilespmem:v57+s26+$0x0] =	vst.idx.msk $0xffff, v41  }
0x165: {  	v41 =	vld.idx.msk [tilespmem:v58+s19+$0x0], $0xffff  }
0x166: {  	v60 =	vld.idx.msk [tilespmem:v59+s12+$0x0], $0xffff;
	_ =	sdelay $0x1  }
0x167: {  	(v2sf) =	vpush v40, $0xB  }
0x168: {  	(v2sf) =	vpush v40, $0x4;
	_ =	sdelay $0x1  }
0x169: {  	v61 =	vor.u32 s5, v6;
	v41 =	vadd.f32 v60, v41  }
0x16a: {  	v42 =	vor.u32 v7, v54  }
0x16b: {  	v41 =	vmul.f32 $8.000000000e+00, v41;
	_ =	sdelay $0x1  }
0x16c: {  	[tilespmem:v59+s26+$0x0] =	vst.idx.msk $0xffff, v41  }
0x16d: {  	v41 =	vld.idx.msk [tilespmem:v61+s19+$0x0], $0xffff  }
0x16e: {  	v62 =	vld.idx.msk [tilespmem:v42+s12+$0x0], $0xffff;
	_ =	sdelay $0x4  }
0x16f: {  	s5 =	sadd.s32 $0xFFFFFFFD, s4;
	v41 =	vadd.f32 v62, v41  }
0x170: {  	v63 =	vmov s5;
	s10 =	spop (v2sf)  }
0x171: {  	v48 =	vshll.u32 v63, $0x3;
	s5 =	spop (v2sf);
	v41 =	vmul.f32 $8.000000000e+00, v41  }
0x172: {  	v44 =	vand.u32 $0x400, v48;
	s10 =	sand.u32 $0xFFFFF80, s10;
	s5 =	sand.u32 $0x7F, s5;
	v43 =	vand.u32 $0x7C, v63  }
0x173: {  	s10 =	sadd.s32 s0, s10;
	v49 =	vor.u32 s5, v0;
	v50 =	vor.u32 v43, v44;
	[tilespmem:v42+s26+$0x0] =	vst.idx.msk $0xffff, v41  }
0x174: {  	v43 =	vor.u32 v1, v50;
	[tilespmem:s19], [sflag:$0x4] =	stream.strided.gather [hbm4b:s10+s13], $0x2000, s15, s13, $0x38;
	[tilespmem:$0x18180] =	vst v63  }
0x175: {  	_ =	swait.ge [sflag:s31], $0x2000  }
0x176: {  	[sflag:s31] =	ssyncset.done $0x0  }
0x177: {  	[sflag:s31] =	ssyncadd.s32 $0xFFFFE000  }
0x178: {  	v41 =	vld.idx.msk [tilespmem:v49+s20+$0x0], $0xffff  }
0x179: {  	v51 =	vld.idx.msk [tilespmem:v43+s12+$0x0], $0xffff;
	_ =	sdelay $0x4  }
0x17a: {  	v52 =	vor.u32 s5, v2;
	v41 =	vadd.f32 v51, v41  }
0x17b: {  	v53 =	vor.u32 v3, v50  }
0x17c: {  	v41 =	vmul.f32 $8.000000000e+00, v41;
	_ =	sdelay $0x1  }
0x17d: {  	[tilespmem:v43+s26+$0x0] =	vst.idx.msk $0xffff, v41  }
0x17e: {  	v41 =	vld.idx.msk [tilespmem:v52+s20+$0x0], $0xffff  }
0x17f: {  	v43 =	vld.idx.msk [tilespmem:v53+s12+$0x0], $0xffff;
	_ =	sdelay $0x4  }
0x180: {  	v54 =	vor.u32 s5, v4;
	v41 =	vadd.f32 v43, v41  }
0x181: {  	v55 =	vor.u32 v5, v50  }
0x182: {  	v41 =	vmul.f32 $8.000000000e+00, v41;
	_ =	sdelay $0x1  }
0x183: {  	[tilespmem:v53+s26+$0x0] =	vst.idx.msk $0xffff, v41  }
0x184: {  	v41 =	vld.idx.msk [tilespmem:v54+s20+$0x0], $0xffff  }
0x185: {  	v56 =	vld.idx.msk [tilespmem:v55+s12+$0x0], $0xffff;
	_ =	sdelay $0x1  }
0x186: {  	(v2sf) =	vpush v40, $0xC  }
0x187: {  	(v2sf) =	vpush v40, $0x5;
	_ =	sdelay $0x1  }
0x188: {  	v57 =	vor.u32 s5, v6;
	v41 =	vadd.f32 v56, v41  }
0x189: {  	v42 =	vor.u32 v7, v50  }
0x18a: {  	v41 =	vmul.f32 $8.000000000e+00, v41;
	_ =	sdelay $0x1  }
0x18b: {  	[tilespmem:v55+s26+$0x0] =	vst.idx.msk $0xffff, v41  }
0x18c: {  	v41 =	vld.idx.msk [tilespmem:v57+s20+$0x0], $0xffff  }
0x18d: {  	v58 =	vld.idx.msk [tilespmem:v42+s12+$0x0], $0xffff;
	_ =	sdelay $0x4  }
0x18e: {  	s5 =	sadd.s32 $0xFFFFFFFE, s4;
	v41 =	vadd.f32 v58, v41  }
0x18f: {  	v59 =	vmov s5;
	s10 =	spop (v2sf)  }
0x190: {  	v60 =	vshll.u32 v59, $0x3;
	s5 =	spop (v2sf);
	v41 =	vmul.f32 $8.000000000e+00, v41  }
0x191: {  	v44 =	vand.u32 $0x400, v60;
	s10 =	sand.u32 $0xFFFFF80, s10;
	s5 =	sand.u32 $0x7F, s5;
	v43 =	vand.u32 $0x7D, v59  }
0x192: {  	s10 =	sadd.s32 s0, s10;
	v61 =	vor.u32 s5, v0;
	v62 =	vor.u32 v43, v44;
	[tilespmem:v42+s26+$0x0] =	vst.idx.msk $0xffff, v41  }
0x193: {  	v43 =	vor.u32 v1, v62;
	[tilespmem:s20], [sflag:$0x5] =	stream.strided.gather [hbm4b:s10+s13], $0x2000, s15, s13, $0x38;
	[tilespmem:$0x18180] =	vst v63  }
0x194: {  	_ =	swait.ge [sflag:s1], $0x2000  }
0x195: {  	[sflag:s1] =	ssyncset.done $0x0  }
0x196: {  	[sflag:s1] =	ssyncadd.s32 $0xFFFFE000  }
0x197: {  	v41 =	vld.idx.msk [tilespmem:v61+s21+$0x0], $0xffff  }
0x198: {  	v63 =	vld.idx.msk [tilespmem:v43+s12+$0x0], $0xffff;
	_ =	sdelay $0x4  }
0x199: {  	v48 =	vor.u32 s5, v2;
	v41 =	vadd.f32 v63, v41  }
0x19a: {  	v49 =	vor.u32 v3, v62  }
0x19b: {  	v41 =	vmul.f32 $8.000000000e+00, v41;
	_ =	sdelay $0x1  }
0x19c: {  	[tilespmem:v43+s26+$0x0] =	vst.idx.msk $0xffff, v41  }
0x19d: {  	v41 =	vld.idx.msk [tilespmem:v48+s21+$0x0], $0xffff  }
0x19e: {  	v43 =	vld.idx.msk [tilespmem:v49+s12+$0x0], $0xffff;
	_ =	sdelay $0x4  }
0x19f: {  	v50 =	vor.u32 s5, v4;
	v41 =	vadd.f32 v43, v41  }
0x1a0: {  	v51 =	vor.u32 v5, v62  }
0x1a1: {  	v41 =	vmul.f32 $8.000000000e+00, v41;
	_ =	sdelay $0x1  }
0x1a2: {  	[tilespmem:v49+s26+$0x0] =	vst.idx.msk $0xffff, v41  }
0x1a3: {  	v41 =	vld.idx.msk [tilespmem:v50+s21+$0x0], $0xffff  }
0x1a4: {  	v52 =	vld.idx.msk [tilespmem:v51+s12+$0x0], $0xffff;
	_ =	sdelay $0x1  }
0x1a5: {  	(v2sf) =	vpush v40, $0xD  }
0x1a6: {  	(v2sf) =	vpush v40, $0x6;
	_ =	sdelay $0x1  }
0x1a7: {  	v53 =	vor.u32 s5, v6;
	v41 =	vadd.f32 v52, v41  }
0x1a8: {  	v42 =	vor.u32 v7, v62  }
0x1a9: {  	v41 =	vmul.f32 $8.000000000e+00, v41;
	_ =	sdelay $0x1  }
0x1aa: {  	[tilespmem:v51+s26+$0x0] =	vst.idx.msk $0xffff, v41  }
0x1ab: {  	v41 =	vld.idx.msk [tilespmem:v53+s21+$0x0], $0xffff  }
0x1ac: {  	v54 =	vld.idx.msk [tilespmem:v42+s12+$0x0], $0xffff;
	_ =	sdelay $0x4  }
0x1ad: {  	s5 =	sadd.s32 $0xFFFFFFFF, s4;
	v41 =	vadd.f32 v54, v41  }
0x1ae: {  	v55 =	vmov s5;
	s10 =	spop (v2sf)  }
0x1af: {  	v56 =	vshll.u32 v55, $0x3;
	s5 =	spop (v2sf);
	v41 =	vmul.f32 $8.000000000e+00, v41  }
0x1b0: {  	v44 =	vand.u32 $0x400, v56;
	s10 =	sand.u32 $0xFFFFF80, s10;
	s5 =	sand.u32 $0x7F, s5;
	v43 =	vand.u32 $0x7E, v55  }
0x1b1: {  	s10 =	sadd.s32 s0, s10;
	v57 =	vor.u32 s5, v0;
	v58 =	vor.u32 v43, v44;
	[tilespmem:v42+s26+$0x0] =	vst.idx.msk $0xffff, v41  }
0x1b2: {  	v43 =	vor.u32 v1, v58;
	[tilespmem:s21], [sflag:$0x6] =	stream.strided.gather [hbm4b:s10+s13], $0x2000, s15, s13, $0x38;
	[tilespmem:$0x18180] =	vst v63  }
0x1b3: {  	_ =	swait.ge [sflag:s3], $0x2000  }
0x1b4: {  	[sflag:s3] =	ssyncset.done $0x0  }
0x1b5: {  	[sflag:s3] =	ssyncadd.s32 $0xFFFFE000  }
0x1b6: {  	v41 =	vld.idx.msk [tilespmem:v57+s22+$0x0], $0xffff  }
0x1b7: {  	v59 =	vld.idx.msk [tilespmem:v43+s12+$0x0], $0xffff;
	_ =	sdelay $0x4  }
0x1b8: {  	v60 =	vor.u32 s5, v2;
	v41 =	vadd.f32 v59, v41  }
0x1b9: {  	v61 =	vor.u32 v3, v58  }
0x1ba: {  	v41 =	vmul.f32 $8.000000000e+00, v41;
	_ =	sdelay $0x1  }
0x1bb: {  	[tilespmem:v43+s26+$0x0] =	vst.idx.msk $0xffff, v41  }
0x1bc: {  	v41 =	vld.idx.msk [tilespmem:v60+s22+$0x0], $0xffff  }
0x1bd: {  	v43 =	vld.idx.msk [tilespmem:v61+s12+$0x0], $0xffff;
	_ =	sdelay $0x4  }
0x1be: {  	v62 =	vor.u32 s5, v4;
	v41 =	vadd.f32 v43, v41  }
0x1bf: {  	v63 =	vor.u32 v5, v58  }
0x1c0: {  	v41 =	vmul.f32 $8.000000000e+00, v41;
	_ =	sdelay $0x1  }
0x1c1: {  	[tilespmem:v61+s26+$0x0] =	vst.idx.msk $0xffff, v41  }
0x1c2: {  	v41 =	vld.idx.msk [tilespmem:v62+s22+$0x0], $0xffff  }
0x1c3: {  	v48 =	vld.idx.msk [tilespmem:v63+s12+$0x0], $0xffff;
	_ =	sdelay $0x1  }
0x1c4: {  	(v2sf) =	vpush v40, $0xE  }
0x1c5: {  	(v2sf) =	vpush v40, $0x7;
	_ =	sdelay $0x1  }
0x1c6: {  	v49 =	vor.u32 s5, v6;
	v41 =	vadd.f32 v48, v41  }
0x1c7: {  	v42 =	vor.u32 v7, v58  }
0x1c8: {  	v41 =	vmul.f32 $8.000000000e+00, v41;
	_ =	sdelay $0x1  }
0x1c9: {  	[tilespmem:v63+s26+$0x0] =	vst.idx.msk $0xffff, v41  }
0x1ca: {  	v41 =	vld.idx.msk [tilespmem:v49+s22+$0x0], $0xffff  }
0x1cb: {  	v50 =	vld.idx.msk [tilespmem:v42+s12+$0x0], $0xffff;
	_ =	sdelay $0x4  }
0x1cc: {  	v41 =	vadd.f32 v50, v41  }
0x1cd: {  	v51 =	vmov s4;
	s5 =	spop (v2sf)  }
0x1ce: {  	v52 =	vshll.u32 v51, $0x3;
	s10 =	spop (v2sf);
	v41 =	vmul.f32 $8.000000000e+00, v41  }
0x1cf: {  	v44 =	vand.u32 $0x400, v52;
	s5 =	sand.u32 $0xFFFFF80, s5;
	s10 =	sand.u32 $0x7F, s10;
	v43 =	vand.u32 $0x7F, v51  }
0x1d0: {  	s5 =	sadd.s32 s0, s5;
	v53 =	vor.u32 s10, v0;
	v54 =	vor.u32 v43, v44;
	[tilespmem:v42+s26+$0x0] =	vst.idx.msk $0xffff, v41  }
0x1d1: {  	v43 =	vor.u32 v1, v54;
	[tilespmem:s22], [sflag:$0x7] =	stream.strided.gather [hbm4b:s5+s13], $0x2000, s15, s13, $0x38;
	[tilespmem:$0x18180] =	vst v63  }
0x1d2: {  	_ =	swait.ge [sflag:s2], $0x2000  }
0x1d3: {  	[sflag:s2] =	ssyncset.done $0x0  }
0x1d4: {  	[sflag:s2] =	ssyncadd.s32 $0xFFFFE000  }
0x1d5: {  	v41 =	vld.idx.msk [tilespmem:v53+s23+$0x0], $0xffff  }
0x1d6: {  	v55 =	vld.idx.msk [tilespmem:v43+s12+$0x0], $0xffff;
	_ =	sdelay $0x4  }
0x1d7: {  	v56 =	vor.u32 s10, v2;
	v41 =	vadd.f32 v55, v41  }
0x1d8: {  	v57 =	vor.u32 v3, v54  }
0x1d9: {  	v41 =	vmul.f32 $8.000000000e+00, v41;
	_ =	sdelay $0x1  }
0x1da: {  	[tilespmem:v43+s26+$0x0] =	vst.idx.msk $0xffff, v41  }
0x1db: {  	v41 =	vld.idx.msk [tilespmem:v56+s23+$0x0], $0xffff  }
0x1dc: {  	v43 =	vld.idx.msk [tilespmem:v57+s12+$0x0], $0xffff;
	_ =	sdelay $0x4  }
0x1dd: {  	v58 =	vor.u32 s10, v4;
	v41 =	vadd.f32 v43, v41  }
0x1de: {  	v59 =	vor.u32 v5, v54  }
0x1df: {  	v41 =	vmul.f32 $8.000000000e+00, v41;
	_ =	sdelay $0x1  }
0x1e0: {  	[tilespmem:v57+s26+$0x0] =	vst.idx.msk $0xffff, v41  }
0x1e1: {  	v41 =	vld.idx.msk [tilespmem:v58+s23+$0x0], $0xffff  }
0x1e2: {  	v60 =	vld.idx.msk [tilespmem:v59+s12+$0x0], $0xffff;
	_ =	sdelay $0x2  }
0x1e3: {  	(v2sf) =	vpush v40, $0xF;
	_ =	sdelay $0x1  }
0x1e4: {  	v62 =	vor.u32 s10, v6;
	v61 =	vadd.f32 v60, v41  }
0x1e5: {  	v42 =	vor.u32 v7, v54  }
0x1e6: {  	v40 =	vmul.f32 $8.000000000e+00, v61;
	_ =	sdelay $0x1  }
0x1e7: {  	[tilespmem:v59+s26+$0x0] =	vst.idx.msk $0xffff, v40  }
0x1e8: {  	v40 =	vld.idx.msk [tilespmem:v62+s23+$0x0], $0xffff  }
0x1e9: {  	v63 =	vld.idx.msk [tilespmem:v42+s12+$0x0], $0xffff;
	_ =	sdelay $0x4  }
0x1ea: {  	p0 =	sne.s32 s4, $0xF7;
	v40 =	vadd.f32 v63, v40  }
.Ltmp0:
0x1eb: {  	_ = 	snop;
	(pc) =	sbr.rel @p0 .LBB2_2-.Ltmp0, $4  }
0x1ec: {  	s10 =	spop (v2sf);
	v40 =	vmul.f32 $8.000000000e+00, v40  }
0x1ed: {  	s5 =	sand.u32 $0xFFFFF80, s10  }
0x1ee: {  	s14 =	sadd.s32 $0x8, s14;
	s4 =	sadd.s32 $0x8, s4;
	s5 =	sadd.s32 s0, s5;
	[tilespmem:v42+s26+$0x0] =	vst.idx.msk $0xffff, v40  }
0x1ef: {  	[tilespmem:s23], [sflag:$0x8] =	stream.strided.gather [hbm4b:s5+s13], $0x2000, s15, s13, $0x38;
	[tilespmem:$0x18180] =	vst v63  }
0x1f0: {  	v40 =	vld [tilespmem:$0xF8];
	_ =	sdelay $0x4  }
0x1f1: {  	(v2sf) =	vpush v40, $0x0;
	_ =	sdelay $0xe  }
0x1f2: {  	s4 =	spop (v2sf)  }
0x1f3: {  	s4 =	sand.u32 $0x7F, s4  }
0x1f4: {  	v41 =	vor.u32 s4, v0  }
0x1f5: {  	_ =	swait.ge [sflag:s25], $0x2000  }
0x1f6: {  	[sflag:s25] =	ssyncset.done $0x0  }
0x1f7: {  	[sflag:s25] =	ssyncadd.s32 $0xFFFFE000  }
0x1f8: {  	v42 =	vld.idx.msk [tilespmem:v8+s12+$0x0], $0xffff  }
0x1f9: {  	v41 =	vld.idx.msk [tilespmem:v41+s16+$0x0], $0xffff;
	_ =	sdelay $0x4  }
0x1fa: {  	v51 =	vor.u32 s4, v2;
	v41 =	vadd.f32 v42, v41;
	_ =	sdelay $0x1  }
0x1fb: {  	v41 =	vmul.f32 $8.000000000e+00, v41;
	_ =	sdelay $0x1  }
0x1fc: {  	[tilespmem:v8+s26+$0x0] =	vst.idx.msk $0xffff, v41  }
0x1fd: {  	v41 =	vld.idx.msk [tilespmem:v51+s16+$0x0], $0xffff  }
0x1fe: {  	v52 =	vld.idx.msk [tilespmem:v9+s12+$0x0], $0xffff;
	_ =	sdelay $0x4  }
0x1ff: {  	v53 =	vor.u32 s4, v4;
	v41 =	vadd.f32 v52, v41;
	_ =	sdelay $0x1  }
0x200: {  	v41 =	vmul.f32 $8.000000000e+00, v41;
	_ =	sdelay $0x1  }
0x201: {  	[tilespmem:v9+s26+$0x0] =	vst.idx.msk $0xffff, v41  }
0x202: {  	v41 =	vld.idx.msk [tilespmem:v53+s16+$0x0], $0xffff  }
0x203: {  	v54 =	vld.idx.msk [tilespmem:v10+s12+$0x0], $0xffff;
	_ =	sdelay $0x1  }
0x204: {  	(v2sf) =	vpush v40, $0x1;
	_ =	sdelay $0x2  }
0x205: {  	v55 =	vor.u32 s4, v6;
	v41 =	vadd.f32 v54, v41;
	_ =	sdelay $0x1  }
0x206: {  	v41 =	vmul.f32 $8.000000000e+00, v41;
	_ =	sdelay $0x1  }
0x207: {  	[tilespmem:v10+s26+$0x0] =	vst.idx.msk $0xffff, v41  }
0x208: {  	v41 =	vld.idx.msk [tilespmem:v55+s16+$0x0], $0xffff  }
0x209: {  	v56 =	vld.idx.msk [tilespmem:v11+s12+$0x0], $0xffff;
	_ =	sdelay $0x4  }
0x20a: {  	v41 =	vadd.f32 v56, v41  }
0x20b: {  	s14 =	spop (v2sf)  }
0x20c: {  	s4 =	sand.u32 $0x7F, s14;
	v41 =	vmul.f32 $8.000000000e+00, v41  }
0x20d: {  	v57 =	vor.u32 s4, v0  }
0x20e: {  	[tilespmem:v11+s26+$0x0] =	vst.idx.msk $0xffff, v41  }
0x20f: {  	_ =	swait.ge [sflag:s28], $0x2000  }
0x210: {  	[sflag:s28] =	ssyncset.done $0x0  }
0x211: {  	[sflag:s28] =	ssyncadd.s32 $0xFFFFE000  }
0x212: {  	v58 =	vld.idx.msk [tilespmem:v57+s17+$0x0], $0xffff  }
0x213: {  	v59 =	vld.idx.msk [tilespmem:v12+s12+$0x0], $0xffff;
	_ =	sdelay $0x4  }
0x214: {  	v60 =	vor.u32 s4, v2;
	v41 =	vadd.f32 v59, v58;
	_ =	sdelay $0x1  }
0x215: {  	v41 =	vmul.f32 $8.000000000e+00, v41;
	_ =	sdelay $0x1  }
0x216: {  	[tilespmem:v12+s26+$0x0] =	vst.idx.msk $0xffff, v41  }
0x217: {  	v41 =	vld.idx.msk [tilespmem:v60+s17+$0x0], $0xffff  }
0x218: {  	v61 =	vld.idx.msk [tilespmem:v13+s12+$0x0], $0xffff;
	_ =	sdelay $0x4  }
0x219: {  	v62 =	vor.u32 s4, v4;
	v41 =	vadd.f32 v61, v41;
	_ =	sdelay $0x1  }
0x21a: {  	v41 =	vmul.f32 $8.000000000e+00, v41;
	_ =	sdelay $0x1  }
0x21b: {  	[tilespmem:v13+s26+$0x0] =	vst.idx.msk $0xffff, v41  }
0x21c: {  	v41 =	vld.idx.msk [tilespmem:v62+s17+$0x0], $0xffff  }
0x21d: {  	v63 =	vld.idx.msk [tilespmem:v14+s12+$0x0], $0xffff;
	_ =	sdelay $0x1  }
0x21e: {  	(v2sf) =	vpush v40, $0x2;
	_ =	sdelay $0x2  }
0x21f: {  	v45 =	vor.u32 s4, v6;
	v41 =	vadd.f32 v63, v41;
	_ =	sdelay $0x1  }
0x220: {  	v41 =	vmul.f32 $8.000000000e+00, v41;
	_ =	sdelay $0x1  }
0x221: {  	[tilespmem:v14+s26+$0x0] =	vst.idx.msk $0xffff, v41  }
0x222: {  	v41 =	vld.idx.msk [tilespmem:v45+s17+$0x0], $0xffff  }
0x223: {  	v46 =	vld.idx.msk [tilespmem:v15+s12+$0x0], $0xffff;
	_ =	sdelay $0x4  }
0x224: {  	v41 =	vadd.f32 v46, v41  }
0x225: {  	s5 =	spop (v2sf)  }
0x226: {  	s4 =	sand.u32 $0x7F, s5;
	v41 =	vmul.f32 $8.000000000e+00, v41  }
0x227: {  	v47 =	vor.u32 s4, v0  }
0x228: {  	[tilespmem:v15+s26+$0x0] =	vst.idx.msk $0xffff, v41  }
0x229: {  	_ =	swait.ge [sflag:s29], $0x2000  }
0x22a: {  	[sflag:s29] =	ssyncset.done $0x0  }
0x22b: {  	[sflag:s29] =	ssyncadd.s32 $0xFFFFE000  }
0x22c: {  	v48 =	vld.idx.msk [tilespmem:v47+s18+$0x0], $0xffff  }
0x22d: {  	v49 =	vld.idx.msk [tilespmem:v16+s12+$0x0], $0xffff;
	_ =	sdelay $0x4  }
0x22e: {  	v50 =	vor.u32 s4, v2;
	v41 =	vadd.f32 v49, v48;
	_ =	sdelay $0x1  }
0x22f: {  	v41 =	vmul.f32 $8.000000000e+00, v41;
	_ =	sdelay $0x1  }
0x230: {  	[tilespmem:v16+s26+$0x0] =	vst.idx.msk $0xffff, v41  }
0x231: {  	v41 =	vld.idx.msk [tilespmem:v50+s18+$0x0], $0xffff  }
0x232: {  	v51 =	vld.idx.msk [tilespmem:v17+s12+$0x0], $0xffff;
	_ =	sdelay $0x4  }
0x233: {  	v52 =	vor.u32 s4, v4;
	v41 =	vadd.f32 v51, v41;
	_ =	sdelay $0x1  }
0x234: {  	v41 =	vmul.f32 $8.000000000e+00, v41;
	_ =	sdelay $0x1  }
0x235: {  	[tilespmem:v17+s26+$0x0] =	vst.idx.msk $0xffff, v41  }
0x236: {  	v41 =	vld.idx.msk [tilespmem:v52+s18+$0x0], $0xffff  }
0x237: {  	v53 =	vld.idx.msk [tilespmem:v18+s12+$0x0], $0xffff;
	_ =	sdelay $0x1  }
0x238: {  	(v2sf) =	vpush v40, $0x3;
	_ =	sdelay $0x2  }
0x239: {  	v54 =	vor.u32 s4, v6;
	v41 =	vadd.f32 v53, v41;
	_ =	sdelay $0x1  }
0x23a: {  	v41 =	vmul.f32 $8.000000000e+00, v41;
	_ =	sdelay $0x1  }
0x23b: {  	[tilespmem:v18+s26+$0x0] =	vst.idx.msk $0xffff, v41  }
0x23c: {  	v41 =	vld.idx.msk [tilespmem:v54+s18+$0x0], $0xffff  }
0x23d: {  	v55 =	vld.idx.msk [tilespmem:v19+s12+$0x0], $0xffff;
	_ =	sdelay $0x4  }
0x23e: {  	v41 =	vadd.f32 v55, v41  }
0x23f: {  	s10 =	spop (v2sf)  }
0x240: {  	s4 =	sand.u32 $0x7F, s10;
	v41 =	vmul.f32 $8.000000000e+00, v41  }
0x241: {  	v56 =	vor.u32 s4, v0  }
0x242: {  	[tilespmem:v19+s26+$0x0] =	vst.idx.msk $0xffff, v41  }
0x243: {  	_ =	swait.ge [sflag:s30], $0x2000  }
0x244: {  	[sflag:s30] =	ssyncset.done $0x0  }
0x245: {  	[sflag:s30] =	ssyncadd.s32 $0xFFFFE000  }
0x246: {  	v57 =	vld.idx.msk [tilespmem:v56+s19+$0x0], $0xffff  }
0x247: {  	v58 =	vld.idx.msk [tilespmem:v20+s12+$0x0], $0xffff;
	_ =	sdelay $0x4  }
0x248: {  	v59 =	vor.u32 s4, v2;
	v41 =	vadd.f32 v58, v57;
	_ =	sdelay $0x1  }
0x249: {  	v41 =	vmul.f32 $8.000000000e+00, v41;
	_ =	sdelay $0x1  }
0x24a: {  	[tilespmem:v20+s26+$0x0] =	vst.idx.msk $0xffff, v41  }
0x24b: {  	v41 =	vld.idx.msk [tilespmem:v59+s19+$0x0], $0xffff  }
0x24c: {  	v60 =	vld.idx.msk [tilespmem:v21+s12+$0x0], $0xffff;
	_ =	sdelay $0x4  }
0x24d: {  	v61 =	vor.u32 s4, v4;
	v41 =	vadd.f32 v60, v41;
	_ =	sdelay $0x1  }
0x24e: {  	v41 =	vmul.f32 $8.000000000e+00, v41;
	_ =	sdelay $0x1  }
0x24f: {  	[tilespmem:v21+s26+$0x0] =	vst.idx.msk $0xffff, v41  }
0x250: {  	v41 =	vld.idx.msk [tilespmem:v61+s19+$0x0], $0xffff  }
0x251: {  	v62 =	vld.idx.msk [tilespmem:v22+s12+$0x0], $0xffff;
	_ =	sdelay $0x1  }
0x252: {  	(v2sf) =	vpush v40, $0x4;
	_ =	sdelay $0x2  }
0x253: {  	v63 =	vor.u32 s4, v6;
	v41 =	vadd.f32 v62, v41;
	_ =	sdelay $0x1  }
0x254: {  	v41 =	vmul.f32 $8.000000000e+00, v41;
	_ =	sdelay $0x1  }
0x255: {  	[tilespmem:v22+s26+$0x0] =	vst.idx.msk $0xffff, v41  }
0x256: {  	v41 =	vld.idx.msk [tilespmem:v63+s19+$0x0], $0xffff  }
0x257: {  	v45 =	vld.idx.msk [tilespmem:v23+s12+$0x0], $0xffff;
	_ =	sdelay $0x4  }
0x258: {  	v41 =	vadd.f32 v45, v41  }
0x259: {  	s14 =	spop (v2sf)  }
0x25a: {  	s4 =	sand.u32 $0x7F, s14;
	v41 =	vmul.f32 $8.000000000e+00, v41  }
0x25b: {  	v46 =	vor.u32 s4, v0  }
0x25c: {  	[tilespmem:v23+s26+$0x0] =	vst.idx.msk $0xffff, v41  }
0x25d: {  	_ =	swait.ge [sflag:s31], $0x2000  }
0x25e: {  	[sflag:s31] =	ssyncset.done $0x0  }
0x25f: {  	[sflag:s31] =	ssyncadd.s32 $0xFFFFE000  }
0x260: {  	v47 =	vld.idx.msk [tilespmem:v46+s20+$0x0], $0xffff  }
0x261: {  	v48 =	vld.idx.msk [tilespmem:v24+s12+$0x0], $0xffff;
	_ =	sdelay $0x4  }
0x262: {  	v49 =	vor.u32 s4, v2;
	v41 =	vadd.f32 v48, v47;
	_ =	sdelay $0x1  }
0x263: {  	v41 =	vmul.f32 $8.000000000e+00, v41;
	_ =	sdelay $0x1  }
0x264: {  	[tilespmem:v24+s26+$0x0] =	vst.idx.msk $0xffff, v41  }
0x265: {  	v41 =	vld.idx.msk [tilespmem:v49+s20+$0x0], $0xffff  }
0x266: {  	v50 =	vld.idx.msk [tilespmem:v25+s12+$0x0], $0xffff;
	_ =	sdelay $0x4  }
0x267: {  	v51 =	vor.u32 s4, v4;
	v41 =	vadd.f32 v50, v41;
	_ =	sdelay $0x1  }
0x268: {  	v41 =	vmul.f32 $8.000000000e+00, v41;
	_ =	sdelay $0x1  }
0x269: {  	[tilespmem:v25+s26+$0x0] =	vst.idx.msk $0xffff, v41  }
0x26a: {  	v41 =	vld.idx.msk [tilespmem:v51+s20+$0x0], $0xffff  }
0x26b: {  	v52 =	vld.idx.msk [tilespmem:v26+s12+$0x0], $0xffff;
	_ =	sdelay $0x1  }
0x26c: {  	(v2sf) =	vpush v40, $0x5;
	_ =	sdelay $0x2  }
0x26d: {  	v53 =	vor.u32 s4, v6;
	v41 =	vadd.f32 v52, v41;
	_ =	sdelay $0x1  }
0x26e: {  	v41 =	vmul.f32 $8.000000000e+00, v41;
	_ =	sdelay $0x1  }
0x26f: {  	[tilespmem:v26+s26+$0x0] =	vst.idx.msk $0xffff, v41  }
0x270: {  	v41 =	vld.idx.msk [tilespmem:v53+s20+$0x0], $0xffff  }
0x271: {  	v54 =	vld.idx.msk [tilespmem:v27+s12+$0x0], $0xffff;
	_ =	sdelay $0x4  }
0x272: {  	v41 =	vadd.f32 v54, v41  }
0x273: {  	s5 =	spop (v2sf)  }
0x274: {  	s4 =	sand.u32 $0x7F, s5;
	v41 =	vmul.f32 $8.000000000e+00, v41  }
0x275: {  	v55 =	vor.u32 s4, v0  }
0x276: {  	[tilespmem:v27+s26+$0x0] =	vst.idx.msk $0xffff, v41  }
0x277: {  	_ =	swait.ge [sflag:s1], $0x2000  }
0x278: {  	[sflag:s1] =	ssyncset.done $0x0  }
0x279: {  	[sflag:s1] =	ssyncadd.s32 $0xFFFFE000  }
0x27a: {  	v56 =	vld.idx.msk [tilespmem:v55+s21+$0x0], $0xffff  }
0x27b: {  	v57 =	vld.idx.msk [tilespmem:v28+s12+$0x0], $0xffff;
	_ =	sdelay $0x4  }
0x27c: {  	v58 =	vor.u32 s4, v2;
	v41 =	vadd.f32 v57, v56;
	_ =	sdelay $0x1  }
0x27d: {  	v41 =	vmul.f32 $8.000000000e+00, v41;
	_ =	sdelay $0x1  }
0x27e: {  	[tilespmem:v28+s26+$0x0] =	vst.idx.msk $0xffff, v41  }
0x27f: {  	v41 =	vld.idx.msk [tilespmem:v58+s21+$0x0], $0xffff  }
0x280: {  	v59 =	vld.idx.msk [tilespmem:v29+s12+$0x0], $0xffff;
	_ =	sdelay $0x4  }
0x281: {  	v60 =	vor.u32 s4, v4;
	v41 =	vadd.f32 v59, v41;
	_ =	sdelay $0x1  }
0x282: {  	v41 =	vmul.f32 $8.000000000e+00, v41;
	_ =	sdelay $0x1  }
0x283: {  	[tilespmem:v29+s26+$0x0] =	vst.idx.msk $0xffff, v41  }
0x284: {  	v41 =	vld.idx.msk [tilespmem:v60+s21+$0x0], $0xffff  }
0x285: {  	v61 =	vld.idx.msk [tilespmem:v30+s12+$0x0], $0xffff;
	_ =	sdelay $0x1  }
0x286: {  	(v2sf) =	vpush v40, $0x6;
	_ =	sdelay $0x2  }
0x287: {  	v62 =	vor.u32 s4, v6;
	v41 =	vadd.f32 v61, v41;
	_ =	sdelay $0x1  }
0x288: {  	v41 =	vmul.f32 $8.000000000e+00, v41;
	_ =	sdelay $0x1  }
0x289: {  	[tilespmem:v30+s26+$0x0] =	vst.idx.msk $0xffff, v41  }
0x28a: {  	v41 =	vld.idx.msk [tilespmem:v62+s21+$0x0], $0xffff  }
0x28b: {  	v63 =	vld.idx.msk [tilespmem:v31+s12+$0x0], $0xffff;
	_ =	sdelay $0x4  }
0x28c: {  	v41 =	vadd.f32 v63, v41  }
0x28d: {  	s10 =	spop (v2sf)  }
0x28e: {  	s4 =	sand.u32 $0x7F, s10;
	v41 =	vmul.f32 $8.000000000e+00, v41  }
0x28f: {  	v45 =	vor.u32 s4, v0  }
0x290: {  	[tilespmem:v31+s26+$0x0] =	vst.idx.msk $0xffff, v41  }
0x291: {  	_ =	swait.ge [sflag:s3], $0x2000  }
0x292: {  	[sflag:s3] =	ssyncset.done $0x0  }
0x293: {  	[sflag:s3] =	ssyncadd.s32 $0xFFFFE000  }
0x294: {  	v46 =	vld.idx.msk [tilespmem:v45+s22+$0x0], $0xffff  }
0x295: {  	v47 =	vld.idx.msk [tilespmem:v32+s12+$0x0], $0xffff;
	_ =	sdelay $0x4  }
0x296: {  	v48 =	vor.u32 s4, v2;
	v41 =	vadd.f32 v47, v46;
	_ =	sdelay $0x1  }
0x297: {  	v41 =	vmul.f32 $8.000000000e+00, v41;
	_ =	sdelay $0x1  }
0x298: {  	[tilespmem:v32+s26+$0x0] =	vst.idx.msk $0xffff, v41  }
0x299: {  	v41 =	vld.idx.msk [tilespmem:v48+s22+$0x0], $0xffff  }
0x29a: {  	v49 =	vld.idx.msk [tilespmem:v33+s12+$0x0], $0xffff;
	_ =	sdelay $0x4  }
0x29b: {  	v50 =	vor.u32 s4, v4;
	v41 =	vadd.f32 v49, v41;
	_ =	sdelay $0x1  }
0x29c: {  	v41 =	vmul.f32 $8.000000000e+00, v41;
	_ =	sdelay $0x1  }
0x29d: {  	[tilespmem:v33+s26+$0x0] =	vst.idx.msk $0xffff, v41  }
0x29e: {  	v41 =	vld.idx.msk [tilespmem:v50+s22+$0x0], $0xffff  }
0x29f: {  	v51 =	vld.idx.msk [tilespmem:v34+s12+$0x0], $0xffff;
	_ =	sdelay $0x1  }
0x2a0: {  	(v2sf) =	vpush v40, $0x7;
	_ =	sdelay $0x2  }
0x2a1: {  	v53 =	vor.u32 s4, v6;
	v52 =	vadd.f32 v51, v41;
	_ =	sdelay $0x1  }
0x2a2: {  	v40 =	vmul.f32 $8.000000000e+00, v52;
	_ =	sdelay $0x1  }
0x2a3: {  	[tilespmem:v34+s26+$0x0] =	vst.idx.msk $0xffff, v40  }
0x2a4: {  	v40 =	vld.idx.msk [tilespmem:v53+s22+$0x0], $0xffff  }
0x2a5: {  	v54 =	vld.idx.msk [tilespmem:v35+s12+$0x0], $0xffff;
	_ =	sdelay $0x4  }
0x2a6: {  	v40 =	vadd.f32 v54, v40  }
0x2a7: {  	s14 =	spop (v2sf)  }
0x2a8: {  	s4 =	sand.u32 $0x7F, s14;
	v40 =	vmul.f32 $8.000000000e+00, v40  }
0x2a9: {  	v55 =	vor.u32 s4, v0  }
0x2aa: {  	[tilespmem:v35+s26+$0x0] =	vst.idx.msk $0xffff, v40  }
0x2ab: {  	_ =	swait.ge [sflag:s2], $0x2000  }
0x2ac: {  	[sflag:s2] =	ssyncset.done $0x0  }
0x2ad: {  	[sflag:s2] =	ssyncadd.s32 $0xFFFFE000  }
0x2ae: {  	v56 =	vld.idx.msk [tilespmem:v55+s23+$0x0], $0xffff  }
0x2af: {  	v57 =	vld.idx.msk [tilespmem:v36+s12+$0x0], $0xffff;
	_ =	sdelay $0x4  }
0x2b0: {  	v58 =	vor.u32 s4, v2;
	v40 =	vadd.f32 v57, v56;
	_ =	sdelay $0x1  }
0x2b1: {  	v40 =	vmul.f32 $8.000000000e+00, v40;
	_ =	sdelay $0x1  }
0x2b2: {  	[tilespmem:v36+s26+$0x0] =	vst.idx.msk $0xffff, v40  }
0x2b3: {  	v40 =	vld.idx.msk [tilespmem:v58+s23+$0x0], $0xffff  }
0x2b4: {  	v59 =	vld.idx.msk [tilespmem:v37+s12+$0x0], $0xffff;
	_ =	sdelay $0x4  }
0x2b5: {  	v60 =	vor.u32 s4, v4;
	v40 =	vadd.f32 v59, v40;
	_ =	sdelay $0x1  }
0x2b6: {  	v40 =	vmul.f32 $8.000000000e+00, v40;
	_ =	sdelay $0x1  }
0x2b7: {  	[tilespmem:v37+s26+$0x0] =	vst.idx.msk $0xffff, v40  }
0x2b8: {  	v40 =	vld.idx.msk [tilespmem:v60+s23+$0x0], $0xffff  }
0x2b9: {  	v61 =	vld.idx.msk [tilespmem:v38+s12+$0x0], $0xffff;
	_ =	sdelay $0x4  }
0x2ba: {  	v62 =	vor.u32 s4, v6;
	v40 =	vadd.f32 v61, v40;
	_ =	sdelay $0x1  }
0x2bb: {  	v40 =	vmul.f32 $8.000000000e+00, v40;
	_ =	sdelay $0x1  }
0x2bc: {  	[tilespmem:v38+s26+$0x0] =	vst.idx.msk $0xffff, v40  }
0x2bd: {  	v40 =	vld.idx.msk [tilespmem:v62+s23+$0x0], $0xffff  }
0x2be: {  	v63 =	vld.idx.msk [tilespmem:v39+s12+$0x0], $0xffff;
	_ =	sdelay $0x4  }
0x2bf: {  	v40 =	vadd.f32 v63, v40;
	_ =	sdelay $0x1  }
0x2c0: {  	s8 =	sadd.s32 $0x1, s8;
	v40 =	vmul.f32 $8.000000000e+00, v40  }
0x2c1: {  	p0 =	sne.s32 s8, s7  }
.Ltmp1:
0x2c2: {  	s14 =	simm.s32 $0x800;
	[tilespmem:v39+s26+$0x0] =	vst.idx.msk $0xffff, v40;
	(pc) =	sbr.rel @p0 .LBB2_1-.Ltmp1, $4  }
0x2c3: {  	[hbm4b:s6+s14] =	stream.strided.scatter [tilespmem:s26], [sflag:$0xA], $0x4000, s11, s14, $0x38;
	[tilespmem:$0x18180] =	vst v63  }
0x2c4: {  	_ =	swait.ge [sflag:s9], $0x4000  }
0x2c5: {  	[sflag:s9] =	ssyncset.done $0x0  }
0x2c6: {  	[sflag:s9] =	ssyncadd.s32 $0xFFFFC000  }
0x2c7: {  	_ =	sfence.sel $0x180000  }
0x2c8: {  	[bflag:$0x0] =	sbarrier.arrive $0xFFFF  }
0x2c9: {  	_ =	strace $0x90000047  }
0x2ca: {  	s0 =	stileid.u32;
	[bflag:$0x2] =	sbarrier.arrive $0xFFFF  }
0x2cb: {  	p0 =	sne.s32 s0, $0x0;
	s0 =	rddreg [dreg:$0x4]  }
0x2cc: {  	s0 =	sadd.s32 @!p0 $0x100000, s0  }
0x2cd: {  	[sflag:s0] =	ssyncadd.tile.s32 @!p0 $0x1;
	_ =	shalt  }
.Lfunc_end2:
_tile_overlayer_lowered:
.L_overlay_start_2:
0x2ce: {  	(tag) =	ssettag $0x2  }
0x2cf: {  	s0 =	rddreg [dreg:$0x0];
	s2 =	stileid.u32  }
0x2d0: {  	s1 =	rddreg [dreg:$0x1];
	p0 =	sne.s32 s2, $0x0  }
0x2d1: {  	s3 =	rddreg [dreg:$0x2];
	[bflag:$0x3] =	sbarrier.arrive $0xFFFF;
	s2 =	simm.s32 @!p0 $0x1C0A  }
0x2d2: {  	[timem:s3], [sflag:s2] =	dma.local @!p0 [hbm:s0], s1  }
0x2d3: {  	s0 =	simm.s32 @!p0 $0xA  }
0x2d4: {  	_ =	swait.ge @!p0 [sflag:s0], s1  }
0x2d5: {  	s1 =	ssub.s32 @!p0 $0x0, s1;
	[sflag:s0] =	ssyncset.done @!p0 $0x0  }
0x2d6: {  	[sflag:s0] =	ssyncadd.s32 @!p0 s1  }
0x2d7: {  	[bflag:$0x3] =	sbarrier.arrive $0xFFFF  }
0x2d8: {  	_ =	shalt  }

</sc_bundles>
